<compile_context>
chip_gen: v7x
topology: tpu7x:2x2x1
jax: 0.10.2.dev20260603
libtpu: 0.0.44.dev20260713+nightly
codegen_flags: <defaults>
</compile_context>

<pallas_src>
import functools

import numpy as np

import jax
import jax.numpy as jnp
from jax import lax
from jax.experimental import pallas as pl
from jax.experimental.pallas import tpu as pltpu
from jax.experimental.pallas import tpu_sc as plsc

N_NODES = 10000
NPAD = 10240
IN_DIM = 128
HID_DIM = 128
OUT_DIM = 64
N_EDGES = 320000

NC = 2
NS = 16
NW = NC * NS
EPW = 10368
E_PAD = NW * EPW
RING = 4
K = 48
CH = 216
IB = 8
NB = CH // IB
RPT = NPAD // NS

_SELU_ALPHA = 1.6732632423543772
_SELU_SCALE = 1.0507009873554805

_NPADDING = E_PAD - N_EDGES
_PAD_SRC = (np.arange(_NPADDING, dtype=np.int32) * 13) % N_NODES
_PAD_DST = (N_NODES
            + np.arange(_NPADDING, dtype=np.int32) % (NPAD - N_NODES))


def _mesh():
    return plsc.VectorSubcoreMesh(core_axis_name="c", subcore_axis_name="s")



KD = 128
CHD = EPW // KD


def _sc_degree(dst_r):

    @functools.partial(
        pl.kernel,
        out_type=jax.ShapeDtypeStruct((NC, NPAD), jnp.float32),
        mesh=_mesh(),
        scratch_types=[
            pltpu.VMEM((CHD, KD), jnp.int32),
            pltpu.VMEM((KD,), jnp.float32),
            pltpu.VMEM((RPT,), jnp.float32),
            pltpu.VMEM_SHARED((NPAD,), jnp.float32),
            pltpu.SemaphoreType.DMA,
            pltpu.SemaphoreType.DMA,
        ],
    )
    def deg_kernel(dst_hbm, out_hbm, dstv, onesv, zv, acc_sh, semA, semB):
        c = lax.axis_index("c")
        s = lax.axis_index("s")
        wid = s * NC + c

        def fill(i, _):
            zv[pl.ds(i * 16, 16)] = jnp.zeros((16,), jnp.float32)
            return 0

        lax.fori_loop(0, RPT // 16, fill, 0)
        for i in range(KD // 16):
            onesv[pl.ds(i * 16, 16)] = jnp.ones((16,), jnp.float32)
        pltpu.sync_copy(zv, acc_sh.at[pl.ds(s * RPT, RPT)])
        pltpu.sync_copy(dst_hbm.at[wid], dstv)
        plsc.subcore_barrier()
        pltpu.async_copy(onesv, acc_sh.at[dstv.at[0]], semA, add=True)

        def body(t, _):
            j = 2 * t
            pltpu.async_copy(onesv, acc_sh.at[dstv.at[j + 1]], semB, add=True)
            pltpu.make_async_copy(onesv, acc_sh.at[dstv.at[j]], semA).wait()
            pltpu.async_copy(onesv, acc_sh.at[dstv.at[j + 2]], semA, add=True)
            pltpu.make_async_copy(onesv, acc_sh.at[dstv.at[j + 1]],
                                  semB).wait()
            return 0

        lax.fori_loop(0, (CHD - 1) // 2, body, 0)
        pltpu.make_async_copy(onesv, acc_sh.at[dstv.at[CHD - 1]], semA).wait()
        plsc.subcore_barrier()
        pltpu.sync_copy(acc_sh.at[pl.ds(s * RPT, RPT)],
                        out_hbm.at[c, pl.ds(s * RPT, RPT)])

    return deg_kernel(dst_r)


def _sc_scatter(hs, src_r, dst_r, d, tc_tiling=True, stage=False):

    @functools.partial(
        pl.kernel,
        out_type=jax.ShapeDtypeStruct((NC, NPAD, d), jnp.float32),
        mesh=_mesh(),
        compiler_params=pltpu.CompilerParams(use_tc_tiling_on_sc=tc_tiling),
        scratch_types=(
            [pltpu.VMEM((2, IB, K), jnp.int32),
             pltpu.VMEM((2, IB, K), jnp.int32)]
            + [pltpu.VMEM((K, d), jnp.float32) for _ in range(RING)]
            + [pltpu.VMEM_SHARED((NPAD, d), jnp.float32)]
            + [pltpu.SemaphoreType.DMA for _ in range(2 * RING + 1)]
            + ([pltpu.VMEM_SHARED((N_NODES, d), jnp.float32)] if stage
               else [])
        ),
    )
    def scat_kernel(hs_hbm, src_hbm, dst_hbm, out_hbm, *scr):
        sib, dib = scr[0], scr[1]
        rows = scr[2:2 + RING]
        acc_sh = scr[2 + RING]
        semg = scr[3 + RING:3 + 2 * RING]
        semsc = scr[3 + 2 * RING:3 + 3 * RING]
        semi = scr[3 + 3 * RING]
        c = lax.axis_index("c")
        s = lax.axis_index("s")
        wid = s * NC + c
        if stage:
            table = scr[4 + 3 * RING]
            nrows = N_NODES // NS
            pltpu.sync_copy(hs_hbm.at[pl.ds(s * nrows, nrows)],
                            table.at[pl.ds(s * nrows, nrows)])
            gsrc = table
        else:
            gsrc = hs_hbm

        def zfill(r, _):
            for i in range(d // 16):
                rows[0][r, pl.ds(i * 16, 16)] = jnp.zeros((16,), jnp.float32)
            return 0

        lax.fori_loop(0, K, zfill, 0)
        for i in range(RPT // K):
            pltpu.sync_copy(rows[0], acc_sh.at[pl.ds(s * RPT + i * K, K)])
        if RPT % K:
            pltpu.sync_copy(
                rows[0].at[pl.ds(0, RPT % K)],
                acc_sh.at[pl.ds(s * RPT + (RPT // K) * K, RPT % K)])
        pltpu.sync_copy(src_hbm.at[wid, 0], sib.at[0])
        pltpu.sync_copy(dst_hbm.at[wid, 0], dib.at[0])
        plsc.subcore_barrier()
        for i in range(RING - 1):
            pltpu.async_copy(gsrc.at[sib.at[0, i]], rows[i], semg[i])

        def body(b, _):
            p = lax.rem(b, 2)

            @pl.when(b < NB - 1)
            def _():
                pltpu.async_copy(src_hbm.at[wid, b + 1], sib.at[1 - p], semi)
                pltpu.async_copy(dst_hbm.at[wid, b + 1], dib.at[1 - p], semi)

            for ch in range(IB):
                m = ch % RING
                pltpu.make_async_copy(gsrc.at[sib.at[p, ch]],
                                      rows[m], semg[m]).wait()
                pltpu.async_copy(rows[m], acc_sh.at[dib.at[p, ch]],
                                 semsc[m], add=True)
                if ch == 0:
                    @pl.when(b > 0)
                    def _():
                        pltpu.make_async_copy(
                            rows[(IB - 1) % RING],
                            acc_sh.at[dib.at[1 - p, IB - 1]],
                            semsc[(IB - 1) % RING]).wait()
                else:
                    pltpu.make_async_copy(
                        rows[(ch - 1) % RING], acc_sh.at[dib.at[p, ch - 1]],
                        semsc[(ch - 1) % RING]).wait()
                la = ch + RING - 1
                if la < IB:
                    pltpu.async_copy(gsrc.at[sib.at[p, la]],
                                     rows[la % RING], semg[la % RING])
                elif la == IB:
                    @pl.when(b < NB - 1)
                    def _():
                        pltpu.make_async_copy(src_hbm.at[wid, b + 1],
                                              sib.at[1 - p], semi).wait()
                        pltpu.make_async_copy(dst_hbm.at[wid, b + 1],
                                              dib.at[1 - p], semi).wait()
                        pltpu.async_copy(gsrc.at[sib.at[1 - p, 0]],
                                         rows[la % RING], semg[la % RING])
                else:
                    @pl.when(b < NB - 1)
                    def _():
                        pltpu.async_copy(gsrc.at[sib.at[1 - p, la - IB]],
                                         rows[la % RING], semg[la % RING])
            return 0

        lax.fori_loop(0, NB, body, 0)
        pltpu.make_async_copy(rows[(IB - 1) % RING],
                              acc_sh.at[dib.at[(NB - 1) % 2, IB - 1]],
                              semsc[(IB - 1) % RING]).wait()
        plsc.subcore_barrier()
        pltpu.sync_copy(acc_sh.at[pl.ds(s * RPT, RPT)],
                        out_hbm.at[c, pl.ds(s * RPT, RPT)])

    return scat_kernel(hs, src_r, dst_r)



def _tc1_body(x_ref, w_ref, degt_ref, hs_ref, dinv_ref):
    deg = degt_ref[:N_NODES, 0:1] + degt_ref[:N_NODES, 1:2] + 1.0
    dinv = lax.rsqrt(deg)
    h = jnp.dot(x_ref[...], w_ref[...], preferred_element_type=jnp.float32)
    hs_ref[...] = dinv * h
    dinv_ref[...] = dinv


def _tc2_body(p_ref, hs1_ref, dinv_ref, b1_ref, w2_ref, hs2_ref):
    dinv = dinv_ref[...]
    z = dinv * (p_ref[0, :N_NODES, :] + p_ref[1, :N_NODES, :] + hs1_ref[...])
    z = z + b1_ref[...]
    a = _SELU_SCALE * jnp.where(z > 0, z, _SELU_ALPHA * (jnp.exp(z) - 1.0))
    h2 = jnp.dot(a, w2_ref[...], preferred_element_type=jnp.float32)
    hs2_ref[...] = dinv * h2


def _tc3_body(q_ref, hs2_ref, dinv_ref, b2_ref, out_ref):
    z = dinv_ref[...] * (q_ref[0, :N_NODES, :] + q_ref[1, :N_NODES, :]
                         + hs2_ref[...])
    out_ref[...] = z + b2_ref[...]


def kernel(x, edge_index, W1, b1, W2, b2):
    ei = edge_index.astype(jnp.int32)
    src_full = jnp.concatenate([ei[0], jnp.asarray(_PAD_SRC)])
    dst_full = jnp.concatenate([ei[1], jnp.asarray(_PAD_DST)])
    dst_r = dst_full.reshape(NW, CHD, KD)
    src_rb = src_full.reshape(NW, NB, IB, K)
    dst_rb = dst_full.reshape(NW, NB, IB, K)

    deg_p = _sc_degree(dst_r)
    degt = deg_p.T

    hs1, dinv = pl.pallas_call(
        _tc1_body,
        out_shape=(jax.ShapeDtypeStruct((N_NODES, HID_DIM), jnp.float32),
                   jax.ShapeDtypeStruct((N_NODES, 1), jnp.float32)),
    )(x, W1, degt)

    p = _sc_scatter(hs1, src_rb, dst_rb, HID_DIM)

    hs2 = pl.pallas_call(
        _tc2_body,
        out_shape=jax.ShapeDtypeStruct((N_NODES, OUT_DIM), jnp.float32),
    )(p, hs1, dinv, b1.reshape(1, HID_DIM), W2)

    q = _sc_scatter(hs2, src_rb, dst_rb, OUT_DIM, tc_tiling=False,
                    stage=True)

    out = pl.pallas_call(
        _tc3_body,
        out_shape=jax.ShapeDtypeStruct((N_NODES, OUT_DIM), jnp.float32),
    )(q, hs2, dinv, b2.reshape(1, OUT_DIM))
    return out

# --- scband reference (transcript-rebuilt; emitter-appended) ---
"""Pipeline reference for scband-graph-encoder-25374666785386 (READ-ONLY COPY).

The authoritative reference and input builder live on the scoring server;
editing this copy changes nothing except your own understanding.
"""

import jax, jax.numpy as jnp
import numpy as np

N_NODES = 10000
IN_DIM = 128
HID_DIM = 128
OUT_DIM = 64
N_EDGES = 320000


def _glorot(key, shape):
    fan_in, fan_out = shape[0], shape[1]
    limit = jnp.sqrt(6.0 / (fan_in + fan_out))
    return jax.random.uniform(key, shape, minval=-limit, maxval=limit, dtype=jnp.float32)


def setup_inputs(seed: int = 0) -> dict:
    key = jax.random.key(seed)
    k_x, k_e, k_w1, k_w2 = jax.random.split(key, 4)
    x = jax.random.normal(k_x, (N_NODES, IN_DIM), dtype=jnp.float32)
    edge_index = jax.random.randint(k_e, (2, N_EDGES), 0, N_NODES, dtype=jnp.int64)
    W1 = _glorot(k_w1, (IN_DIM, HID_DIM))
    b1 = jnp.zeros((HID_DIM,), dtype=jnp.float32)
    W2 = _glorot(k_w2, (HID_DIM, OUT_DIM))
    b2 = jnp.zeros((OUT_DIM,), dtype=jnp.float32)
    return {"x": x, "edge_index": edge_index, "W1": W1, "b1": b1, "W2": W2, "b2": b2}


def gcn_conv(x, edge_index, W, b, num_nodes):
    # x' = D^{-1/2} (A + I) D^{-1/2} X W + b  (PyG GCNConv with normalize=True)
    h = x @ W
    src = edge_index[0]
    dst = edge_index[1]
    loop = jnp.arange(num_nodes, dtype=src.dtype)
    src = jnp.concatenate([src, loop])
    dst = jnp.concatenate([dst, loop])
    ew = jnp.ones(src.shape[0], dtype=h.dtype)
    deg = jnp.zeros((num_nodes,), dtype=h.dtype).at[dst].add(ew)
    deg_inv_sqrt = jnp.where(deg > 0, jax.lax.rsqrt(jnp.maximum(deg, 1e-12)), 0.0)
    norm = deg_inv_sqrt[src] * ew * deg_inv_sqrt[dst]
    msg = h[src] * norm[:, None]
    out = jnp.zeros((num_nodes, h.shape[1]), dtype=h.dtype).at[dst].add(msg)
    return out + b


def reference(x, edge_index, W1, b1, W2, b2):
    # GraphEncoder.forward (eval mode: dropout p=0.0 is a no-op; variational=False)
    h = gcn_conv(x, edge_index, W1, b1, N_NODES)
    h = jax.nn.selu(h)
    out = gcn_conv(h, edge_index, W2, b2, N_NODES)
    return out

if __name__ == "__main__":
    import jax
    _d = setup_inputs()
    print(jax.jit(kernel)(*tuple(_d.values())))

</pallas_src>

<mosaic_0001>
#map = affine_map<(d0, d1) -> (0, 0)>
#map1 = affine_map<(d0, d1) -> (0, 0, 0, 0)>
#map2 = affine_map<(d0, d1) -> (0, 0, 0)>
module attributes {stable_mosaic.version = 14 : i64} {
  func.func @scat_kernel(%arg0: i32, %arg1: i32, %arg2: memref<10000x128xf32, #tpu.memory_space<hbm>>, %arg3: memref<32x27x8x48xi32, #tpu.memory_space<hbm>>, %arg4: memref<32x27x8x48xi32, #tpu.memory_space<hbm>>, %arg5: memref<2x10240x128xf32, #tpu.memory_space<hbm>>, %arg6: memref<2x8x48xi32, #tpu.memory_space<vmem>>, %arg7: memref<2x8x48xi32, #tpu.memory_space<vmem>>, %arg8: memref<48x128xf32, #tpu.memory_space<vmem>>, %arg9: memref<48x128xf32, #tpu.memory_space<vmem>>, %arg10: memref<48x128xf32, #tpu.memory_space<vmem>>, %arg11: memref<48x128xf32, #tpu.memory_space<vmem>>, %arg12: memref<10240x128xf32, #tpu.memory_space<vmem_shared>>, %arg13: memref<!tpu.dma_semaphore, #tpu.memory_space<semaphore_mem>>, %arg14: memref<!tpu.dma_semaphore, #tpu.memory_space<semaphore_mem>>, %arg15: memref<!tpu.dma_semaphore, #tpu.memory_space<semaphore_mem>>, %arg16: memref<!tpu.dma_semaphore, #tpu.memory_space<semaphore_mem>>, %arg17: memref<!tpu.dma_semaphore, #tpu.memory_space<semaphore_mem>>, %arg18: memref<!tpu.dma_semaphore, #tpu.memory_space<semaphore_mem>>, %arg19: memref<!tpu.dma_semaphore, #tpu.memory_space<semaphore_mem>>, %arg20: memref<!tpu.dma_semaphore, #tpu.memory_space<semaphore_mem>>, %arg21: memref<!tpu.dma_semaphore, #tpu.memory_space<semaphore_mem>>) attributes {dimension_semantics = [#tpu.dimension_semantics<core_parallel>, #tpu.dimension_semantics<subcore_parallel>], iteration_bounds = array<i64: 2, 16>, scalar_prefetch = 0 : i64, scratch_operands = 16 : i64, tpu.core_type = #tpu.core_type<sc_vector_subcore>, window_params = [{transform_indices = #map}, {transform_indices = #map1}, {transform_indices = #map1}, {transform_indices = #map2}]} {
    %mul3A = arith.constant 2 : i32
    %mul3A_0 = arith.muli %arg1, %mul3A : i32
    %add3A = arith.addi %mul3A_0, %arg0 : i32
    %scan3A = arith.constant 0 : i32
    %scan3A_1 = arith.constant 0 : i32
    %scan3A_2 = arith.constant 48 : i32
    %scan3A_3 = arith.addi %scan3A_1, %scan3A_2 : i32
    %scan3A_4 = arith.constant 1 : i32
    %scan3A_5 = scf.for %scan3A_108 = %scan3A_1 to %scan3A_3 step %scan3A_4 iter_args(%scan3A_109 = %scan3A) -> (i32)  : i32 {
      %broadcast_in_dim3A = arith.constant 0.000000e+00 : f32
      %broadcast_in_dim3A_110 = vector.broadcast %broadcast_in_dim3A : f32 to vector<16xf32>
      %swap3A = arith.index_cast %scan3A_108 : i32 to index
      %swap3A_111 = arith.constant 0 : index
      %swap3A_112 = tpu.vector_load %arg8[%swap3A, %swap3A_111] {strides = array<i32>} : memref<48x128xf32, #tpu.memory_space<vmem>>, vector<1x16xf32>,
      %swap3A_113 = vector.shape_cast %swap3A_112 : vector<1x16xf32> to vector<16xf32>
      %swap3A_114 = vector.shape_cast %broadcast_in_dim3A_110 : vector<16xf32> to vector<1x16xf32>
      tpu.vector_store %arg8[%swap3A, %swap3A_111], %swap3A_114 {strides = array<i32>} : memref<48x128xf32, #tpu.memory_space<vmem>>, vector<1x16xf32>,
      %broadcast_in_dim3A_115 = arith.constant 0.000000e+00 : f32
      %broadcast_in_dim3A_116 = vector.broadcast %broadcast_in_dim3A_115 : f32 to vector<16xf32>
      %swap3A_117 = arith.index_cast %scan3A_108 : i32 to index
      %swap3A_118 = arith.constant 16 : index
      %swap3A_119 = tpu.vector_load %arg8[%swap3A_117, %swap3A_118] {strides = array<i32>} : memref<48x128xf32, #tpu.memory_space<vmem>>, vector<1x16xf32>,
      %swap3A_120 = vector.shape_cast %swap3A_119 : vector<1x16xf32> to vector<16xf32>
      %swap3A_121 = vector.shape_cast %broadcast_in_dim3A_116 : vector<16xf32> to vector<1x16xf32>
      tpu.vector_store %arg8[%swap3A_117, %swap3A_118], %swap3A_121 {strides = array<i32>} : memref<48x128xf32, #tpu.memory_space<vmem>>, vector<1x16xf32>,
      %broadcast_in_dim3A_122 = arith.constant 0.000000e+00 : f32
      %broadcast_in_dim3A_123 = vector.broadcast %broadcast_in_dim3A_122 : f32 to vector<16xf32>
      %swap3A_124 = arith.index_cast %scan3A_108 : i32 to index
      %swap3A_125 = arith.constant 32 : index
      %swap3A_126 = tpu.vector_load %arg8[%swap3A_124, %swap3A_125] {strides = array<i32>} : memref<48x128xf32, #tpu.memory_space<vmem>>, vector<1x16xf32>,
      %swap3A_127 = vector.shape_cast %swap3A_126 : vector<1x16xf32> to vector<16xf32>
      %swap3A_128 = vector.shape_cast %broadcast_in_dim3A_123 : vector<16xf32> to vector<1x16xf32>
      tpu.vector_store %arg8[%swap3A_124, %swap3A_125], %swap3A_128 {strides = array<i32>} : memref<48x128xf32, #tpu.memory_space<vmem>>, vector<1x16xf32>,
      %broadcast_in_dim3A_129 = arith.constant 0.000000e+00 : f32
      %broadcast_in_dim3A_130 = vector.broadcast %broadcast_in_dim3A_129 : f32 to vector<16xf32>
      %swap3A_131 = arith.index_cast %scan3A_108 : i32 to index
      %swap3A_132 = arith.constant 48 : index
      %swap3A_133 = tpu.vector_load %arg8[%swap3A_131, %swap3A_132] {strides = array<i32>} : memref<48x128xf32, #tpu.memory_space<vmem>>, vector<1x16xf32>,
      %swap3A_134 = vector.shape_cast %swap3A_133 : vector<1x16xf32> to vector<16xf32>
      %swap3A_135 = vector.shape_cast %broadcast_in_dim3A_130 : vector<16xf32> to vector<1x16xf32>
      tpu.vector_store %arg8[%swap3A_131, %swap3A_132], %swap3A_135 {strides = array<i32>} : memref<48x128xf32, #tpu.memory_space<vmem>>, vector<1x16xf32>,
      %broadcast_in_dim3A_136 = arith.constant 0.000000e+00 : f32
      %broadcast_in_dim3A_137 = vector.broadcast %broadcast_in_dim3A_136 : f32 to vector<16xf32>
      %swap3A_138 = arith.index_cast %scan3A_108 : i32 to index
      %swap3A_139 = arith.constant 64 : index
      %swap3A_140 = tpu.vector_load %arg8[%swap3A_138, %swap3A_139] {strides = array<i32>} : memref<48x128xf32, #tpu.memory_space<vmem>>, vector<1x16xf32>,
      %swap3A_141 = vector.shape_cast %swap3A_140 : vector<1x16xf32> to vector<16xf32>
      %swap3A_142 = vector.shape_cast %broadcast_in_dim3A_137 : vector<16xf32> to vector<1x16xf32>
      tpu.vector_store %arg8[%swap3A_138, %swap3A_139], %swap3A_142 {strides = array<i32>} : memref<48x128xf32, #tpu.memory_space<vmem>>, vector<1x16xf32>,
      %broadcast_in_dim3A_143 = arith.constant 0.000000e+00 : f32
      %broadcast_in_dim3A_144 = vector.broadcast %broadcast_in_dim3A_143 : f32 to vector<16xf32>
      %swap3A_145 = arith.index_cast %scan3A_108 : i32 to index
      %swap3A_146 = arith.constant 80 : index
      %swap3A_147 = tpu.vector_load %arg8[%swap3A_145, %swap3A_146] {strides = array<i32>} : memref<48x128xf32, #tpu.memory_space<vmem>>, vector<1x16xf32>,
      %swap3A_148 = vector.shape_cast %swap3A_147 : vector<1x16xf32> to vector<16xf32>
      %swap3A_149 = vector.shape_cast %broadcast_in_dim3A_144 : vector<16xf32> to vector<1x16xf32>
      tpu.vector_store %arg8[%swap3A_145, %swap3A_146], %swap3A_149 {strides = array<i32>} : memref<48x128xf32, #tpu.memory_space<vmem>>, vector<1x16xf32>,
      %broadcast_in_dim3A_150 = arith.constant 0.000000e+00 : f32
      %broadcast_in_dim3A_151 = vector.broadcast %broadcast_in_dim3A_150 : f32 to vector<16xf32>
      %swap3A_152 = arith.index_cast %scan3A_108 : i32 to index
      %swap3A_153 = arith.constant 96 : index
      %swap3A_154 = tpu.vector_load %arg8[%swap3A_152, %swap3A_153] {strides = array<i32>} : memref<48x128xf32, #tpu.memory_space<vmem>>, vector<1x16xf32>,
      %swap3A_155 = vector.shape_cast %swap3A_154 : vector<1x16xf32> to vector<16xf32>
      %swap3A_156 = vector.shape_cast %broadcast_in_dim3A_151 : vector<16xf32> to vector<1x16xf32>
      tpu.vector_store %arg8[%swap3A_152, %swap3A_153], %swap3A_156 {strides = array<i32>} : memref<48x128xf32, #tpu.memory_space<vmem>>, vector<1x16xf32>,
      %broadcast_in_dim3A_157 = arith.constant 0.000000e+00 : f32
      %broadcast_in_dim3A_158 = vector.broadcast %broadcast_in_dim3A_157 : f32 to vector<16xf32>
      %swap3A_159 = arith.index_cast %scan3A_108 : i32 to index
      %swap3A_160 = arith.constant 112 : index
      %swap3A_161 = tpu.vector_load %arg8[%swap3A_159, %swap3A_160] {strides = array<i32>} : memref<48x128xf32, #tpu.memory_space<vmem>>, vector<1x16xf32>,
      %swap3A_162 = vector.shape_cast %swap3A_161 : vector<1x16xf32> to vector<16xf32>
      %swap3A_163 = vector.shape_cast %broadcast_in_dim3A_158 : vector<16xf32> to vector<1x16xf32>
      tpu.vector_store %arg8[%swap3A_159, %swap3A_160], %swap3A_163 {strides = array<i32>} : memref<48x128xf32, #tpu.memory_space<vmem>>, vector<1x16xf32>,
      %scan3A_164 = arith.constant 0 : i32
      scf.yield %scan3A_164 : i32
    }
    %scan3A_6 = arith.constant 48 : i32
    %mul3A_7 = arith.constant 640 : i32
    %mul3A_8 = arith.muli %arg1, %mul3A_7 : i32
    %add3A_9 = arith.constant 0 : i32
    %add3A_10 = arith.addi %mul3A_8, %add3A_9 : i32
    "tpu.region"() ({
      %run_scoped3A_108 = tpu.sem_alloc : memref<!tpu.dma_semaphore, #tpu.memory_space<semaphore_mem>>
      %dma_start3A_109 = arith.constant 0 : i32
      %dma_start3A_110 = tpu.memref_slice %arg12[%add3A_10, %dma_start3A_109] : memref<10240x128xf32, #tpu.memory_space<vmem_shared>> -> memref<48x128xf32, #tpu.memory_space<vmem_shared>>
      %dma_start3A_111 = arith.constant 0 : i32
      %dma_start3A_112 = tpu.memref_slice %arg12[%add3A_10, %dma_start3A_111] : memref<10240x128xf32, #tpu.memory_space<vmem_shared>> -> memref<48x128xf32, #tpu.memory_space<vmem_shared>>
      tpu.enqueue_dma source(%arg8 : memref<48x128xf32, #tpu.memory_space<vmem>>) target(%dma_start3A_112 : memref<48x128xf32, #tpu.memory_space<vmem_shared>>) target_semaphore(%run_scoped3A_108 : memref<!tpu.dma_semaphore, #tpu.memory_space<semaphore_mem>>)
      %dma_wait3A_113 = arith.constant 0 : i32
      %dma_wait3A_114 = tpu.memref_slice %arg12[%add3A_10, %dma_wait3A_113] : memref<10240x128xf32, #tpu.memory_space<vmem_shared>> -> memref<48x128xf32, #tpu.memory_space<vmem_shared>>
      %dma_wait3A_115 = arith.constant 0 : i32
      %dma_wait3A_116 = tpu.memref_slice %arg12[%add3A_10, %dma_wait3A_115] : memref<10240x128xf32, #tpu.memory_space<vmem_shared>> -> memref<48x128xf32, #tpu.memory_space<vmem_shared>>
      tpu.wait_dma2 semaphore(%run_scoped3A_108 : memref<!tpu.dma_semaphore, #tpu.memory_space<semaphore_mem>>) src(%arg8 : memref<48x128xf32, #tpu.memory_space<vmem>>) dst(%dma_wait3A_116 : memref<48x128xf32, #tpu.memory_space<vmem_shared>>)
      tpu.yield
    }) : () -> ()
    %mul3A_11 = arith.constant 640 : i32
    %mul3A_12 = arith.muli %arg1, %mul3A_11 : i32
    %add3A_13 = arith.constant 48 : i32
    %add3A_14 = arith.addi %mul3A_12, %add3A_13 : i32
    "tpu.region"() ({
      %run_scoped3A_108 = tpu.sem_alloc : memref<!tpu.dma_semaphore, #tpu.memory_space<semaphore_mem>>
      %dma_start3A_109 = arith.constant 0 : i32
      %dma_start3A_110 = tpu.memref_slice %arg12[%add3A_14, %dma_start3A_109] : memref<10240x128xf32, #tpu.memory_space<vmem_shared>> -> memref<48x128xf32, #tpu.memory_space<vmem_shared>>
      %dma_start3A_111 = arith.constant 0 : i32
      %dma_start3A_112 = tpu.memref_slice %arg12[%add3A_14, %dma_start3A_111] : memref<10240x128xf32, #tpu.memory_space<vmem_shared>> -> memref<48x128xf32, #tpu.memory_space<vmem_shared>>
      tpu.enqueue_dma source(%arg8 : memref<48x128xf32, #tpu.memory_space<vmem>>) target(%dma_start3A_112 : memref<48x128xf32, #tpu.memory_space<vmem_shared>>) target_semaphore(%run_scoped3A_108 : memref<!tpu.dma_semaphore, #tpu.memory_space<semaphore_mem>>)
      %dma_wait3A_113 = arith.constant 0 : i32
      %dma_wait3A_114 = tpu.memref_slice %arg12[%add3A_14, %dma_wait3A_113] : memref<10240x128xf32, #tpu.memory_space<vmem_shared>> -> memref<48x128xf32, #tpu.memory_space<vmem_shared>>
      %dma_wait3A_115 = arith.constant 0 : i32
      %dma_wait3A_116 = tpu.memref_slice %arg12[%add3A_14, %dma_wait3A_115] : memref<10240x128xf32, #tpu.memory_space<vmem_shared>> -> memref<48x128xf32, #tpu.memory_space<vmem_shared>>
      tpu.wait_dma2 semaphore(%run_scoped3A_108 : memref<!tpu.dma_semaphore, #tpu.memory_space<semaphore_mem>>) src(%arg8 : memref<48x128xf32, #tpu.memory_space<vmem>>) dst(%dma_wait3A_116 : memref<48x128xf32, #tpu.memory_space<vmem_shared>>)
      tpu.yield
    }) : () -> ()
    %mul3A_15 = arith.constant 640 : i32
    %mul3A_16 = arith.muli %arg1, %mul3A_15 : i32
    %add3A_17 = arith.constant 96 : i32
    %add3A_18 = arith.addi %mul3A_16, %add3A_17 : i32
    "tpu.region"() ({
      %run_scoped3A_108 = tpu.sem_alloc : memref<!tpu.dma_semaphore, #tpu.memory_space<semaphore_mem>>
      %dma_start3A_109 = arith.constant 0 : i32
      %dma_start3A_110 = tpu.memref_slice %arg12[%add3A_18, %dma_start3A_109] : memref<10240x128xf32, #tpu.memory_space<vmem_shared>> -> memref<48x128xf32, #tpu.memory_space<vmem_shared>>
      %dma_start3A_111 = arith.constant 0 : i32
      %dma_start3A_112 = tpu.memref_slice %arg12[%add3A_18, %dma_start3A_111] : memref<10240x128xf32, #tpu.memory_space<vmem_shared>> -> memref<48x128xf32, #tpu.memory_space<vmem_shared>>
      tpu.enqueue_dma source(%arg8 : memref<48x128xf32, #tpu.memory_space<vmem>>) target(%dma_start3A_112 : memref<48x128xf32, #tpu.memory_space<vmem_shared>>) target_semaphore(%run_scoped3A_108 : memref<!tpu.dma_semaphore, #tpu.memory_space<semaphore_mem>>)
      %dma_wait3A_113 = arith.constant 0 : i32
      %dma_wait3A_114 = tpu.memref_slice %arg12[%add3A_18, %dma_wait3A_113] : memref<10240x128xf32, #tpu.memory_space<vmem_shared>> -> memref<48x128xf32, #tpu.memory_space<vmem_shared>>
      %dma_wait3A_115 = arith.constant 0 : i32
      %dma_wait3A_116 = tpu.memref_slice %arg12[%add3A_18, %dma_wait3A_115] : memref<10240x128xf32, #tpu.memory_space<vmem_shared>> -> memref<48x128xf32, #tpu.memory_space<vmem_shared>>
      tpu.wait_dma2 semaphore(%run_scoped3A_108 : memref<!tpu.dma_semaphore, #tpu.memory_space<semaphore_mem>>) src(%arg8 : memref<48x128xf32, #tpu.memory_space<vmem>>) dst(%dma_wait3A_116 : memref<48x128xf32, #tpu.memory_space<vmem_shared>>)
      tpu.yield
    }) : () -> ()
    %mul3A_19 = arith.constant 640 : i32
    %mul3A_20 = arith.muli %arg1, %mul3A_19 : i32
    %add3A_21 = arith.constant 144 : i32
    %add3A_22 = arith.addi %mul3A_20, %add3A_21 : i32
    "tpu.region"() ({
      %run_scoped3A_108 = tpu.sem_alloc : memref<!tpu.dma_semaphore, #tpu.memory_space<semaphore_mem>>
      %dma_start3A_109 = arith.constant 0 : i32
      %dma_start3A_110 = tpu.memref_slice %arg12[%add3A_22, %dma_start3A_109] : memref<10240x128xf32, #tpu.memory_space<vmem_shared>> -> memref<48x128xf32, #tpu.memory_space<vmem_shared>>
      %dma_start3A_111 = arith.constant 0 : i32
      %dma_start3A_112 = tpu.memref_slice %arg12[%add3A_22, %dma_start3A_111] : memref<10240x128xf32, #tpu.memory_space<vmem_shared>> -> memref<48x128xf32, #tpu.memory_space<vmem_shared>>
      tpu.enqueue_dma source(%arg8 : memref<48x128xf32, #tpu.memory_space<vmem>>) target(%dma_start3A_112 : memref<48x128xf32, #tpu.memory_space<vmem_shared>>) target_semaphore(%run_scoped3A_108 : memref<!tpu.dma_semaphore, #tpu.memory_space<semaphore_mem>>)
      %dma_wait3A_113 = arith.constant 0 : i32
      %dma_wait3A_114 = tpu.memref_slice %arg12[%add3A_22, %dma_wait3A_113] : memref<10240x128xf32, #tpu.memory_space<vmem_shared>> -> memref<48x128xf32, #tpu.memory_space<vmem_shared>>
      %dma_wait3A_115 = arith.constant 0 : i32
      %dma_wait3A_116 = tpu.memref_slice %arg12[%add3A_22, %dma_wait3A_115] : memref<10240x128xf32, #tpu.memory_space<vmem_shared>> -> memref<48x128xf32, #tpu.memory_space<vmem_shared>>
      tpu.wait_dma2 semaphore(%run_scoped3A_108 : memref<!tpu.dma_semaphore, #tpu.memory_space<semaphore_mem>>) src(%arg8 : memref<48x128xf32, #tpu.memory_space<vmem>>) dst(%dma_wait3A_116 : memref<48x128xf32, #tpu.memory_space<vmem_shared>>)
      tpu.yield
    }) : () -> ()
    %mul3A_23 = arith.constant 640 : i32
    %mul3A_24 = arith.muli %arg1, %mul3A_23 : i32
    %add3A_25 = arith.constant 192 : i32
    %add3A_26 = arith.addi %mul3A_24, %add3A_25 : i32
    "tpu.region"() ({
      %run_scoped3A_108 = tpu.sem_alloc : memref<!tpu.dma_semaphore, #tpu.memory_space<semaphore_mem>>
      %dma_start3A_109 = arith.constant 0 : i32
      %dma_start3A_110 = tpu.memref_slice %arg12[%add3A_26, %dma_start3A_109] : memref<10240x128xf32, #tpu.memory_space<vmem_shared>> -> memref<48x128xf32, #tpu.memory_space<vmem_shared>>
      %dma_start3A_111 = arith.constant 0 : i32
      %dma_start3A_112 = tpu.memref_slice %arg12[%add3A_26, %dma_start3A_111] : memref<10240x128xf32, #tpu.memory_space<vmem_shared>> -> memref<48x128xf32, #tpu.memory_space<vmem_shared>>
      tpu.enqueue_dma source(%arg8 : memref<48x128xf32, #tpu.memory_space<vmem>>) target(%dma_start3A_112 : memref<48x128xf32, #tpu.memory_space<vmem_shared>>) target_semaphore(%run_scoped3A_108 : memref<!tpu.dma_semaphore, #tpu.memory_space<semaphore_mem>>)
      %dma_wait3A_113 = arith.constant 0 : i32
      %dma_wait3A_114 = tpu.memref_slice %arg12[%add3A_26, %dma_wait3A_113] : memref<10240x128xf32, #tpu.memory_space<vmem_shared>> -> memref<48x128xf32, #tpu.memory_space<vmem_shared>>
      %dma_wait3A_115 = arith.constant 0 : i32
      %dma_wait3A_116 = tpu.memref_slice %arg12[%add3A_26, %dma_wait3A_115] : memref<10240x128xf32, #tpu.memory_space<vmem_shared>> -> memref<48x128xf32, #tpu.memory_space<vmem_shared>>
      tpu.wait_dma2 semaphore(%run_scoped3A_108 : memref<!tpu.dma_semaphore, #tpu.memory_space<semaphore_mem>>) src(%arg8 : memref<48x128xf32, #tpu.memory_space<vmem>>) dst(%dma_wait3A_116 : memref<48x128xf32, #tpu.memory_space<vmem_shared>>)
      tpu.yield
    }) : () -> ()
    %mul3A_27 = arith.constant 640 : i32
    %mul3A_28 = arith.muli %arg1, %mul3A_27 : i32
    %add3A_29 = arith.constant 240 : i32
    %add3A_30 = arith.addi %mul3A_28, %add3A_29 : i32
    "tpu.region"() ({
      %run_scoped3A_108 = tpu.sem_alloc : memref<!tpu.dma_semaphore, #tpu.memory_space<semaphore_mem>>
      %dma_start3A_109 = arith.constant 0 : i32
      %dma_start3A_110 = tpu.memref_slice %arg12[%add3A_30, %dma_start3A_109] : memref<10240x128xf32, #tpu.memory_space<vmem_shared>> -> memref<48x128xf32, #tpu.memory_space<vmem_shared>>
      %dma_start3A_111 = arith.constant 0 : i32
      %dma_start3A_112 = tpu.memref_slice %arg12[%add3A_30, %dma_start3A_111] : memref<10240x128xf32, #tpu.memory_space<vmem_shared>> -> memref<48x128xf32, #tpu.memory_space<vmem_shared>>
      tpu.enqueue_dma source(%arg8 : memref<48x128xf32, #tpu.memory_space<vmem>>) target(%dma_start3A_112 : memref<48x128xf32, #tpu.memory_space<vmem_shared>>) target_semaphore(%run_scoped3A_108 : memref<!tpu.dma_semaphore, #tpu.memory_space<semaphore_mem>>)
      %dma_wait3A_113 = arith.constant 0 : i32
      %dma_wait3A_114 = tpu.memref_slice %arg12[%add3A_30, %dma_wait3A_113] : memref<10240x128xf32, #tpu.memory_space<vmem_shared>> -> memref<48x128xf32, #tpu.memory_space<vmem_shared>>
      %dma_wait3A_115 = arith.constant 0 : i32
      %dma_wait3A_116 = tpu.memref_slice %arg12[%add3A_30, %dma_wait3A_115] : memref<10240x128xf32, #tpu.memory_space<vmem_shared>> -> memref<48x128xf32, #tpu.memory_space<vmem_shared>>
      tpu.wait_dma2 semaphore(%run_scoped3A_108 : memref<!tpu.dma_semaphore, #tpu.memory_space<semaphore_mem>>) src(%arg8 : memref<48x128xf32, #tpu.memory_space<vmem>>) dst(%dma_wait3A_116 : memref<48x128xf32, #tpu.memory_space<vmem_shared>>)
      tpu.yield
    }) : () -> ()
    %mul3A_31 = arith.constant 640 : i32
    %mul3A_32 = arith.muli %arg1, %mul3A_31 : i32
    %add3A_33 = arith.constant 288 : i32
    %add3A_34 = arith.addi %mul3A_32, %add3A_33 : i32
    "tpu.region"() ({
      %run_scoped3A_108 = tpu.sem_alloc : memref<!tpu.dma_semaphore, #tpu.memory_space<semaphore_mem>>
      %dma_start3A_109 = arith.constant 0 : i32
      %dma_start3A_110 = tpu.memref_slice %arg12[%add3A_34, %dma_start3A_109] : memref<10240x128xf32, #tpu.memory_space<vmem_shared>> -> memref<48x128xf32, #tpu.memory_space<vmem_shared>>
      %dma_start3A_111 = arith.constant 0 : i32
      %dma_start3A_112 = tpu.memref_slice %arg12[%add3A_34, %dma_start3A_111] : memref<10240x128xf32, #tpu.memory_space<vmem_shared>> -> memref<48x128xf32, #tpu.memory_space<vmem_shared>>
      tpu.enqueue_dma source(%arg8 : memref<48x128xf32, #tpu.memory_space<vmem>>) target(%dma_start3A_112 : memref<48x128xf32, #tpu.memory_space<vmem_shared>>) target_semaphore(%run_scoped3A_108 : memref<!tpu.dma_semaphore, #tpu.memory_space<semaphore_mem>>)
      %dma_wait3A_113 = arith.constant 0 : i32
      %dma_wait3A_114 = tpu.memref_slice %arg12[%add3A_34, %dma_wait3A_113] : memref<10240x128xf32, #tpu.memory_space<vmem_shared>> -> memref<48x128xf32, #tpu.memory_space<vmem_shared>>
      %dma_wait3A_115 = arith.constant 0 : i32
      %dma_wait3A_116 = tpu.memref_slice %arg12[%add3A_34, %dma_wait3A_115] : memref<10240x128xf32, #tpu.memory_space<vmem_shared>> -> memref<48x128xf32, #tpu.memory_space<vmem_shared>>
      tpu.wait_dma2 semaphore(%run_scoped3A_108 : memref<!tpu.dma_semaphore, #tpu.memory_space<semaphore_mem>>) src(%arg8 : memref<48x128xf32, #tpu.memory_space<vmem>>) dst(%dma_wait3A_116 : memref<48x128xf32, #tpu.memory_space<vmem_shared>>)
      tpu.yield
    }) : () -> ()
    %mul3A_35 = arith.constant 640 : i32
    %mul3A_36 = arith.muli %arg1, %mul3A_35 : i32
    %add3A_37 = arith.constant 336 : i32
    %add3A_38 = arith.addi %mul3A_36, %add3A_37 : i32
    "tpu.region"() ({
      %run_scoped3A_108 = tpu.sem_alloc : memref<!tpu.dma_semaphore, #tpu.memory_space<semaphore_mem>>
      %dma_start3A_109 = arith.constant 0 : i32
      %dma_start3A_110 = tpu.memref_slice %arg12[%add3A_38, %dma_start3A_109] : memref<10240x128xf32, #tpu.memory_space<vmem_shared>> -> memref<48x128xf32, #tpu.memory_space<vmem_shared>>
      %dma_start3A_111 = arith.constant 0 : i32
      %dma_start3A_112 = tpu.memref_slice %arg12[%add3A_38, %dma_start3A_111] : memref<10240x128xf32, #tpu.memory_space<vmem_shared>> -> memref<48x128xf32, #tpu.memory_space<vmem_shared>>
      tpu.enqueue_dma source(%arg8 : memref<48x128xf32, #tpu.memory_space<vmem>>) target(%dma_start3A_112 : memref<48x128xf32, #tpu.memory_space<vmem_shared>>) target_semaphore(%run_scoped3A_108 : memref<!tpu.dma_semaphore, #tpu.memory_space<semaphore_mem>>)
      %dma_wait3A_113 = arith.constant 0 : i32
      %dma_wait3A_114 = tpu.memref_slice %arg12[%add3A_38, %dma_wait3A_113] : memref<10240x128xf32, #tpu.memory_space<vmem_shared>> -> memref<48x128xf32, #tpu.memory_space<vmem_shared>>
      %dma_wait3A_115 = arith.constant 0 : i32
      %dma_wait3A_116 = tpu.memref_slice %arg12[%add3A_38, %dma_wait3A_115] : memref<10240x128xf32, #tpu.memory_space<vmem_shared>> -> memref<48x128xf32, #tpu.memory_space<vmem_shared>>
      tpu.wait_dma2 semaphore(%run_scoped3A_108 : memref<!tpu.dma_semaphore, #tpu.memory_space<semaphore_mem>>) src(%arg8 : memref<48x128xf32, #tpu.memory_space<vmem>>) dst(%dma_wait3A_116 : memref<48x128xf32, #tpu.memory_space<vmem_shared>>)
      tpu.yield
    }) : () -> ()
    %mul3A_39 = arith.constant 640 : i32
    %mul3A_40 = arith.muli %arg1, %mul3A_39 : i32
    %add3A_41 = arith.constant 384 : i32
    %add3A_42 = arith.addi %mul3A_40, %add3A_41 : i32
    "tpu.region"() ({
      %run_scoped3A_108 = tpu.sem_alloc : memref<!tpu.dma_semaphore, #tpu.memory_space<semaphore_mem>>
      %dma_start3A_109 = arith.constant 0 : i32
      %dma_start3A_110 = tpu.memref_slice %arg12[%add3A_42, %dma_start3A_109] : memref<10240x128xf32, #tpu.memory_space<vmem_shared>> -> memref<48x128xf32, #tpu.memory_space<vmem_shared>>
      %dma_start3A_111 = arith.constant 0 : i32
      %dma_start3A_112 = tpu.memref_slice %arg12[%add3A_42, %dma_start3A_111] : memref<10240x128xf32, #tpu.memory_space<vmem_shared>> -> memref<48x128xf32, #tpu.memory_space<vmem_shared>>
      tpu.enqueue_dma source(%arg8 : memref<48x128xf32, #tpu.memory_space<vmem>>) target(%dma_start3A_112 : memref<48x128xf32, #tpu.memory_space<vmem_shared>>) target_semaphore(%run_scoped3A_108 : memref<!tpu.dma_semaphore, #tpu.memory_space<semaphore_mem>>)
      %dma_wait3A_113 = arith.constant 0 : i32
      %dma_wait3A_114 = tpu.memref_slice %arg12[%add3A_42, %dma_wait3A_113] : memref<10240x128xf32, #tpu.memory_space<vmem_shared>> -> memref<48x128xf32, #tpu.memory_space<vmem_shared>>
      %dma_wait3A_115 = arith.constant 0 : i32
      %dma_wait3A_116 = tpu.memref_slice %arg12[%add3A_42, %dma_wait3A_115] : memref<10240x128xf32, #tpu.memory_space<vmem_shared>> -> memref<48x128xf32, #tpu.memory_space<vmem_shared>>
      tpu.wait_dma2 semaphore(%run_scoped3A_108 : memref<!tpu.dma_semaphore, #tpu.memory_space<semaphore_mem>>) src(%arg8 : memref<48x128xf32, #tpu.memory_space<vmem>>) dst(%dma_wait3A_116 : memref<48x128xf32, #tpu.memory_space<vmem_shared>>)
      tpu.yield
    }) : () -> ()
    %mul3A_43 = arith.constant 640 : i32
    %mul3A_44 = arith.muli %arg1, %mul3A_43 : i32
    %add3A_45 = arith.constant 432 : i32
    %add3A_46 = arith.addi %mul3A_44, %add3A_45 : i32
    "tpu.region"() ({
      %run_scoped3A_108 = tpu.sem_alloc : memref<!tpu.dma_semaphore, #tpu.memory_space<semaphore_mem>>
      %dma_start3A_109 = arith.constant 0 : i32
      %dma_start3A_110 = tpu.memref_slice %arg12[%add3A_46, %dma_start3A_109] : memref<10240x128xf32, #tpu.memory_space<vmem_shared>> -> memref<48x128xf32, #tpu.memory_space<vmem_shared>>
      %dma_start3A_111 = arith.constant 0 : i32
      %dma_start3A_112 = tpu.memref_slice %arg12[%add3A_46, %dma_start3A_111] : memref<10240x128xf32, #tpu.memory_space<vmem_shared>> -> memref<48x128xf32, #tpu.memory_space<vmem_shared>>
      tpu.enqueue_dma source(%arg8 : memref<48x128xf32, #tpu.memory_space<vmem>>) target(%dma_start3A_112 : memref<48x128xf32, #tpu.memory_space<vmem_shared>>) target_semaphore(%run_scoped3A_108 : memref<!tpu.dma_semaphore, #tpu.memory_space<semaphore_mem>>)
      %dma_wait3A_113 = arith.constant 0 : i32
      %dma_wait3A_114 = tpu.memref_slice %arg12[%add3A_46, %dma_wait3A_113] : memref<10240x128xf32, #tpu.memory_space<vmem_shared>> -> memref<48x128xf32, #tpu.memory_space<vmem_shared>>
      %dma_wait3A_115 = arith.constant 0 : i32
      %dma_wait3A_116 = tpu.memref_slice %arg12[%add3A_46, %dma_wait3A_115] : memref<10240x128xf32, #tpu.memory_space<vmem_shared>> -> memref<48x128xf32, #tpu.memory_space<vmem_shared>>
      tpu.wait_dma2 semaphore(%run_scoped3A_108 : memref<!tpu.dma_semaphore, #tpu.memory_space<semaphore_mem>>) src(%arg8 : memref<48x128xf32, #tpu.memory_space<vmem>>) dst(%dma_wait3A_116 : memref<48x128xf32, #tpu.memory_space<vmem_shared>>)
      tpu.yield
    }) : () -> ()
    %mul3A_47 = arith.constant 640 : i32
    %mul3A_48 = arith.muli %arg1, %mul3A_47 : i32
    %add3A_49 = arith.constant 480 : i32
    %add3A_50 = arith.addi %mul3A_48, %add3A_49 : i32
    "tpu.region"() ({
      %run_scoped3A_108 = tpu.sem_alloc : memref<!tpu.dma_semaphore, #tpu.memory_space<semaphore_mem>>
      %dma_start3A_109 = arith.constant 0 : i32
      %dma_start3A_110 = tpu.memref_slice %arg12[%add3A_50, %dma_start3A_109] : memref<10240x128xf32, #tpu.memory_space<vmem_shared>> -> memref<48x128xf32, #tpu.memory_space<vmem_shared>>
      %dma_start3A_111 = arith.constant 0 : i32
      %dma_start3A_112 = tpu.memref_slice %arg12[%add3A_50, %dma_start3A_111] : memref<10240x128xf32, #tpu.memory_space<vmem_shared>> -> memref<48x128xf32, #tpu.memory_space<vmem_shared>>
      tpu.enqueue_dma source(%arg8 : memref<48x128xf32, #tpu.memory_space<vmem>>) target(%dma_start3A_112 : memref<48x128xf32, #tpu.memory_space<vmem_shared>>) target_semaphore(%run_scoped3A_108 : memref<!tpu.dma_semaphore, #tpu.memory_space<semaphore_mem>>)
      %dma_wait3A_113 = arith.constant 0 : i32
      %dma_wait3A_114 = tpu.memref_slice %arg12[%add3A_50, %dma_wait3A_113] : memref<10240x128xf32, #tpu.memory_space<vmem_shared>> -> memref<48x128xf32, #tpu.memory_space<vmem_shared>>
      %dma_wait3A_115 = arith.constant 0 : i32
      %dma_wait3A_116 = tpu.memref_slice %arg12[%add3A_50, %dma_wait3A_115] : memref<10240x128xf32, #tpu.memory_space<vmem_shared>> -> memref<48x128xf32, #tpu.memory_space<vmem_shared>>
      tpu.wait_dma2 semaphore(%run_scoped3A_108 : memref<!tpu.dma_semaphore, #tpu.memory_space<semaphore_mem>>) src(%arg8 : memref<48x128xf32, #tpu.memory_space<vmem>>) dst(%dma_wait3A_116 : memref<48x128xf32, #tpu.memory_space<vmem_shared>>)
      tpu.yield
    }) : () -> ()
    %mul3A_51 = arith.constant 640 : i32
    %mul3A_52 = arith.muli %arg1, %mul3A_51 : i32
    %add3A_53 = arith.constant 528 : i32
    %add3A_54 = arith.addi %mul3A_52, %add3A_53 : i32
    "tpu.region"() ({
      %run_scoped3A_108 = tpu.sem_alloc : memref<!tpu.dma_semaphore, #tpu.memory_space<semaphore_mem>>
      %dma_start3A_109 = arith.constant 0 : i32
      %dma_start3A_110 = tpu.memref_slice %arg12[%add3A_54, %dma_start3A_109] : memref<10240x128xf32, #tpu.memory_space<vmem_shared>> -> memref<48x128xf32, #tpu.memory_space<vmem_shared>>
      %dma_start3A_111 = arith.constant 0 : i32
      %dma_start3A_112 = tpu.memref_slice %arg12[%add3A_54, %dma_start3A_111] : memref<10240x128xf32, #tpu.memory_space<vmem_shared>> -> memref<48x128xf32, #tpu.memory_space<vmem_shared>>
      tpu.enqueue_dma source(%arg8 : memref<48x128xf32, #tpu.memory_space<vmem>>) target(%dma_start3A_112 : memref<48x128xf32, #tpu.memory_space<vmem_shared>>) target_semaphore(%run_scoped3A_108 : memref<!tpu.dma_semaphore, #tpu.memory_space<semaphore_mem>>)
      %dma_wait3A_113 = arith.constant 0 : i32
      %dma_wait3A_114 = tpu.memref_slice %arg12[%add3A_54, %dma_wait3A_113] : memref<10240x128xf32, #tpu.memory_space<vmem_shared>> -> memref<48x128xf32, #tpu.memory_space<vmem_shared>>
      %dma_wait3A_115 = arith.constant 0 : i32
      %dma_wait3A_116 = tpu.memref_slice %arg12[%add3A_54, %dma_wait3A_115] : memref<10240x128xf32, #tpu.memory_space<vmem_shared>> -> memref<48x128xf32, #tpu.memory_space<vmem_shared>>
      tpu.wait_dma2 semaphore(%run_scoped3A_108 : memref<!tpu.dma_semaphore, #tpu.memory_space<semaphore_mem>>) src(%arg8 : memref<48x128xf32, #tpu.memory_space<vmem>>) dst(%dma_wait3A_116 : memref<48x128xf32, #tpu.memory_space<vmem_shared>>)
      tpu.yield
    }) : () -> ()
    %mul3A_55 = arith.constant 640 : i32
    %mul3A_56 = arith.muli %arg1, %mul3A_55 : i32
    %add3A_57 = arith.constant 576 : i32
    %add3A_58 = arith.addi %mul3A_56, %add3A_57 : i32
    "tpu.region"() ({
      %run_scoped3A_108 = tpu.sem_alloc : memref<!tpu.dma_semaphore, #tpu.memory_space<semaphore_mem>>
      %dma_start3A_109 = arith.constant 0 : i32
      %dma_start3A_110 = tpu.memref_slice %arg12[%add3A_58, %dma_start3A_109] : memref<10240x128xf32, #tpu.memory_space<vmem_shared>> -> memref<48x128xf32, #tpu.memory_space<vmem_shared>>
      %dma_start3A_111 = arith.constant 0 : i32
      %dma_start3A_112 = tpu.memref_slice %arg12[%add3A_58, %dma_start3A_111] : memref<10240x128xf32, #tpu.memory_space<vmem_shared>> -> memref<48x128xf32, #tpu.memory_space<vmem_shared>>
      tpu.enqueue_dma source(%arg8 : memref<48x128xf32, #tpu.memory_space<vmem>>) target(%dma_start3A_112 : memref<48x128xf32, #tpu.memory_space<vmem_shared>>) target_semaphore(%run_scoped3A_108 : memref<!tpu.dma_semaphore, #tpu.memory_space<semaphore_mem>>)
      %dma_wait3A_113 = arith.constant 0 : i32
      %dma_wait3A_114 = tpu.memref_slice %arg12[%add3A_58, %dma_wait3A_113] : memref<10240x128xf32, #tpu.memory_space<vmem_shared>> -> memref<48x128xf32, #tpu.memory_space<vmem_shared>>
      %dma_wait3A_115 = arith.constant 0 : i32
      %dma_wait3A_116 = tpu.memref_slice %arg12[%add3A_58, %dma_wait3A_115] : memref<10240x128xf32, #tpu.memory_space<vmem_shared>> -> memref<48x128xf32, #tpu.memory_space<vmem_shared>>
      tpu.wait_dma2 semaphore(%run_scoped3A_108 : memref<!tpu.dma_semaphore, #tpu.memory_space<semaphore_mem>>) src(%arg8 : memref<48x128xf32, #tpu.memory_space<vmem>>) dst(%dma_wait3A_116 : memref<48x128xf32, #tpu.memory_space<vmem_shared>>)
      tpu.yield
    }) : () -> ()
    %mul3A_59 = arith.constant 640 : i32
    %mul3A_60 = arith.muli %arg1, %mul3A_59 : i32
    %add3A_61 = arith.constant 624 : i32
    %add3A_62 = arith.addi %mul3A_60, %add3A_61 : i32
    "tpu.region"() ({
      %run_scoped3A_108 = tpu.sem_alloc : memref<!tpu.dma_semaphore, #tpu.memory_space<semaphore_mem>>
      %dma_start3A_109 = arith.constant 0 : i32
      %dma_start3A_110 = arith.constant 0 : i32
      %dma_start3A_111 = tpu.memref_slice %arg8[%dma_start3A_109, %dma_start3A_110] : memref<48x128xf32, #tpu.memory_space<vmem>> -> memref<16x128xf32, #tpu.memory_space<vmem>>
      %dma_start3A_112 = arith.constant 0 : i32
      %dma_start3A_113 = tpu.memref_slice %arg12[%add3A_62, %dma_start3A_112] : memref<10240x128xf32, #tpu.memory_space<vmem_shared>> -> memref<16x128xf32, #tpu.memory_space<vmem_shared>>
      %dma_start3A_114 = arith.constant 0 : i32
      %dma_start3A_115 = tpu.memref_slice %arg12[%add3A_62, %dma_start3A_114] : memref<10240x128xf32, #tpu.memory_space<vmem_shared>> -> memref<16x128xf32, #tpu.memory_space<vmem_shared>>
      %dma_start3A_116 = arith.constant 0 : i32
      %dma_start3A_117 = arith.constant 0 : i32
      %dma_start3A_118 = tpu.memref_slice %arg8[%dma_start3A_116, %dma_start3A_117] : memref<48x128xf32, #tpu.memory_space<vmem>> -> memref<16x128xf32, #tpu.memory_space<vmem>>
      tpu.enqueue_dma source(%dma_start3A_118 : memref<16x128xf32, #tpu.memory_space<vmem>>) target(%dma_start3A_115 : memref<16x128xf32, #tpu.memory_space<vmem_shared>>) target_semaphore(%run_scoped3A_108 : memref<!tpu.dma_semaphore, #tpu.memory_space<semaphore_mem>>)
      %dma_wait3A_119 = arith.constant 0 : i32
      %dma_wait3A_120 = arith.constant 0 : i32
      %dma_wait3A_121 = tpu.memref_slice %arg8[%dma_wait3A_119, %dma_wait3A_120] : memref<48x128xf32, #tpu.memory_space<vmem>> -> memref<16x128xf32, #tpu.memory_space<vmem>>
      %dma_wait3A_122 = arith.constant 0 : i32
      %dma_wait3A_123 = tpu.memref_slice %arg12[%add3A_62, %dma_wait3A_122] : memref<10240x128xf32, #tpu.memory_space<vmem_shared>> -> memref<16x128xf32, #tpu.memory_space<vmem_shared>>
      %dma_wait3A_124 = arith.constant 0 : i32
      %dma_wait3A_125 = tpu.memref_slice %arg12[%add3A_62, %dma_wait3A_124] : memref<10240x128xf32, #tpu.memory_space<vmem_shared>> -> memref<16x128xf32, #tpu.memory_space<vmem_shared>>
      %dma_wait3A_126 = arith.constant 0 : i32
      %dma_wait3A_127 = arith.constant 0 : i32
      %dma_wait3A_128 = tpu.memref_slice %arg8[%dma_wait3A_126, %dma_wait3A_127] : memref<48x128xf32, #tpu.memory_space<vmem>> -> memref<16x128xf32, #tpu.memory_space<vmem>>
      tpu.wait_dma2 semaphore(%run_scoped3A_108 : memref<!tpu.dma_semaphore, #tpu.memory_space<semaphore_mem>>) src(%dma_wait3A_128 : memref<16x128xf32, #tpu.memory_space<vmem>>) dst(%dma_wait3A_125 : memref<16x128xf32, #tpu.memory_space<vmem_shared>>)
      tpu.yield
    }) : () -> ()
    %run_scoped3A = arith.constant 0 : i32
    %run_scoped3A_63 = arith.constant 0 : i32
    "tpu.region"() ({
      %run_scoped3A_108 = tpu.sem_alloc : memref<!tpu.dma_semaphore, #tpu.memory_space<semaphore_mem>>
      %dma_start3A_109 = arith.constant 0 : i32
      %dma_start3A_110 = arith.constant 0 : i32
      %dma_start3A_111 = tpu.memref_slice %arg6[%run_scoped3A_63, %dma_start3A_109, %dma_start3A_110] : memref<2x8x48xi32, #tpu.memory_space<vmem>> -> memref<1x8x48xi32, #tpu.memory_space<vmem>>
      %dma_start3A_112 = tpu.memref_squeeze %dma_start3A_111 : memref<1x8x48xi32, #tpu.memory_space<vmem>> -> memref<8x48xi32, #tpu.memory_space<vmem>>
      %dma_start3A_113 = arith.constant 0 : i32
      %dma_start3A_114 = arith.constant 0 : i32
      %dma_start3A_115 = tpu.memref_slice %arg3[%add3A, %run_scoped3A, %dma_start3A_113, %dma_start3A_114] : memref<32x27x8x48xi32, #tpu.memory_space<hbm>> -> memref<1x1x8x48xi32, #tpu.memory_space<hbm>>
      %dma_start3A_116 = tpu.memref_squeeze %dma_start3A_115 : memref<1x1x8x48xi32, #tpu.memory_space<hbm>> -> memref<8x48xi32, #tpu.memory_space<hbm>>
      %dma_start3A_117 = arith.constant 0 : i32
      %dma_start3A_118 = arith.constant 0 : i32
      %dma_start3A_119 = tpu.memref_slice %arg6[%run_scoped3A_63, %dma_start3A_117, %dma_start3A_118] : memref<2x8x48xi32, #tpu.memory_space<vmem>> -> memref<1x8x48xi32, #tpu.memory_space<vmem>>
      %dma_start3A_120 = tpu.memref_squeeze %dma_start3A_119 : memref<1x8x48xi32, #tpu.memory_space<vmem>> -> memref<8x48xi32, #tpu.memory_space<vmem>>
      %dma_start3A_121 = arith.constant 0 : i32
      %dma_start3A_122 = arith.constant 0 : i32
      %dma_start3A_123 = tpu.memref_slice %arg3[%add3A, %run_scoped3A, %dma_start3A_121, %dma_start3A_122] : memref<32x27x8x48xi32, #tpu.memory_space<hbm>> -> memref<1x1x8x48xi32, #tpu.memory_space<hbm>>
      %dma_start3A_124 = tpu.memref_squeeze %dma_start3A_123 : memref<1x1x8x48xi32, #tpu.memory_space<hbm>> -> memref<8x48xi32, #tpu.memory_space<hbm>>
      tpu.enqueue_dma source(%dma_start3A_124 : memref<8x48xi32, #tpu.memory_space<hbm>>) target(%dma_start3A_120 : memref<8x48xi32, #tpu.memory_space<vmem>>) target_semaphore(%run_scoped3A_108 : memref<!tpu.dma_semaphore, #tpu.memory_space<semaphore_mem>>)
      %dma_wait3A_125 = arith.constant 0 : i32
      %dma_wait3A_126 = arith.constant 0 : i32
      %dma_wait3A_127 = tpu.memref_slice %arg6[%run_scoped3A_63, %dma_wait3A_125, %dma_wait3A_126] : memref<2x8x48xi32, #tpu.memory_space<vmem>> -> memref<1x8x48xi32, #tpu.memory_space<vmem>>
      %dma_wait3A_128 = tpu.memref_squeeze %dma_wait3A_127 : memref<1x8x48xi32, #tpu.memory_space<vmem>> -> memref<8x48xi32, #tpu.memory_space<vmem>>
      %dma_wait3A_129 = arith.constant 0 : i32
      %dma_wait3A_130 = arith.constant 0 : i32
      %dma_wait3A_131 = tpu.memref_slice %arg3[%add3A, %run_scoped3A, %dma_wait3A_129, %dma_wait3A_130] : memref<32x27x8x48xi32, #tpu.memory_space<hbm>> -> memref<1x1x8x48xi32, #tpu.memory_space<hbm>>
      %dma_wait3A_132 = tpu.memref_squeeze %dma_wait3A_131 : memref<1x1x8x48xi32, #tpu.memory_space<hbm>> -> memref<8x48xi32, #tpu.memory_space<hbm>>
      %dma_wait3A_133 = arith.constant 0 : i32
      %dma_wait3A_134 = arith.constant 0 : i32
      %dma_wait3A_135 = tpu.memref_slice %arg6[%run_scoped3A_63, %dma_wait3A_133, %dma_wait3A_134] : memref<2x8x48xi32, #tpu.memory_space<vmem>> -> memref<1x8x48xi32, #tpu.memory_space<vmem>>
      %dma_wait3A_136 = tpu.memref_squeeze %dma_wait3A_135 : memref<1x8x48xi32, #tpu.memory_space<vmem>> -> memref<8x48xi32, #tpu.memory_space<vmem>>
      %dma_wait3A_137 = arith.constant 0 : i32
      %dma_wait3A_138 = arith.constant 0 : i32
      %dma_wait3A_139 = tpu.memref_slice %arg3[%add3A, %run_scoped3A, %dma_wait3A_137, %dma_wait3A_138] : memref<32x27x8x48xi32, #tpu.memory_space<hbm>> -> memref<1x1x8x48xi32, #tpu.memory_space<hbm>>
      %dma_wait3A_140 = tpu.memref_squeeze %dma_wait3A_139 : memref<1x1x8x48xi32, #tpu.memory_space<hbm>> -> memref<8x48xi32, #tpu.memory_space<hbm>>
      tpu.wait_dma2 semaphore(%run_scoped3A_108 : memref<!tpu.dma_semaphore, #tpu.memory_space<semaphore_mem>>) src(%dma_wait3A_140 : memref<8x48xi32, #tpu.memory_space<hbm>>) dst(%dma_wait3A_136 : memref<8x48xi32, #tpu.memory_space<vmem>>)
      tpu.yield
    }) : () -> ()
    %run_scoped3A_64 = arith.constant 0 : i32
    %run_scoped3A_65 = arith.constant 0 : i32
    "tpu.region"() ({
      %run_scoped3A_108 = tpu.sem_alloc : memref<!tpu.dma_semaphore, #tpu.memory_space<semaphore_mem>>
      %dma_start3A_109 = arith.constant 0 : i32
      %dma_start3A_110 = arith.constant 0 : i32
      %dma_start3A_111 = tpu.memref_slice %arg7[%run_scoped3A_65, %dma_start3A_109, %dma_start3A_110] : memref<2x8x48xi32, #tpu.memory_space<vmem>> -> memref<1x8x48xi32, #tpu.memory_space<vmem>>
      %dma_start3A_112 = tpu.memref_squeeze %dma_start3A_111 : memref<1x8x48xi32, #tpu.memory_space<vmem>> -> memref<8x48xi32, #tpu.memory_space<vmem>>
      %dma_start3A_113 = arith.constant 0 : i32
      %dma_start3A_114 = arith.constant 0 : i32
      %dma_start3A_115 = tpu.memref_slice %arg4[%add3A, %run_scoped3A_64, %dma_start3A_113, %dma_start3A_114] : memref<32x27x8x48xi32, #tpu.memory_space<hbm>> -> memref<1x1x8x48xi32, #tpu.memory_space<hbm>>
      %dma_start3A_116 = tpu.memref_squeeze %dma_start3A_115 : memref<1x1x8x48xi32, #tpu.memory_space<hbm>> -> memref<8x48xi32, #tpu.memory_space<hbm>>
      %dma_start3A_117 = arith.constant 0 : i32
      %dma_start3A_118 = arith.constant 0 : i32
      %dma_start3A_119 = tpu.memref_slice %arg7[%run_scoped3A_65, %dma_start3A_117, %dma_start3A_118] : memref<2x8x48xi32, #tpu.memory_space<vmem>> -> memref<1x8x48xi32, #tpu.memory_space<vmem>>
      %dma_start3A_120 = tpu.memref_squeeze %dma_start3A_119 : memref<1x8x48xi32, #tpu.memory_space<vmem>> -> memref<8x48xi32, #tpu.memory_space<vmem>>
      %dma_start3A_121 = arith.constant 0 : i32
      %dma_start3A_122 = arith.constant 0 : i32
      %dma_start3A_123 = tpu.memref_slice %arg4[%add3A, %run_scoped3A_64, %dma_start3A_121, %dma_start3A_122] : memref<32x27x8x48xi32, #tpu.memory_space<hbm>> -> memref<1x1x8x48xi32, #tpu.memory_space<hbm>>
      %dma_start3A_124 = tpu.memref_squeeze %dma_start3A_123 : memref<1x1x8x48xi32, #tpu.memory_space<hbm>> -> memref<8x48xi32, #tpu.memory_space<hbm>>
      tpu.enqueue_dma source(%dma_start3A_124 : memref<8x48xi32, #tpu.memory_space<hbm>>) target(%dma_start3A_120 : memref<8x48xi32, #tpu.memory_space<vmem>>) target_semaphore(%run_scoped3A_108 : memref<!tpu.dma_semaphore, #tpu.memory_space<semaphore_mem>>)
      %dma_wait3A_125 = arith.constant 0 : i32
      %dma_wait3A_126 = arith.constant 0 : i32
      %dma_wait3A_127 = tpu.memref_slice %arg7[%run_scoped3A_65, %dma_wait3A_125, %dma_wait3A_126] : memref<2x8x48xi32, #tpu.memory_space<vmem>> -> memref<1x8x48xi32, #tpu.memory_space<vmem>>
      %dma_wait3A_128 = tpu.memref_squeeze %dma_wait3A_127 : memref<1x8x48xi32, #tpu.memory_space<vmem>> -> memref<8x48xi32, #tpu.memory_space<vmem>>
      %dma_wait3A_129 = arith.constant 0 : i32
      %dma_wait3A_130 = arith.constant 0 : i32
      %dma_wait3A_131 = tpu.memref_slice %arg4[%add3A, %run_scoped3A_64, %dma_wait3A_129, %dma_wait3A_130] : memref<32x27x8x48xi32, #tpu.memory_space<hbm>> -> memref<1x1x8x48xi32, #tpu.memory_space<hbm>>
      %dma_wait3A_132 = tpu.memref_squeeze %dma_wait3A_131 : memref<1x1x8x48xi32, #tpu.memory_space<hbm>> -> memref<8x48xi32, #tpu.memory_space<hbm>>
      %dma_wait3A_133 = arith.constant 0 : i32
      %dma_wait3A_134 = arith.constant 0 : i32
      %dma_wait3A_135 = tpu.memref_slice %arg7[%run_scoped3A_65, %dma_wait3A_133, %dma_wait3A_134] : memref<2x8x48xi32, #tpu.memory_space<vmem>> -> memref<1x8x48xi32, #tpu.memory_space<vmem>>
      %dma_wait3A_136 = tpu.memref_squeeze %dma_wait3A_135 : memref<1x8x48xi32, #tpu.memory_space<vmem>> -> memref<8x48xi32, #tpu.memory_space<vmem>>
      %dma_wait3A_137 = arith.constant 0 : i32
      %dma_wait3A_138 = arith.constant 0 : i32
      %dma_wait3A_139 = tpu.memref_slice %arg4[%add3A, %run_scoped3A_64, %dma_wait3A_137, %dma_wait3A_138] : memref<32x27x8x48xi32, #tpu.memory_space<hbm>> -> memref<1x1x8x48xi32, #tpu.memory_space<hbm>>
      %dma_wait3A_140 = tpu.memref_squeeze %dma_wait3A_139 : memref<1x1x8x48xi32, #tpu.memory_space<hbm>> -> memref<8x48xi32, #tpu.memory_space<hbm>>
      tpu.wait_dma2 semaphore(%run_scoped3A_108 : memref<!tpu.dma_semaphore, #tpu.memory_space<semaphore_mem>>) src(%dma_wait3A_140 : memref<8x48xi32, #tpu.memory_space<hbm>>) dst(%dma_wait3A_136 : memref<8x48xi32, #tpu.memory_space<vmem>>)
      tpu.yield
    }) : () -> ()
    %barrier3A = arith.constant 0 : index
    tpu.barrier barrier_id(%barrier3A)
    %dma_start3A = arith.constant 0 : i32
    %dma_start3A_66 = arith.constant 0 : i32
    %dma_start3A_67 = arith.constant 0 : i32
    %dma_start3A_68 = tpu.memref_slice %arg6[%dma_start3A, %dma_start3A_66, %dma_start3A_67] : memref<2x8x48xi32, #tpu.memory_space<vmem>> -> memref<1x1x48xi32, #tpu.memory_space<vmem>>
    %dma_start3A_69 = tpu.memref_squeeze %dma_start3A_68 : memref<1x1x48xi32, #tpu.memory_space<vmem>> -> memref<48xi32, #tpu.memory_space<vmem>>
    %dma_start3A_70 = arith.constant 0 : i32
    %dma_start3A_71 = arith.constant 0 : i32
    %dma_start3A_72 = tpu.memref_slice %arg2[%dma_start3A_70, %dma_start3A_71] : memref<10000x128xf32, #tpu.memory_space<hbm>> -> memref<10000x128xf32, #tpu.memory_space<hbm>>
    tpu.enqueue_indirect_dma source(%dma_start3A_72 : memref<10000x128xf32, #tpu.memory_space<hbm>>) target(%arg8 : memref<48x128xf32, #tpu.memory_space<vmem>>) offsets(%dma_start3A_69 : memref<48xi32, #tpu.memory_space<vmem>>) semaphore(%arg13 : memref<!tpu.dma_semaphore, #tpu.memory_space<semaphore_mem>>)
    %dma_start3A_73 = arith.constant 0 : i32
    %dma_start3A_74 = arith.constant 1 : i32
    %dma_start3A_75 = arith.constant 0 : i32
    %dma_start3A_76 = tpu.memref_slice %arg6[%dma_start3A_73, %dma_start3A_74, %dma_start3A_75] : memref<2x8x48xi32, #tpu.memory_space<vmem>> -> memref<1x1x48xi32, #tpu.memory_space<vmem>>
    %dma_start3A_77 = tpu.memref_squeeze %dma_start3A_76 : memref<1x1x48xi32, #tpu.memory_space<vmem>> -> memref<48xi32, #tpu.memory_space<vmem>>
    %dma_start3A_78 = arith.constant 0 : i32
    %dma_start3A_79 = arith.constant 0 : i32
    %dma_start3A_80 = tpu.memref_slice %arg2[%dma_start3A_78, %dma_start3A_79] : memref<10000x128xf32, #tpu.memory_space<hbm>> -> memref<10000x128xf32, #tpu.memory_space<hbm>>
    tpu.enqueue_indirect_dma source(%dma_start3A_80 : memref<10000x128xf32, #tpu.memory_space<hbm>>) target(%arg9 : memref<48x128xf32, #tpu.memory_space<vmem>>) offsets(%dma_start3A_77 : memref<48xi32, #tpu.memory_space<vmem>>) semaphore(%arg14 : memref<!tpu.dma_semaphore, #tpu.memory_space<semaphore_mem>>)
    %dma_start3A_81 = arith.constant 0 : i32
    %dma_start3A_82 = arith.constant 2 : i32
    %dma_start3A_83 = arith.constant 0 : i32
    %dma_start3A_84 = tpu.memref_slice %arg6[%dma_start3A_81, %dma_start3A_82, %dma_start3A_83] : memref<2x8x48xi32, #tpu.memory_space<vmem>> -> memref<1x1x48xi32, #tpu.memory_space<vmem>>
    %dma_start3A_85 = tpu.memref_squeeze %dma_start3A_84 : memref<1x1x48xi32, #tpu.memory_space<vmem>> -> memref<48xi32, #tpu.memory_space<vmem>>
    %dma_start3A_86 = arith.constant 0 : i32
    %dma_start3A_87 = arith.constant 0 : i32
    %dma_start3A_88 = tpu.memref_slice %arg2[%dma_start3A_86, %dma_start3A_87] : memref<10000x128xf32, #tpu.memory_space<hbm>> -> memref<10000x128xf32, #tpu.memory_space<hbm>>
    tpu.enqueue_indirect_dma source(%dma_start3A_88 : memref<10000x128xf32, #tpu.memory_space<hbm>>) target(%arg10 : memref<48x128xf32, #tpu.memory_space<vmem>>) offsets(%dma_start3A_85 : memref<48xi32, #tpu.memory_space<vmem>>) semaphore(%arg15 : memref<!tpu.dma_semaphore, #tpu.memory_space<semaphore_mem>>)
    %scan3A_89 = arith.constant 0 : i32
    %scan3A_90 = arith.constant 0 : i32
    %scan3A_91 = arith.constant 27 : i32
    %scan3A_92 = arith.addi %scan3A_90, %scan3A_91 : i32
    %scan3A_93 = arith.constant 1 : i32
    %scan3A_94 = scf.for %scan3A_108 = %scan3A_90 to %scan3A_92 step %scan3A_93 iter_args(%scan3A_109 = %scan3A_89) -> (i32)  : i32 {
      %rem3A = arith.constant 2 : i32
      %rem3A_110 = arith.remsi %scan3A_108, %rem3A : i32
      %lt3A = arith.constant 26 : i32
      %lt3A_111 = arith.cmpi slt, %scan3A_108, %lt3A : i32
      %convert_element_type3A = arith.extui %lt3A_111 : i1 to i32
      %cond3A = arith.constant 0 : i32
      %cond3A_112 = arith.cmpi ne, %convert_element_type3A, %cond3A : i32
      scf.if %cond3A_112 {
        %add3A_329 = arith.constant 1 : i32
        %add3A_330 = arith.addi %scan3A_108, %add3A_329 : i32
        %sub3A = arith.constant 1 : i32
        %sub3A_331 = arith.subi %sub3A, %rem3A_110 : i32
        %dma_start3A_332 = arith.constant 0 : i32
        %dma_start3A_333 = arith.constant 0 : i32
        %dma_start3A_334 = tpu.memref_slice %arg6[%sub3A_331, %dma_start3A_332, %dma_start3A_333] : memref<2x8x48xi32, #tpu.memory_space<vmem>> -> memref<1x8x48xi32, #tpu.memory_space<vmem>>
        %dma_start3A_335 = tpu.memref_squeeze %dma_start3A_334 : memref<1x8x48xi32, #tpu.memory_space<vmem>> -> memref<8x48xi32, #tpu.memory_space<vmem>>
        %dma_start3A_336 = arith.constant 0 : i32
        %dma_start3A_337 = arith.constant 0 : i32
        %dma_start3A_338 = tpu.memref_slice %arg3[%add3A, %add3A_330, %dma_start3A_336, %dma_start3A_337] : memref<32x27x8x48xi32, #tpu.memory_space<hbm>> -> memref<1x1x8x48xi32, #tpu.memory_space<hbm>>
        %dma_start3A_339 = tpu.memref_squeeze %dma_start3A_338 : memref<1x1x8x48xi32, #tpu.memory_space<hbm>> -> memref<8x48xi32, #tpu.memory_space<hbm>>
        %dma_start3A_340 = arith.constant 0 : i32
        %dma_start3A_341 = arith.constant 0 : i32
        %dma_start3A_342 = tpu.memref_slice %arg6[%sub3A_331, %dma_start3A_340, %dma_start3A_341] : memref<2x8x48xi32, #tpu.memory_space<vmem>> -> memref<1x8x48xi32, #tpu.memory_space<vmem>>
        %dma_start3A_343 = tpu.memref_squeeze %dma_start3A_342 : memref<1x8x48xi32, #tpu.memory_space<vmem>> -> memref<8x48xi32, #tpu.memory_space<vmem>>
        %dma_start3A_344 = arith.constant 0 : i32
        %dma_start3A_345 = arith.constant 0 : i32
        %dma_start3A_346 = tpu.memref_slice %arg3[%add3A, %add3A_330, %dma_start3A_344, %dma_start3A_345] : memref<32x27x8x48xi32, #tpu.memory_space<hbm>> -> memref<1x1x8x48xi32, #tpu.memory_space<hbm>>
        %dma_start3A_347 = tpu.memref_squeeze %dma_start3A_346 : memref<1x1x8x48xi32, #tpu.memory_space<hbm>> -> memref<8x48xi32, #tpu.memory_space<hbm>>
        tpu.enqueue_dma source(%dma_start3A_347 : memref<8x48xi32, #tpu.memory_space<hbm>>) target(%dma_start3A_343 : memref<8x48xi32, #tpu.memory_space<vmem>>) target_semaphore(%arg21 : memref<!tpu.dma_semaphore, #tpu.memory_space<semaphore_mem>>)
        %add3A_348 = arith.constant 1 : i32
        %add3A_349 = arith.addi %scan3A_108, %add3A_348 : i32
        %sub3A_350 = arith.constant 1 : i32
        %sub3A_351 = arith.subi %sub3A_350, %rem3A_110 : i32
        %dma_start3A_352 = arith.constant 0 : i32
        %dma_start3A_353 = arith.constant 0 : i32
        %dma_start3A_354 = tpu.memref_slice %arg7[%sub3A_351, %dma_start3A_352, %dma_start3A_353] : memref<2x8x48xi32, #tpu.memory_space<vmem>> -> memref<1x8x48xi32, #tpu.memory_space<vmem>>
        %dma_start3A_355 = tpu.memref_squeeze %dma_start3A_354 : memref<1x8x48xi32, #tpu.memory_space<vmem>> -> memref<8x48xi32, #tpu.memory_space<vmem>>
        %dma_start3A_356 = arith.constant 0 : i32
        %dma_start3A_357 = arith.constant 0 : i32
        %dma_start3A_358 = tpu.memref_slice %arg4[%add3A, %add3A_349, %dma_start3A_356, %dma_start3A_357] : memref<32x27x8x48xi32, #tpu.memory_space<hbm>> -> memref<1x1x8x48xi32, #tpu.memory_space<hbm>>
        %dma_start3A_359 = tpu.memref_squeeze %dma_start3A_358 : memref<1x1x8x48xi32, #tpu.memory_space<hbm>> -> memref<8x48xi32, #tpu.memory_space<hbm>>
        %dma_start3A_360 = arith.constant 0 : i32
        %dma_start3A_361 = arith.constant 0 : i32
        %dma_start3A_362 = tpu.memref_slice %arg7[%sub3A_351, %dma_start3A_360, %dma_start3A_361] : memref<2x8x48xi32, #tpu.memory_space<vmem>> -> memref<1x8x48xi32, #tpu.memory_space<vmem>>
        %dma_start3A_363 = tpu.memref_squeeze %dma_start3A_362 : memref<1x8x48xi32, #tpu.memory_space<vmem>> -> memref<8x48xi32, #tpu.memory_space<vmem>>
        %dma_start3A_364 = arith.constant 0 : i32
        %dma_start3A_365 = arith.constant 0 : i32
        %dma_start3A_366 = tpu.memref_slice %arg4[%add3A, %add3A_349, %dma_start3A_364, %dma_start3A_365] : memref<32x27x8x48xi32, #tpu.memory_space<hbm>> -> memref<1x1x8x48xi32, #tpu.memory_space<hbm>>
        %dma_start3A_367 = tpu.memref_squeeze %dma_start3A_366 : memref<1x1x8x48xi32, #tpu.memory_space<hbm>> -> memref<8x48xi32, #tpu.memory_space<hbm>>
        tpu.enqueue_dma source(%dma_start3A_367 : memref<8x48xi32, #tpu.memory_space<hbm>>) target(%dma_start3A_363 : memref<8x48xi32, #tpu.memory_space<vmem>>) target_semaphore(%arg21 : memref<!tpu.dma_semaphore, #tpu.memory_space<semaphore_mem>>)
      } else {
      }
      %dma_wait3A_113 = arith.constant 0 : i32
      %dma_wait3A_114 = arith.constant 0 : i32
      %dma_wait3A_115 = tpu.memref_slice %arg6[%rem3A_110, %dma_wait3A_113, %dma_wait3A_114] : memref<2x8x48xi32, #tpu.memory_space<vmem>> -> memref<1x1x48xi32, #tpu.memory_space<vmem>>
      %dma_wait3A_116 = tpu.memref_squeeze %dma_wait3A_115 : memref<1x1x48xi32, #tpu.memory_space<vmem>> -> memref<48xi32, #tpu.memory_space<vmem>>
      %dma_wait3A_117 = arith.constant 0 : i32
      %dma_wait3A_118 = arith.constant 0 : i32
      %dma_wait3A_119 = tpu.memref_slice %arg2[%dma_wait3A_117, %dma_wait3A_118] : memref<10000x128xf32, #tpu.memory_space<hbm>> -> memref<10000x128xf32, #tpu.memory_space<hbm>>
      tpu.wait_indirect_dma semaphore(%arg13 : memref<!tpu.dma_semaphore, #tpu.memory_space<semaphore_mem>>) src(%dma_wait3A_119 : memref<10000x128xf32, #tpu.memory_space<hbm>>) dst(%arg8 : memref<48x128xf32, #tpu.memory_space<vmem>>)
      %dma_start3A_120 = arith.constant 0 : i32
      %dma_start3A_121 = arith.constant 0 : i32
      %dma_start3A_122 = tpu.memref_slice %arg7[%rem3A_110, %dma_start3A_120, %dma_start3A_121] : memref<2x8x48xi32, #tpu.memory_space<vmem>> -> memref<1x1x48xi32, #tpu.memory_space<vmem>>
      %dma_start3A_123 = tpu.memref_squeeze %dma_start3A_122 : memref<1x1x48xi32, #tpu.memory_space<vmem>> -> memref<48xi32, #tpu.memory_space<vmem>>
      %dma_start3A_124 = arith.constant 0 : i32
      %dma_start3A_125 = arith.constant 0 : i32
      %dma_start3A_126 = tpu.memref_slice %arg12[%dma_start3A_124, %dma_start3A_125] : memref<10240x128xf32, #tpu.memory_space<vmem_shared>> -> memref<10240x128xf32, #tpu.memory_space<vmem_shared>>
      tpu.enqueue_indirect_dma source(%arg8 : memref<48x128xf32, #tpu.memory_space<vmem>>) target(%dma_start3A_126 : memref<10240x128xf32, #tpu.memory_space<vmem_shared>>) offsets(%dma_start3A_123 : memref<48xi32, #tpu.memory_space<vmem>>) semaphore(%arg17 : memref<!tpu.dma_semaphore, #tpu.memory_space<semaphore_mem>>) {add = true}
      %gt3A = arith.constant 0 : i32
      %gt3A_127 = arith.cmpi sgt, %scan3A_108, %gt3A : i32
      %convert_element_type3A_128 = arith.extui %gt3A_127 : i1 to i32
      %cond3A_129 = arith.constant 0 : i32
      %cond3A_130 = arith.cmpi ne, %convert_element_type3A_128, %cond3A_129 : i32
      scf.if %cond3A_130 {
        %sub3A = arith.constant 1 : i32
        %sub3A_329 = arith.subi %sub3A, %rem3A_110 : i32
        %dma_wait3A_330 = arith.constant 7 : i32
        %dma_wait3A_331 = arith.constant 0 : i32
        %dma_wait3A_332 = tpu.memref_slice %arg7[%sub3A_329, %dma_wait3A_330, %dma_wait3A_331] : memref<2x8x48xi32, #tpu.memory_space<vmem>> -> memref<1x1x48xi32, #tpu.memory_space<vmem>>
        %dma_wait3A_333 = tpu.memref_squeeze %dma_wait3A_332 : memref<1x1x48xi32, #tpu.memory_space<vmem>> -> memref<48xi32, #tpu.memory_space<vmem>>
        %dma_wait3A_334 = arith.constant 0 : i32
        %dma_wait3A_335 = arith.constant 0 : i32
        %dma_wait3A_336 = tpu.memref_slice %arg12[%dma_wait3A_334, %dma_wait3A_335] : memref<10240x128xf32, #tpu.memory_space<vmem_shared>> -> memref<10240x128xf32, #tpu.memory_space<vmem_shared>>
        tpu.wait_indirect_dma semaphore(%arg20 : memref<!tpu.dma_semaphore, #tpu.memory_space<semaphore_mem>>) src(%arg11 : memref<48x128xf32, #tpu.memory_space<vmem>>) dst(%dma_wait3A_336 : memref<10240x128xf32, #tpu.memory_space<vmem_shared>>)
      } else {
      }
      %dma_start3A_131 = arith.constant 3 : i32
      %dma_start3A_132 = arith.constant 0 : i32
      %dma_start3A_133 = tpu.memref_slice %arg6[%rem3A_110, %dma_start3A_131, %dma_start3A_132] : memref<2x8x48xi32, #tpu.memory_space<vmem>> -> memref<1x1x48xi32, #tpu.memory_space<vmem>>
      %dma_start3A_134 = tpu.memref_squeeze %dma_start3A_133 : memref<1x1x48xi32, #tpu.memory_space<vmem>> -> memref<48xi32, #tpu.memory_space<vmem>>
      %dma_start3A_135 = arith.constant 0 : i32
      %dma_start3A_136 = arith.constant 0 : i32
      %dma_start3A_137 = tpu.memref_slice %arg2[%dma_start3A_135, %dma_start3A_136] : memref<10000x128xf32, #tpu.memory_space<hbm>> -> memref<10000x128xf32, #tpu.memory_space<hbm>>
      tpu.enqueue_indirect_dma source(%dma_start3A_137 : memref<10000x128xf32, #tpu.memory_space<hbm>>) target(%arg11 : memref<48x128xf32, #tpu.memory_space<vmem>>) offsets(%dma_start3A_134 : memref<48xi32, #tpu.memory_space<vmem>>) semaphore(%arg16 : memref<!tpu.dma_semaphore, #tpu.memory_space<semaphore_mem>>)
      %dma_wait3A_138 = arith.constant 1 : i32
      %dma_wait3A_139 = arith.constant 0 : i32
      %dma_wait3A_140 = tpu.memref_slice %arg6[%rem3A_110, %dma_wait3A_138, %dma_wait3A_139] : memref<2x8x48xi32, #tpu.memory_space<vmem>> -> memref<1x1x48xi32, #tpu.memory_space<vmem>>
      %dma_wait3A_141 = tpu.memref_squeeze %dma_wait3A_140 : memref<1x1x48xi32, #tpu.memory_space<vmem>> -> memref<48xi32, #tpu.memory_space<vmem>>
      %dma_wait3A_142 = arith.constant 0 : i32
      %dma_wait3A_143 = arith.constant 0 : i32
      %dma_wait3A_144 = tpu.memref_slice %arg2[%dma_wait3A_142, %dma_wait3A_143] : memref<10000x128xf32, #tpu.memory_space<hbm>> -> memref<10000x128xf32, #tpu.memory_space<hbm>>
      tpu.wait_indirect_dma semaphore(%arg14 : memref<!tpu.dma_semaphore, #tpu.memory_space<semaphore_mem>>) src(%dma_wait3A_144 : memref<10000x128xf32, #tpu.memory_space<hbm>>) dst(%arg9 : memref<48x128xf32, #tpu.memory_space<vmem>>)
      %dma_start3A_145 = arith.constant 1 : i32
      %dma_start3A_146 = arith.constant 0 : i32
      %dma_start3A_147 = tpu.memref_slice %arg7[%rem3A_110, %dma_start3A_145, %dma_start3A_146] : memref<2x8x48xi32, #tpu.memory_space<vmem>> -> memref<1x1x48xi32, #tpu.memory_space<vmem>>
      %dma_start3A_148 = tpu.memref_squeeze %dma_start3A_147 : memref<1x1x48xi32, #tpu.memory_space<vmem>> -> memref<48xi32, #tpu.memory_space<vmem>>
      %dma_start3A_149 = arith.constant 0 : i32
      %dma_start3A_150 = arith.constant 0 : i32
      %dma_start3A_151 = tpu.memref_slice %arg12[%dma_start3A_149, %dma_start3A_150] : memref<10240x128xf32, #tpu.memory_space<vmem_shared>> -> memref<10240x128xf32, #tpu.memory_space<vmem_shared>>
      tpu.enqueue_indirect_dma source(%arg9 : memref<48x128xf32, #tpu.memory_space<vmem>>) target(%dma_start3A_151 : memref<10240x128xf32, #tpu.memory_space<vmem_shared>>) offsets(%dma_start3A_148 : memref<48xi32, #tpu.memory_space<vmem>>) semaphore(%arg18 : memref<!tpu.dma_semaphore, #tpu.memory_space<semaphore_mem>>) {add = true}
      %dma_wait3A_152 = arith.constant 0 : i32
      %dma_wait3A_153 = arith.constant 0 : i32
      %dma_wait3A_154 = tpu.memref_slice %arg7[%rem3A_110, %dma_wait3A_152, %dma_wait3A_153] : memref<2x8x48xi32, #tpu.memory_space<vmem>> -> memref<1x1x48xi32, #tpu.memory_space<vmem>>
      %dma_wait3A_155 = tpu.memref_squeeze %dma_wait3A_154 : memref<1x1x48xi32, #tpu.memory_space<vmem>> -> memref<48xi32, #tpu.memory_space<vmem>>
      %dma_wait3A_156 = arith.constant 0 : i32
      %dma_wait3A_157 = arith.constant 0 : i32
      %dma_wait3A_158 = tpu.memref_slice %arg12[%dma_wait3A_156, %dma_wait3A_157] : memref<10240x128xf32, #tpu.memory_space<vmem_shared>> -> memref<10240x128xf32, #tpu.memory_space<vmem_shared>>
      tpu.wait_indirect_dma semaphore(%arg17 : memref<!tpu.dma_semaphore, #tpu.memory_space<semaphore_mem>>) src(%arg8 : memref<48x128xf32, #tpu.memory_space<vmem>>) dst(%dma_wait3A_158 : memref<10240x128xf32, #tpu.memory_space<vmem_shared>>)
      %dma_start3A_159 = arith.constant 4 : i32
      %dma_start3A_160 = arith.constant 0 : i32
      %dma_start3A_161 = tpu.memref_slice %arg6[%rem3A_110, %dma_start3A_159, %dma_start3A_160] : memref<2x8x48xi32, #tpu.memory_space<vmem>> -> memref<1x1x48xi32, #tpu.memory_space<vmem>>
      %dma_start3A_162 = tpu.memref_squeeze %dma_start3A_161 : memref<1x1x48xi32, #tpu.memory_space<vmem>> -> memref<48xi32, #tpu.memory_space<vmem>>
      %dma_start3A_163 = arith.constant 0 : i32
      %dma_start3A_164 = arith.constant 0 : i32
      %dma_start3A_165 = tpu.memref_slice %arg2[%dma_start3A_163, %dma_start3A_164] : memref<10000x128xf32, #tpu.memory_space<hbm>> -> memref<10000x128xf32, #tpu.memory_space<hbm>>
      tpu.enqueue_indirect_dma source(%dma_start3A_165 : memref<10000x128xf32, #tpu.memory_space<hbm>>) target(%arg8 : memref<48x128xf32, #tpu.memory_space<vmem>>) offsets(%dma_start3A_162 : memref<48xi32, #tpu.memory_space<vmem>>) semaphore(%arg13 : memref<!tpu.dma_semaphore, #tpu.memory_space<semaphore_mem>>)
      %dma_wait3A_166 = arith.constant 2 : i32
      %dma_wait3A_167 = arith.constant 0 : i32
      %dma_wait3A_168 = tpu.memref_slice %arg6[%rem3A_110, %dma_wait3A_166, %dma_wait3A_167] : memref<2x8x48xi32, #tpu.memory_space<vmem>> -> memref<1x1x48xi32, #tpu.memory_space<vmem>>
      %dma_wait3A_169 = tpu.memref_squeeze %dma_wait3A_168 : memref<1x1x48xi32, #tpu.memory_space<vmem>> -> memref<48xi32, #tpu.memory_space<vmem>>
      %dma_wait3A_170 = arith.constant 0 : i32
      %dma_wait3A_171 = arith.constant 0 : i32
      %dma_wait3A_172 = tpu.memref_slice %arg2[%dma_wait3A_170, %dma_wait3A_171] : memref<10000x128xf32, #tpu.memory_space<hbm>> -> memref<10000x128xf32, #tpu.memory_space<hbm>>
      tpu.wait_indirect_dma semaphore(%arg15 : memref<!tpu.dma_semaphore, #tpu.memory_space<semaphore_mem>>) src(%dma_wait3A_172 : memref<10000x128xf32, #tpu.memory_space<hbm>>) dst(%arg10 : memref<48x128xf32, #tpu.memory_space<vmem>>)
      %dma_start3A_173 = arith.constant 2 : i32
      %dma_start3A_174 = arith.constant 0 : i32
      %dma_start3A_175 = tpu.memref_slice %arg7[%rem3A_110, %dma_start3A_173, %dma_start3A_174] : memref<2x8x48xi32, #tpu.memory_space<vmem>> -> memref<1x1x48xi32, #tpu.memory_space<vmem>>
      %dma_start3A_176 = tpu.memref_squeeze %dma_start3A_175 : memref<1x1x48xi32, #tpu.memory_space<vmem>> -> memref<48xi32, #tpu.memory_space<vmem>>
      %dma_start3A_177 = arith.constant 0 : i32
      %dma_start3A_178 = arith.constant 0 : i32
      %dma_start3A_179 = tpu.memref_slice %arg12[%dma_start3A_177, %dma_start3A_178] : memref<10240x128xf32, #tpu.memory_space<vmem_shared>> -> memref<10240x128xf32, #tpu.memory_space<vmem_shared>>
      tpu.enqueue_indirect_dma source(%arg10 : memref<48x128xf32, #tpu.memory_space<vmem>>) target(%dma_start3A_179 : memref<10240x128xf32, #tpu.memory_space<vmem_shared>>) offsets(%dma_start3A_176 : memref<48xi32, #tpu.memory_space<vmem>>) semaphore(%arg19 : memref<!tpu.dma_semaphore, #tpu.memory_space<semaphore_mem>>) {add = true}
      %dma_wait3A_180 = arith.constant 1 : i32
      %dma_wait3A_181 = arith.constant 0 : i32
      %dma_wait3A_182 = tpu.memref_slice %arg7[%rem3A_110, %dma_wait3A_180, %dma_wait3A_181] : memref<2x8x48xi32, #tpu.memory_space<vmem>> -> memref<1x1x48xi32, #tpu.memory_space<vmem>>
      %dma_wait3A_183 = tpu.memref_squeeze %dma_wait3A_182 : memref<1x1x48xi32, #tpu.memory_space<vmem>> -> memref<48xi32, #tpu.memory_space<vmem>>
      %dma_wait3A_184 = arith.constant 0 : i32
      %dma_wait3A_185 = arith.constant 0 : i32
      %dma_wait3A_186 = tpu.memref_slice %arg12[%dma_wait3A_184, %dma_wait3A_185] : memref<10240x128xf32, #tpu.memory_space<vmem_shared>> -> memref<10240x128xf32, #tpu.memory_space<vmem_shared>>
      tpu.wait_indirect_dma semaphore(%arg18 : memref<!tpu.dma_semaphore, #tpu.memory_space<semaphore_mem>>) src(%arg9 : memref<48x128xf32, #tpu.memory_space<vmem>>) dst(%dma_wait3A_186 : memref<10240x128xf32, #tpu.memory_space<vmem_shared>>)
      %dma_start3A_187 = arith.constant 5 : i32
      %dma_start3A_188 = arith.constant 0 : i32
      %dma_start3A_189 = tpu.memref_slice %arg6[%rem3A_110, %dma_start3A_187, %dma_start3A_188] : memref<2x8x48xi32, #tpu.memory_space<vmem>> -> memref<1x1x48xi32, #tpu.memory_space<vmem>>
      %dma_start3A_190 = tpu.memref_squeeze %dma_start3A_189 : memref<1x1x48xi32, #tpu.memory_space<vmem>> -> memref<48xi32, #tpu.memory_space<vmem>>
      %dma_start3A_191 = arith.constant 0 : i32
      %dma_start3A_192 = arith.constant 0 : i32
      %dma_start3A_193 = tpu.memref_slice %arg2[%dma_start3A_191, %dma_start3A_192] : memref<10000x128xf32, #tpu.memory_space<hbm>> -> memref<10000x128xf32, #tpu.memory_space<hbm>>
      tpu.enqueue_indirect_dma source(%dma_start3A_193 : memref<10000x128xf32, #tpu.memory_space<hbm>>) target(%arg9 : memref<48x128xf32, #tpu.memory_space<vmem>>) offsets(%dma_start3A_190 : memref<48xi32, #tpu.memory_space<vmem>>) semaphore(%arg14 : memref<!tpu.dma_semaphore, #tpu.memory_space<semaphore_mem>>)
      %dma_wait3A_194 = arith.constant 3 : i32
      %dma_wait3A_195 = arith.constant 0 : i32
      %dma_wait3A_196 = tpu.memref_slice %arg6[%rem3A_110, %dma_wait3A_194, %dma_wait3A_195] : memref<2x8x48xi32, #tpu.memory_space<vmem>> -> memref<1x1x48xi32, #tpu.memory_space<vmem>>
      %dma_wait3A_197 = tpu.memref_squeeze %dma_wait3A_196 : memref<1x1x48xi32, #tpu.memory_space<vmem>> -> memref<48xi32, #tpu.memory_space<vmem>>
      %dma_wait3A_198 = arith.constant 0 : i32
      %dma_wait3A_199 = arith.constant 0 : i32
      %dma_wait3A_200 = tpu.memref_slice %arg2[%dma_wait3A_198, %dma_wait3A_199] : memref<10000x128xf32, #tpu.memory_space<hbm>> -> memref<10000x128xf32, #tpu.memory_space<hbm>>
      tpu.wait_indirect_dma semaphore(%arg16 : memref<!tpu.dma_semaphore, #tpu.memory_space<semaphore_mem>>) src(%dma_wait3A_200 : memref<10000x128xf32, #tpu.memory_space<hbm>>) dst(%arg11 : memref<48x128xf32, #tpu.memory_space<vmem>>)
      %dma_start3A_201 = arith.constant 3 : i32
      %dma_start3A_202 = arith.constant 0 : i32
      %dma_start3A_203 = tpu.memref_slice %arg7[%rem3A_110, %dma_start3A_201, %dma_start3A_202] : memref<2x8x48xi32, #tpu.memory_space<vmem>> -> memref<1x1x48xi32, #tpu.memory_space<vmem>>
      %dma_start3A_204 = tpu.memref_squeeze %dma_start3A_203 : memref<1x1x48xi32, #tpu.memory_space<vmem>> -> memref<48xi32, #tpu.memory_space<vmem>>
      %dma_start3A_205 = arith.constant 0 : i32
      %dma_start3A_206 = arith.constant 0 : i32
      %dma_start3A_207 = tpu.memref_slice %arg12[%dma_start3A_205, %dma_start3A_206] : memref<10240x128xf32, #tpu.memory_space<vmem_shared>> -> memref<10240x128xf32, #tpu.memory_space<vmem_shared>>
      tpu.enqueue_indirect_dma source(%arg11 : memref<48x128xf32, #tpu.memory_space<vmem>>) target(%dma_start3A_207 : memref<10240x128xf32, #tpu.memory_space<vmem_shared>>) offsets(%dma_start3A_204 : memref<48xi32, #tpu.memory_space<vmem>>) semaphore(%arg20 : memref<!tpu.dma_semaphore, #tpu.memory_space<semaphore_mem>>) {add = true}
      %dma_wait3A_208 = arith.constant 2 : i32
      %dma_wait3A_209 = arith.constant 0 : i32
      %dma_wait3A_210 = tpu.memref_slice %arg7[%rem3A_110, %dma_wait3A_208, %dma_wait3A_209] : memref<2x8x48xi32, #tpu.memory_space<vmem>> -> memref<1x1x48xi32, #tpu.memory_space<vmem>>
      %dma_wait3A_211 = tpu.memref_squeeze %dma_wait3A_210 : memref<1x1x48xi32, #tpu.memory_space<vmem>> -> memref<48xi32, #tpu.memory_space<vmem>>
      %dma_wait3A_212 = arith.constant 0 : i32
      %dma_wait3A_213 = arith.constant 0 : i32
      %dma_wait3A_214 = tpu.memref_slice %arg12[%dma_wait3A_212, %dma_wait3A_213] : memref<10240x128xf32, #tpu.memory_space<vmem_shared>> -> memref<10240x128xf32, #tpu.memory_space<vmem_shared>>
      tpu.wait_indirect_dma semaphore(%arg19 : memref<!tpu.dma_semaphore, #tpu.memory_space<semaphore_mem>>) src(%arg10 : memref<48x128xf32, #tpu.memory_space<vmem>>) dst(%dma_wait3A_214 : memref<10240x128xf32, #tpu.memory_space<vmem_shared>>)
      %dma_start3A_215 = arith.constant 6 : i32
      %dma_start3A_216 = arith.constant 0 : i32
      %dma_start3A_217 = tpu.memref_slice %arg6[%rem3A_110, %dma_start3A_215, %dma_start3A_216] : memref<2x8x48xi32, #tpu.memory_space<vmem>> -> memref<1x1x48xi32, #tpu.memory_space<vmem>>
      %dma_start3A_218 = tpu.memref_squeeze %dma_start3A_217 : memref<1x1x48xi32, #tpu.memory_space<vmem>> -> memref<48xi32, #tpu.memory_space<vmem>>
      %dma_start3A_219 = arith.constant 0 : i32
      %dma_start3A_220 = arith.constant 0 : i32
      %dma_start3A_221 = tpu.memref_slice %arg2[%dma_start3A_219, %dma_start3A_220] : memref<10000x128xf32, #tpu.memory_space<hbm>> -> memref<10000x128xf32, #tpu.memory_space<hbm>>
      tpu.enqueue_indirect_dma source(%dma_start3A_221 : memref<10000x128xf32, #tpu.memory_space<hbm>>) target(%arg10 : memref<48x128xf32, #tpu.memory_space<vmem>>) offsets(%dma_start3A_218 : memref<48xi32, #tpu.memory_space<vmem>>) semaphore(%arg15 : memref<!tpu.dma_semaphore, #tpu.memory_space<semaphore_mem>>)
      %dma_wait3A_222 = arith.constant 4 : i32
      %dma_wait3A_223 = arith.constant 0 : i32
      %dma_wait3A_224 = tpu.memref_slice %arg6[%rem3A_110, %dma_wait3A_222, %dma_wait3A_223] : memref<2x8x48xi32, #tpu.memory_space<vmem>> -> memref<1x1x48xi32, #tpu.memory_space<vmem>>
      %dma_wait3A_225 = tpu.memref_squeeze %dma_wait3A_224 : memref<1x1x48xi32, #tpu.memory_space<vmem>> -> memref<48xi32, #tpu.memory_space<vmem>>
      %dma_wait3A_226 = arith.constant 0 : i32
      %dma_wait3A_227 = arith.constant 0 : i32
      %dma_wait3A_228 = tpu.memref_slice %arg2[%dma_wait3A_226, %dma_wait3A_227] : memref<10000x128xf32, #tpu.memory_space<hbm>> -> memref<10000x128xf32, #tpu.memory_space<hbm>>
      tpu.wait_indirect_dma semaphore(%arg13 : memref<!tpu.dma_semaphore, #tpu.memory_space<semaphore_mem>>) src(%dma_wait3A_228 : memref<10000x128xf32, #tpu.memory_space<hbm>>) dst(%arg8 : memref<48x128xf32, #tpu.memory_space<vmem>>)
      %dma_start3A_229 = arith.constant 4 : i32
      %dma_start3A_230 = arith.constant 0 : i32
      %dma_start3A_231 = tpu.memref_slice %arg7[%rem3A_110, %dma_start3A_229, %dma_start3A_230] : memref<2x8x48xi32, #tpu.memory_space<vmem>> -> memref<1x1x48xi32, #tpu.memory_space<vmem>>
      %dma_start3A_232 = tpu.memref_squeeze %dma_start3A_231 : memref<1x1x48xi32, #tpu.memory_space<vmem>> -> memref<48xi32, #tpu.memory_space<vmem>>
      %dma_start3A_233 = arith.constant 0 : i32
      %dma_start3A_234 = arith.constant 0 : i32
      %dma_start3A_235 = tpu.memref_slice %arg12[%dma_start3A_233, %dma_start3A_234] : memref<10240x128xf32, #tpu.memory_space<vmem_shared>> -> memref<10240x128xf32, #tpu.memory_space<vmem_shared>>
      tpu.enqueue_indirect_dma source(%arg8 : memref<48x128xf32, #tpu.memory_space<vmem>>) target(%dma_start3A_235 : memref<10240x128xf32, #tpu.memory_space<vmem_shared>>) offsets(%dma_start3A_232 : memref<48xi32, #tpu.memory_space<vmem>>) semaphore(%arg17 : memref<!tpu.dma_semaphore, #tpu.memory_space<semaphore_mem>>) {add = true}
      %dma_wait3A_236 = arith.constant 3 : i32
      %dma_wait3A_237 = arith.constant 0 : i32
      %dma_wait3A_238 = tpu.memref_slice %arg7[%rem3A_110, %dma_wait3A_236, %dma_wait3A_237] : memref<2x8x48xi32, #tpu.memory_space<vmem>> -> memref<1x1x48xi32, #tpu.memory_space<vmem>>
      %dma_wait3A_239 = tpu.memref_squeeze %dma_wait3A_238 : memref<1x1x48xi32, #tpu.memory_space<vmem>> -> memref<48xi32, #tpu.memory_space<vmem>>
      %dma_wait3A_240 = arith.constant 0 : i32
      %dma_wait3A_241 = arith.constant 0 : i32
      %dma_wait3A_242 = tpu.memref_slice %arg12[%dma_wait3A_240, %dma_wait3A_241] : memref<10240x128xf32, #tpu.memory_space<vmem_shared>> -> memref<10240x128xf32, #tpu.memory_space<vmem_shared>>
      tpu.wait_indirect_dma semaphore(%arg20 : memref<!tpu.dma_semaphore, #tpu.memory_space<semaphore_mem>>) src(%arg11 : memref<48x128xf32, #tpu.memory_space<vmem>>) dst(%dma_wait3A_242 : memref<10240x128xf32, #tpu.memory_space<vmem_shared>>)
      %dma_start3A_243 = arith.constant 7 : i32
      %dma_start3A_244 = arith.constant 0 : i32
      %dma_start3A_245 = tpu.memref_slice %arg6[%rem3A_110, %dma_start3A_243, %dma_start3A_244] : memref<2x8x48xi32, #tpu.memory_space<vmem>> -> memref<1x1x48xi32, #tpu.memory_space<vmem>>
      %dma_start3A_246 = tpu.memref_squeeze %dma_start3A_245 : memref<1x1x48xi32, #tpu.memory_space<vmem>> -> memref<48xi32, #tpu.memory_space<vmem>>
      %dma_start3A_247 = arith.constant 0 : i32
      %dma_start3A_248 = arith.constant 0 : i32
      %dma_start3A_249 = tpu.memref_slice %arg2[%dma_start3A_247, %dma_start3A_248] : memref<10000x128xf32, #tpu.memory_space<hbm>> -> memref<10000x128xf32, #tpu.memory_space<hbm>>
      tpu.enqueue_indirect_dma source(%dma_start3A_249 : memref<10000x128xf32, #tpu.memory_space<hbm>>) target(%arg11 : memref<48x128xf32, #tpu.memory_space<vmem>>) offsets(%dma_start3A_246 : memref<48xi32, #tpu.memory_space<vmem>>) semaphore(%arg16 : memref<!tpu.dma_semaphore, #tpu.memory_space<semaphore_mem>>)
      %dma_wait3A_250 = arith.constant 5 : i32
      %dma_wait3A_251 = arith.constant 0 : i32
      %dma_wait3A_252 = tpu.memref_slice %arg6[%rem3A_110, %dma_wait3A_250, %dma_wait3A_251] : memref<2x8x48xi32, #tpu.memory_space<vmem>> -> memref<1x1x48xi32, #tpu.memory_space<vmem>>
      %dma_wait3A_253 = tpu.memref_squeeze %dma_wait3A_252 : memref<1x1x48xi32, #tpu.memory_space<vmem>> -> memref<48xi32, #tpu.memory_space<vmem>>
      %dma_wait3A_254 = arith.constant 0 : i32
      %dma_wait3A_255 = arith.constant 0 : i32
      %dma_wait3A_256 = tpu.memref_slice %arg2[%dma_wait3A_254, %dma_wait3A_255] : memref<10000x128xf32, #tpu.memory_space<hbm>> -> memref<10000x128xf32, #tpu.memory_space<hbm>>
      tpu.wait_indirect_dma semaphore(%arg14 : memref<!tpu.dma_semaphore, #tpu.memory_space<semaphore_mem>>) src(%dma_wait3A_256 : memref<10000x128xf32, #tpu.memory_space<hbm>>) dst(%arg9 : memref<48x128xf32, #tpu.memory_space<vmem>>)
      %dma_start3A_257 = arith.constant 5 : i32
      %dma_start3A_258 = arith.constant 0 : i32
      %dma_start3A_259 = tpu.memref_slice %arg7[%rem3A_110, %dma_start3A_257, %dma_start3A_258] : memref<2x8x48xi32, #tpu.memory_space<vmem>> -> memref<1x1x48xi32, #tpu.memory_space<vmem>>
      %dma_start3A_260 = tpu.memref_squeeze %dma_start3A_259 : memref<1x1x48xi32, #tpu.memory_space<vmem>> -> memref<48xi32, #tpu.memory_space<vmem>>
      %dma_start3A_261 = arith.constant 0 : i32
      %dma_start3A_262 = arith.constant 0 : i32
      %dma_start3A_263 = tpu.memref_slice %arg12[%dma_start3A_261, %dma_start3A_262] : memref<10240x128xf32, #tpu.memory_space<vmem_shared>> -> memref<10240x128xf32, #tpu.memory_space<vmem_shared>>
      tpu.enqueue_indirect_dma source(%arg9 : memref<48x128xf32, #tpu.memory_space<vmem>>) target(%dma_start3A_263 : memref<10240x128xf32, #tpu.memory_space<vmem_shared>>) offsets(%dma_start3A_260 : memref<48xi32, #tpu.memory_space<vmem>>) semaphore(%arg18 : memref<!tpu.dma_semaphore, #tpu.memory_space<semaphore_mem>>) {add = true}
      %dma_wait3A_264 = arith.constant 4 : i32
      %dma_wait3A_265 = arith.constant 0 : i32
      %dma_wait3A_266 = tpu.memref_slice %arg7[%rem3A_110, %dma_wait3A_264, %dma_wait3A_265] : memref<2x8x48xi32, #tpu.memory_space<vmem>> -> memref<1x1x48xi32, #tpu.memory_space<vmem>>
      %dma_wait3A_267 = tpu.memref_squeeze %dma_wait3A_266 : memref<1x1x48xi32, #tpu.memory_space<vmem>> -> memref<48xi32, #tpu.memory_space<vmem>>
      %dma_wait3A_268 = arith.constant 0 : i32
      %dma_wait3A_269 = arith.constant 0 : i32
      %dma_wait3A_270 = tpu.memref_slice %arg12[%dma_wait3A_268, %dma_wait3A_269] : memref<10240x128xf32, #tpu.memory_space<vmem_shared>> -> memref<10240x128xf32, #tpu.memory_space<vmem_shared>>
      tpu.wait_indirect_dma semaphore(%arg17 : memref<!tpu.dma_semaphore, #tpu.memory_space<semaphore_mem>>) src(%arg8 : memref<48x128xf32, #tpu.memory_space<vmem>>) dst(%dma_wait3A_270 : memref<10240x128xf32, #tpu.memory_space<vmem_shared>>)
      %lt3A_271 = arith.constant 26 : i32
      %lt3A_272 = arith.cmpi slt, %scan3A_108, %lt3A_271 : i32
      %convert_element_type3A_273 = arith.extui %lt3A_272 : i1 to i32
      %cond3A_274 = arith.constant 0 : i32
      %cond3A_275 = arith.cmpi ne, %convert_element_type3A_273, %cond3A_274 : i32
      scf.if %cond3A_275 {
        %add3A_329 = arith.constant 1 : i32
        %add3A_330 = arith.addi %scan3A_108, %add3A_329 : i32
        %sub3A = arith.constant 1 : i32
        %sub3A_331 = arith.subi %sub3A, %rem3A_110 : i32
        %dma_wait3A_332 = arith.constant 0 : i32
        %dma_wait3A_333 = arith.constant 0 : i32
        %dma_wait3A_334 = tpu.memref_slice %arg6[%sub3A_331, %dma_wait3A_332, %dma_wait3A_333] : memref<2x8x48xi32, #tpu.memory_space<vmem>> -> memref<1x8x48xi32, #tpu.memory_space<vmem>>
        %dma_wait3A_335 = tpu.memref_squeeze %dma_wait3A_334 : memref<1x8x48xi32, #tpu.memory_space<vmem>> -> memref<8x48xi32, #tpu.memory_space<vmem>>
        %dma_wait3A_336 = arith.constant 0 : i32
        %dma_wait3A_337 = arith.constant 0 : i32
        %dma_wait3A_338 = tpu.memref_slice %arg3[%add3A, %add3A_330, %dma_wait3A_336, %dma_wait3A_337] : memref<32x27x8x48xi32, #tpu.memory_space<hbm>> -> memref<1x1x8x48xi32, #tpu.memory_space<hbm>>
        %dma_wait3A_339 = tpu.memref_squeeze %dma_wait3A_338 : memref<1x1x8x48xi32, #tpu.memory_space<hbm>> -> memref<8x48xi32, #tpu.memory_space<hbm>>
        %dma_wait3A_340 = arith.constant 0 : i32
        %dma_wait3A_341 = arith.constant 0 : i32
        %dma_wait3A_342 = tpu.memref_slice %arg6[%sub3A_331, %dma_wait3A_340, %dma_wait3A_341] : memref<2x8x48xi32, #tpu.memory_space<vmem>> -> memref<1x8x48xi32, #tpu.memory_space<vmem>>
        %dma_wait3A_343 = tpu.memref_squeeze %dma_wait3A_342 : memref<1x8x48xi32, #tpu.memory_space<vmem>> -> memref<8x48xi32, #tpu.memory_space<vmem>>
        %dma_wait3A_344 = arith.constant 0 : i32
        %dma_wait3A_345 = arith.constant 0 : i32
        %dma_wait3A_346 = tpu.memref_slice %arg3[%add3A, %add3A_330, %dma_wait3A_344, %dma_wait3A_345] : memref<32x27x8x48xi32, #tpu.memory_space<hbm>> -> memref<1x1x8x48xi32, #tpu.memory_space<hbm>>
        %dma_wait3A_347 = tpu.memref_squeeze %dma_wait3A_346 : memref<1x1x8x48xi32, #tpu.memory_space<hbm>> -> memref<8x48xi32, #tpu.memory_space<hbm>>
        tpu.wait_dma2 semaphore(%arg21 : memref<!tpu.dma_semaphore, #tpu.memory_space<semaphore_mem>>) src(%dma_wait3A_347 : memref<8x48xi32, #tpu.memory_space<hbm>>) dst(%dma_wait3A_343 : memref<8x48xi32, #tpu.memory_space<vmem>>)
        %add3A_348 = arith.constant 1 : i32
        %add3A_349 = arith.addi %scan3A_108, %add3A_348 : i32
        %sub3A_350 = arith.constant 1 : i32
        %sub3A_351 = arith.subi %sub3A_350, %rem3A_110 : i32
        %dma_wait3A_352 = arith.constant 0 : i32
        %dma_wait3A_353 = arith.constant 0 : i32
        %dma_wait3A_354 = tpu.memref_slice %arg7[%sub3A_351, %dma_wait3A_352, %dma_wait3A_353] : memref<2x8x48xi32, #tpu.memory_space<vmem>> -> memref<1x8x48xi32, #tpu.memory_space<vmem>>
        %dma_wait3A_355 = tpu.memref_squeeze %dma_wait3A_354 : memref<1x8x48xi32, #tpu.memory_space<vmem>> -> memref<8x48xi32, #tpu.memory_space<vmem>>
        %dma_wait3A_356 = arith.constant 0 : i32
        %dma_wait3A_357 = arith.constant 0 : i32
        %dma_wait3A_358 = tpu.memref_slice %arg4[%add3A, %add3A_349, %dma_wait3A_356, %dma_wait3A_357] : memref<32x27x8x48xi32, #tpu.memory_space<hbm>> -> memref<1x1x8x48xi32, #tpu.memory_space<hbm>>
        %dma_wait3A_359 = tpu.memref_squeeze %dma_wait3A_358 : memref<1x1x8x48xi32, #tpu.memory_space<hbm>> -> memref<8x48xi32, #tpu.memory_space<hbm>>
        %dma_wait3A_360 = arith.constant 0 : i32
        %dma_wait3A_361 = arith.constant 0 : i32
        %dma_wait3A_362 = tpu.memref_slice %arg7[%sub3A_351, %dma_wait3A_360, %dma_wait3A_361] : memref<2x8x48xi32, #tpu.memory_space<vmem>> -> memref<1x8x48xi32, #tpu.memory_space<vmem>>
        %dma_wait3A_363 = tpu.memref_squeeze %dma_wait3A_362 : memref<1x8x48xi32, #tpu.memory_space<vmem>> -> memref<8x48xi32, #tpu.memory_space<vmem>>
        %dma_wait3A_364 = arith.constant 0 : i32
        %dma_wait3A_365 = arith.constant 0 : i32
        %dma_wait3A_366 = tpu.memref_slice %arg4[%add3A, %add3A_349, %dma_wait3A_364, %dma_wait3A_365] : memref<32x27x8x48xi32, #tpu.memory_space<hbm>> -> memref<1x1x8x48xi32, #tpu.memory_space<hbm>>
        %dma_wait3A_367 = tpu.memref_squeeze %dma_wait3A_366 : memref<1x1x8x48xi32, #tpu.memory_space<hbm>> -> memref<8x48xi32, #tpu.memory_space<hbm>>
        tpu.wait_dma2 semaphore(%arg21 : memref<!tpu.dma_semaphore, #tpu.memory_space<semaphore_mem>>) src(%dma_wait3A_367 : memref<8x48xi32, #tpu.memory_space<hbm>>) dst(%dma_wait3A_363 : memref<8x48xi32, #tpu.memory_space<vmem>>)
        %sub3A_368 = arith.constant 1 : i32
        %sub3A_369 = arith.subi %sub3A_368, %rem3A_110 : i32
        %dma_start3A_370 = arith.constant 0 : i32
        %dma_start3A_371 = arith.constant 0 : i32
        %dma_start3A_372 = tpu.memref_slice %arg6[%sub3A_369, %dma_start3A_370, %dma_start3A_371] : memref<2x8x48xi32, #tpu.memory_space<vmem>> -> memref<1x1x48xi32, #tpu.memory_space<vmem>>
        %dma_start3A_373 = tpu.memref_squeeze %dma_start3A_372 : memref<1x1x48xi32, #tpu.memory_space<vmem>> -> memref<48xi32, #tpu.memory_space<vmem>>
        %dma_start3A_374 = arith.constant 0 : i32
        %dma_start3A_375 = arith.constant 0 : i32
        %dma_start3A_376 = tpu.memref_slice %arg2[%dma_start3A_374, %dma_start3A_375] : memref<10000x128xf32, #tpu.memory_space<hbm>> -> memref<10000x128xf32, #tpu.memory_space<hbm>>
        tpu.enqueue_indirect_dma source(%dma_start3A_376 : memref<10000x128xf32, #tpu.memory_space<hbm>>) target(%arg8 : memref<48x128xf32, #tpu.memory_space<vmem>>) offsets(%dma_start3A_373 : memref<48xi32, #tpu.memory_space<vmem>>) semaphore(%arg13 : memref<!tpu.dma_semaphore, #tpu.memory_space<semaphore_mem>>)
      } else {
      }
      %dma_wait3A_276 = arith.constant 6 : i32
      %dma_wait3A_277 = arith.constant 0 : i32
      %dma_wait3A_278 = tpu.memref_slice %arg6[%rem3A_110, %dma_wait3A_276, %dma_wait3A_277] : memref<2x8x48xi32, #tpu.memory_space<vmem>> -> memref<1x1x48xi32, #tpu.memory_space<vmem>>
      %dma_wait3A_279 = tpu.memref_squeeze %dma_wait3A_278 : memref<1x1x48xi32, #tpu.memory_space<vmem>> -> memref<48xi32, #tpu.memory_space<vmem>>
      %dma_wait3A_280 = arith.constant 0 : i32
      %dma_wait3A_281 = arith.constant 0 : i32
      %dma_wait3A_282 = tpu.memref_slice %arg2[%dma_wait3A_280, %dma_wait3A_281] : memref<10000x128xf32, #tpu.memory_space<hbm>> -> memref<10000x128xf32, #tpu.memory_space<hbm>>
      tpu.wait_indirect_dma semaphore(%arg15 : memref<!tpu.dma_semaphore, #tpu.memory_space<semaphore_mem>>) src(%dma_wait3A_282 : memref<10000x128xf32, #tpu.memory_space<hbm>>) dst(%arg10 : memref<48x128xf32, #tpu.memory_space<vmem>>)
      %dma_start3A_283 = arith.constant 6 : i32
      %dma_start3A_284 = arith.constant 0 : i32
      %dma_start3A_285 = tpu.memref_slice %arg7[%rem3A_110, %dma_start3A_283, %dma_start3A_284] : memref<2x8x48xi32, #tpu.memory_space<vmem>> -> memref<1x1x48xi32, #tpu.memory_space<vmem>>
      %dma_start3A_286 = tpu.memref_squeeze %dma_start3A_285 : memref<1x1x48xi32, #tpu.memory_space<vmem>> -> memref<48xi32, #tpu.memory_space<vmem>>
      %dma_start3A_287 = arith.constant 0 : i32
      %dma_start3A_288 = arith.constant 0 : i32
      %dma_start3A_289 = tpu.memref_slice %arg12[%dma_start3A_287, %dma_start3A_288] : memref<10240x128xf32, #tpu.memory_space<vmem_shared>> -> memref<10240x128xf32, #tpu.memory_space<vmem_shared>>
      tpu.enqueue_indirect_dma source(%arg10 : memref<48x128xf32, #tpu.memory_space<vmem>>) target(%dma_start3A_289 : memref<10240x128xf32, #tpu.memory_space<vmem_shared>>) offsets(%dma_start3A_286 : memref<48xi32, #tpu.memory_space<vmem>>) semaphore(%arg19 : memref<!tpu.dma_semaphore, #tpu.memory_space<semaphore_mem>>) {add = true}
      %dma_wait3A_290 = arith.constant 5 : i32
      %dma_wait3A_291 = arith.constant 0 : i32
      %dma_wait3A_292 = tpu.memref_slice %arg7[%rem3A_110, %dma_wait3A_290, %dma_wait3A_291] : memref<2x8x48xi32, #tpu.memory_space<vmem>> -> memref<1x1x48xi32, #tpu.memory_space<vmem>>
      %dma_wait3A_293 = tpu.memref_squeeze %dma_wait3A_292 : memref<1x1x48xi32, #tpu.memory_space<vmem>> -> memref<48xi32, #tpu.memory_space<vmem>>
      %dma_wait3A_294 = arith.constant 0 : i32
      %dma_wait3A_295 = arith.constant 0 : i32
      %dma_wait3A_296 = tpu.memref_slice %arg12[%dma_wait3A_294, %dma_wait3A_295] : memref<10240x128xf32, #tpu.memory_space<vmem_shared>> -> memref<10240x128xf32, #tpu.memory_space<vmem_shared>>
      tpu.wait_indirect_dma semaphore(%arg18 : memref<!tpu.dma_semaphore, #tpu.memory_space<semaphore_mem>>) src(%arg9 : memref<48x128xf32, #tpu.memory_space<vmem>>) dst(%dma_wait3A_296 : memref<10240x128xf32, #tpu.memory_space<vmem_shared>>)
      %lt3A_297 = arith.constant 26 : i32
      %lt3A_298 = arith.cmpi slt, %scan3A_108, %lt3A_297 : i32
      %convert_element_type3A_299 = arith.extui %lt3A_298 : i1 to i32
      %cond3A_300 = arith.constant 0 : i32
      %cond3A_301 = arith.cmpi ne, %convert_element_type3A_299, %cond3A_300 : i32
      scf.if %cond3A_301 {
        %sub3A = arith.constant 1 : i32
        %sub3A_329 = arith.subi %sub3A, %rem3A_110 : i32
        %dma_start3A_330 = arith.constant 1 : i32
        %dma_start3A_331 = arith.constant 0 : i32
        %dma_start3A_332 = tpu.memref_slice %arg6[%sub3A_329, %dma_start3A_330, %dma_start3A_331] : memref<2x8x48xi32, #tpu.memory_space<vmem>> -> memref<1x1x48xi32, #tpu.memory_space<vmem>>
        %dma_start3A_333 = tpu.memref_squeeze %dma_start3A_332 : memref<1x1x48xi32, #tpu.memory_space<vmem>> -> memref<48xi32, #tpu.memory_space<vmem>>
        %dma_start3A_334 = arith.constant 0 : i32
        %dma_start3A_335 = arith.constant 0 : i32
        %dma_start3A_336 = tpu.memref_slice %arg2[%dma_start3A_334, %dma_start3A_335] : memref<10000x128xf32, #tpu.memory_space<hbm>> -> memref<10000x128xf32, #tpu.memory_space<hbm>>
        tpu.enqueue_indirect_dma source(%dma_start3A_336 : memref<10000x128xf32, #tpu.memory_space<hbm>>) target(%arg9 : memref<48x128xf32, #tpu.memory_space<vmem>>) offsets(%dma_start3A_333 : memref<48xi32, #tpu.memory_space<vmem>>) semaphore(%arg14 : memref<!tpu.dma_semaphore, #tpu.memory_space<semaphore_mem>>)
      } else {
      }
      %dma_wait3A_302 = arith.constant 7 : i32
      %dma_wait3A_303 = arith.constant 0 : i32
      %dma_wait3A_304 = tpu.memref_slice %arg6[%rem3A_110, %dma_wait3A_302, %dma_wait3A_303] : memref<2x8x48xi32, #tpu.memory_space<vmem>> -> memref<1x1x48xi32, #tpu.memory_space<vmem>>
      %dma_wait3A_305 = tpu.memref_squeeze %dma_wait3A_304 : memref<1x1x48xi32, #tpu.memory_space<vmem>> -> memref<48xi32, #tpu.memory_space<vmem>>
      %dma_wait3A_306 = arith.constant 0 : i32
      %dma_wait3A_307 = arith.constant 0 : i32
      %dma_wait3A_308 = tpu.memref_slice %arg2[%dma_wait3A_306, %dma_wait3A_307] : memref<10000x128xf32, #tpu.memory_space<hbm>> -> memref<10000x128xf32, #tpu.memory_space<hbm>>
      tpu.wait_indirect_dma semaphore(%arg16 : memref<!tpu.dma_semaphore, #tpu.memory_space<semaphore_mem>>) src(%dma_wait3A_308 : memref<10000x128xf32, #tpu.memory_space<hbm>>) dst(%arg11 : memref<48x128xf32, #tpu.memory_space<vmem>>)
      %dma_start3A_309 = arith.constant 7 : i32
      %dma_start3A_310 = arith.constant 0 : i32
      %dma_start3A_311 = tpu.memref_slice %arg7[%rem3A_110, %dma_start3A_309, %dma_start3A_310] : memref<2x8x48xi32, #tpu.memory_space<vmem>> -> memref<1x1x48xi32, #tpu.memory_space<vmem>>
      %dma_start3A_312 = tpu.memref_squeeze %dma_start3A_311 : memref<1x1x48xi32, #tpu.memory_space<vmem>> -> memref<48xi32, #tpu.memory_space<vmem>>
      %dma_start3A_313 = arith.constant 0 : i32
      %dma_start3A_314 = arith.constant 0 : i32
      %dma_start3A_315 = tpu.memref_slice %arg12[%dma_start3A_313, %dma_start3A_314] : memref<10240x128xf32, #tpu.memory_space<vmem_shared>> -> memref<10240x128xf32, #tpu.memory_space<vmem_shared>>
      tpu.enqueue_indirect_dma source(%arg11 : memref<48x128xf32, #tpu.memory_space<vmem>>) target(%dma_start3A_315 : memref<10240x128xf32, #tpu.memory_space<vmem_shared>>) offsets(%dma_start3A_312 : memref<48xi32, #tpu.memory_space<vmem>>) semaphore(%arg20 : memref<!tpu.dma_semaphore, #tpu.memory_space<semaphore_mem>>) {add = true}
      %dma_wait3A_316 = arith.constant 6 : i32
      %dma_wait3A_317 = arith.constant 0 : i32
      %dma_wait3A_318 = tpu.memref_slice %arg7[%rem3A_110, %dma_wait3A_316, %dma_wait3A_317] : memref<2x8x48xi32, #tpu.memory_space<vmem>> -> memref<1x1x48xi32, #tpu.memory_space<vmem>>
      %dma_wait3A_319 = tpu.memref_squeeze %dma_wait3A_318 : memref<1x1x48xi32, #tpu.memory_space<vmem>> -> memref<48xi32, #tpu.memory_space<vmem>>
      %dma_wait3A_320 = arith.constant 0 : i32
      %dma_wait3A_321 = arith.constant 0 : i32
      %dma_wait3A_322 = tpu.memref_slice %arg12[%dma_wait3A_320, %dma_wait3A_321] : memref<10240x128xf32, #tpu.memory_space<vmem_shared>> -> memref<10240x128xf32, #tpu.memory_space<vmem_shared>>
      tpu.wait_indirect_dma semaphore(%arg19 : memref<!tpu.dma_semaphore, #tpu.memory_space<semaphore_mem>>) src(%arg10 : memref<48x128xf32, #tpu.memory_space<vmem>>) dst(%dma_wait3A_322 : memref<10240x128xf32, #tpu.memory_space<vmem_shared>>)
      %lt3A_323 = arith.constant 26 : i32
      %lt3A_324 = arith.cmpi slt, %scan3A_108, %lt3A_323 : i32
      %convert_element_type3A_325 = arith.extui %lt3A_324 : i1 to i32
      %cond3A_326 = arith.constant 0 : i32
      %cond3A_327 = arith.cmpi ne, %convert_element_type3A_325, %cond3A_326 : i32
      scf.if %cond3A_327 {
        %sub3A = arith.constant 1 : i32
        %sub3A_329 = arith.subi %sub3A, %rem3A_110 : i32
        %dma_start3A_330 = arith.constant 2 : i32
        %dma_start3A_331 = arith.constant 0 : i32
        %dma_start3A_332 = tpu.memref_slice %arg6[%sub3A_329, %dma_start3A_330, %dma_start3A_331] : memref<2x8x48xi32, #tpu.memory_space<vmem>> -> memref<1x1x48xi32, #tpu.memory_space<vmem>>
        %dma_start3A_333 = tpu.memref_squeeze %dma_start3A_332 : memref<1x1x48xi32, #tpu.memory_space<vmem>> -> memref<48xi32, #tpu.memory_space<vmem>>
        %dma_start3A_334 = arith.constant 0 : i32
        %dma_start3A_335 = arith.constant 0 : i32
        %dma_start3A_336 = tpu.memref_slice %arg2[%dma_start3A_334, %dma_start3A_335] : memref<10000x128xf32, #tpu.memory_space<hbm>> -> memref<10000x128xf32, #tpu.memory_space<hbm>>
        tpu.enqueue_indirect_dma source(%dma_start3A_336 : memref<10000x128xf32, #tpu.memory_space<hbm>>) target(%arg10 : memref<48x128xf32, #tpu.memory_space<vmem>>) offsets(%dma_start3A_333 : memref<48xi32, #tpu.memory_space<vmem>>) semaphore(%arg15 : memref<!tpu.dma_semaphore, #tpu.memory_space<semaphore_mem>>)
      } else {
      }
      %scan3A_328 = arith.constant 0 : i32
      scf.yield %scan3A_328 : i32
    }
    %scan3A_95 = arith.constant 27 : i32
    %dma_wait3A = arith.constant 0 : i32
    %dma_wait3A_96 = arith.constant 7 : i32
    %dma_wait3A_97 = arith.constant 0 : i32
    %dma_wait3A_98 = tpu.memref_slice %arg7[%dma_wait3A, %dma_wait3A_96, %dma_wait3A_97] : memref<2x8x48xi32, #tpu.memory_space<vmem>> -> memref<1x1x48xi32, #tpu.memory_space<vmem>>
    %dma_wait3A_99 = tpu.memref_squeeze %dma_wait3A_98 : memref<1x1x48xi32, #tpu.memory_space<vmem>> -> memref<48xi32, #tpu.memory_space<vmem>>
    %dma_wait3A_100 = arith.constant 0 : i32
    %dma_wait3A_101 = arith.constant 0 : i32
    %dma_wait3A_102 = tpu.memref_slice %arg12[%dma_wait3A_100, %dma_wait3A_101] : memref<10240x128xf32, #tpu.memory_space<vmem_shared>> -> memref<10240x128xf32, #tpu.memory_space<vmem_shared>>
    tpu.wait_indirect_dma semaphore(%arg20 : memref<!tpu.dma_semaphore, #tpu.memory_space<semaphore_mem>>) src(%arg11 : memref<48x128xf32, #tpu.memory_space<vmem>>) dst(%dma_wait3A_102 : memref<10240x128xf32, #tpu.memory_space<vmem_shared>>)
    %barrier3A_103 = arith.constant 0 : index
    tpu.barrier barrier_id(%barrier3A_103)
    %mul3A_104 = arith.constant 640 : i32
    %mul3A_105 = arith.muli %arg1, %mul3A_104 : i32
    %mul3A_106 = arith.constant 640 : i32
    %mul3A_107 = arith.muli %arg1, %mul3A_106 : i32
    "tpu.region"() ({
      %run_scoped3A_108 = tpu.sem_alloc : memref<!tpu.dma_semaphore, #tpu.memory_space<semaphore_mem>>
      %dma_start3A_109 = arith.constant 0 : i32
      %dma_start3A_110 = tpu.memref_slice %arg5[%arg0, %mul3A_107, %dma_start3A_109] : memref<2x10240x128xf32, #tpu.memory_space<hbm>> -> memref<1x640x128xf32, #tpu.memory_space<hbm>>
      %dma_start3A_111 = tpu.memref_squeeze %dma_start3A_110 : memref<1x640x128xf32, #tpu.memory_space<hbm>> -> memref<640x128xf32, #tpu.memory_space<hbm>>
      %dma_start3A_112 = arith.constant 0 : i32
      %dma_start3A_113 = tpu.memref_slice %arg12[%mul3A_105, %dma_start3A_112] : memref<10240x128xf32, #tpu.memory_space<vmem_shared>> -> memref<640x128xf32, #tpu.memory_space<vmem_shared>>
      tpu.enqueue_dma source(%dma_start3A_113 : memref<640x128xf32, #tpu.memory_space<vmem_shared>>) target(%dma_start3A_111 : memref<640x128xf32, #tpu.memory_space<hbm>>) target_semaphore(%run_scoped3A_108 : memref<!tpu.dma_semaphore, #tpu.memory_space<semaphore_mem>>)
      %dma_wait3A_114 = arith.constant 0 : i32
      %dma_wait3A_115 = tpu.memref_slice %arg5[%arg0, %mul3A_107, %dma_wait3A_114] : memref<2x10240x128xf32, #tpu.memory_space<hbm>> -> memref<1x640x128xf32, #tpu.memory_space<hbm>>
      %dma_wait3A_116 = tpu.memref_squeeze %dma_wait3A_115 : memref<1x640x128xf32, #tpu.memory_space<hbm>> -> memref<640x128xf32, #tpu.memory_space<hbm>>
      %dma_wait3A_117 = arith.constant 0 : i32
      %dma_wait3A_118 = tpu.memref_slice %arg12[%mul3A_105, %dma_wait3A_117] : memref<10240x128xf32, #tpu.memory_space<vmem_shared>> -> memref<640x128xf32, #tpu.memory_space<vmem_shared>>
      tpu.wait_dma2 semaphore(%run_scoped3A_108 : memref<!tpu.dma_semaphore, #tpu.memory_space<semaphore_mem>>) src(%dma_wait3A_118 : memref<640x128xf32, #tpu.memory_space<vmem_shared>>) dst(%dma_wait3A_116 : memref<640x128xf32, #tpu.memory_space<hbm>>)
      tpu.yield
    }) : () -> ()
    return
  }
}

#map = affine_map<(d0, d1) -> (0, 0, 0)>
#map1 = affine_map<(d0, d1) -> (0, 0)>
module attributes {stable_mosaic.version = 14 : i64} {
  func.func @deg_kernel(%arg0: i32, %arg1: i32, %arg2: memref<32x81x128xi32, #tpu.memory_space<hbm>>, %arg3: memref<2x10240xf32, #tpu.memory_space<hbm>>, %arg4: memref<81x128xi32, #tpu.memory_space<vmem>>, %arg5: memref<128xf32, #tpu.memory_space<vmem>>, %arg6: memref<640xf32, #tpu.memory_space<vmem>>, %arg7: memref<10240xf32, #tpu.memory_space<vmem_shared>>, %arg8: memref<!tpu.dma_semaphore, #tpu.memory_space<semaphore_mem>>, %arg9: memref<!tpu.dma_semaphore, #tpu.memory_space<semaphore_mem>>) attributes {dimension_semantics = [#tpu.dimension_semantics<core_parallel>, #tpu.dimension_semantics<subcore_parallel>], iteration_bounds = array<i64: 2, 16>, scalar_prefetch = 0 : i64, scratch_operands = 6 : i64, tpu.core_type = #tpu.core_type<sc_vector_subcore>, window_params = [{transform_indices = #map}, {transform_indices = #map1}]} {
    %mul3A = arith.constant 2 : i32
    %mul3A_0 = arith.muli %arg1, %mul3A : i32
    %add3A = arith.addi %mul3A_0, %arg0 : i32
    %scan3A = arith.constant 0 : i32
    %scan3A_1 = arith.constant 0 : i32
    %scan3A_2 = arith.constant 40 : i32
    %scan3A_3 = arith.addi %scan3A_1, %scan3A_2 : i32
    %scan3A_4 = arith.constant 1 : i32
    %scan3A_5 = scf.for %scan3A_77 = %scan3A_1 to %scan3A_3 step %scan3A_4 iter_args(%scan3A_78 = %scan3A) -> (i32)  : i32 {
      %broadcast_in_dim3A_79 = arith.constant 0.000000e+00 : f32
      %broadcast_in_dim3A_80 = vector.broadcast %broadcast_in_dim3A_79 : f32 to vector<16xf32>
      %mul3A_81 = arith.constant 16 : i32
      %mul3A_82 = arith.muli %scan3A_77, %mul3A_81 : i32
      %swap3A_83 = arith.index_cast %mul3A_82 : i32 to index
      %swap3A_84 = tpu.vector_load %arg6[%swap3A_83] {strides = array<i32>} : memref<640xf32, #tpu.memory_space<vmem>>, vector<16xf32>,
      %swap3A_85 = vector.shape_cast %swap3A_84 : vector<16xf32> to vector<16xf32>
      %swap3A_86 = vector.shape_cast %broadcast_in_dim3A_80 : vector<16xf32> to vector<16xf32>
      tpu.vector_store %arg6[%swap3A_83], %swap3A_86 {strides = array<i32>} : memref<640xf32, #tpu.memory_space<vmem>>, vector<16xf32>,
      %scan3A_87 = arith.constant 0 : i32
      scf.yield %scan3A_87 : i32
    }
    %scan3A_6 = arith.constant 40 : i32
    %broadcast_in_dim3A = arith.constant 1.000000e+00 : f32
    %broadcast_in_dim3A_7 = vector.broadcast %broadcast_in_dim3A : f32 to vector<16xf32>
    %swap3A = arith.constant 0 : index
    %swap3A_8 = tpu.vector_load %arg5[%swap3A] {strides = array<i32>} : memref<128xf32, #tpu.memory_space<vmem>>, vector<16xf32>,
    %swap3A_9 = vector.shape_cast %swap3A_8 : vector<16xf32> to vector<16xf32>
    %swap3A_10 = vector.shape_cast %broadcast_in_dim3A_7 : vector<16xf32> to vector<16xf32>
    tpu.vector_store %arg5[%swap3A], %swap3A_10 {strides = array<i32>} : memref<128xf32, #tpu.memory_space<vmem>>, vector<16xf32>,
    %broadcast_in_dim3A_11 = arith.constant 1.000000e+00 : f32
    %broadcast_in_dim3A_12 = vector.broadcast %broadcast_in_dim3A_11 : f32 to vector<16xf32>
    %swap3A_13 = arith.constant 16 : index
    %swap3A_14 = tpu.vector_load %arg5[%swap3A_13] {strides = array<i32>} : memref<128xf32, #tpu.memory_space<vmem>>, vector<16xf32>,
    %swap3A_15 = vector.shape_cast %swap3A_14 : vector<16xf32> to vector<16xf32>
    %swap3A_16 = vector.shape_cast %broadcast_in_dim3A_12 : vector<16xf32> to vector<16xf32>
    tpu.vector_store %arg5[%swap3A_13], %swap3A_16 {strides = array<i32>} : memref<128xf32, #tpu.memory_space<vmem>>, vector<16xf32>,
    %broadcast_in_dim3A_17 = arith.constant 1.000000e+00 : f32
    %broadcast_in_dim3A_18 = vector.broadcast %broadcast_in_dim3A_17 : f32 to vector<16xf32>
    %swap3A_19 = arith.constant 32 : index
    %swap3A_20 = tpu.vector_load %arg5[%swap3A_19] {strides = array<i32>} : memref<128xf32, #tpu.memory_space<vmem>>, vector<16xf32>,
    %swap3A_21 = vector.shape_cast %swap3A_20 : vector<16xf32> to vector<16xf32>
    %swap3A_22 = vector.shape_cast %broadcast_in_dim3A_18 : vector<16xf32> to vector<16xf32>
    tpu.vector_store %arg5[%swap3A_19], %swap3A_22 {strides = array<i32>} : memref<128xf32, #tpu.memory_space<vmem>>, vector<16xf32>,
    %broadcast_in_dim3A_23 = arith.constant 1.000000e+00 : f32
    %broadcast_in_dim3A_24 = vector.broadcast %broadcast_in_dim3A_23 : f32 to vector<16xf32>
    %swap3A_25 = arith.constant 48 : index
    %swap3A_26 = tpu.vector_load %arg5[%swap3A_25] {strides = array<i32>} : memref<128xf32, #tpu.memory_space<vmem>>, vector<16xf32>,
    %swap3A_27 = vector.shape_cast %swap3A_26 : vector<16xf32> to vector<16xf32>
    %swap3A_28 = vector.shape_cast %broadcast_in_dim3A_24 : vector<16xf32> to vector<16xf32>
    tpu.vector_store %arg5[%swap3A_25], %swap3A_28 {strides = array<i32>} : memref<128xf32, #tpu.memory_space<vmem>>, vector<16xf32>,
    %broadcast_in_dim3A_29 = arith.constant 1.000000e+00 : f32
    %broadcast_in_dim3A_30 = vector.broadcast %broadcast_in_dim3A_29 : f32 to vector<16xf32>
    %swap3A_31 = arith.constant 64 : index
    %swap3A_32 = tpu.vector_load %arg5[%swap3A_31] {strides = array<i32>} : memref<128xf32, #tpu.memory_space<vmem>>, vector<16xf32>,
    %swap3A_33 = vector.shape_cast %swap3A_32 : vector<16xf32> to vector<16xf32>
    %swap3A_34 = vector.shape_cast %broadcast_in_dim3A_30 : vector<16xf32> to vector<16xf32>
    tpu.vector_store %arg5[%swap3A_31], %swap3A_34 {strides = array<i32>} : memref<128xf32, #tpu.memory_space<vmem>>, vector<16xf32>,
    %broadcast_in_dim3A_35 = arith.constant 1.000000e+00 : f32
    %broadcast_in_dim3A_36 = vector.broadcast %broadcast_in_dim3A_35 : f32 to vector<16xf32>
    %swap3A_37 = arith.constant 80 : index
    %swap3A_38 = tpu.vector_load %arg5[%swap3A_37] {strides = array<i32>} : memref<128xf32, #tpu.memory_space<vmem>>, vector<16xf32>,
    %swap3A_39 = vector.shape_cast %swap3A_38 : vector<16xf32> to vector<16xf32>
    %swap3A_40 = vector.shape_cast %broadcast_in_dim3A_36 : vector<16xf32> to vector<16xf32>
    tpu.vector_store %arg5[%swap3A_37], %swap3A_40 {strides = array<i32>} : memref<128xf32, #tpu.memory_space<vmem>>, vector<16xf32>,
    %broadcast_in_dim3A_41 = arith.constant 1.000000e+00 : f32
    %broadcast_in_dim3A_42 = vector.broadcast %broadcast_in_dim3A_41 : f32 to vector<16xf32>
    %swap3A_43 = arith.constant 96 : index
    %swap3A_44 = tpu.vector_load %arg5[%swap3A_43] {strides = array<i32>} : memref<128xf32, #tpu.memory_space<vmem>>, vector<16xf32>,
    %swap3A_45 = vector.shape_cast %swap3A_44 : vector<16xf32> to vector<16xf32>
    %swap3A_46 = vector.shape_cast %broadcast_in_dim3A_42 : vector<16xf32> to vector<16xf32>
    tpu.vector_store %arg5[%swap3A_43], %swap3A_46 {strides = array<i32>} : memref<128xf32, #tpu.memory_space<vmem>>, vector<16xf32>,
    %broadcast_in_dim3A_47 = arith.constant 1.000000e+00 : f32
    %broadcast_in_dim3A_48 = vector.broadcast %broadcast_in_dim3A_47 : f32 to vector<16xf32>
    %swap3A_49 = arith.constant 112 : index
    %swap3A_50 = tpu.vector_load %arg5[%swap3A_49] {strides = array<i32>} : memref<128xf32, #tpu.memory_space<vmem>>, vector<16xf32>,
    %swap3A_51 = vector.shape_cast %swap3A_50 : vector<16xf32> to vector<16xf32>
    %swap3A_52 = vector.shape_cast %broadcast_in_dim3A_48 : vector<16xf32> to vector<16xf32>
    tpu.vector_store %arg5[%swap3A_49], %swap3A_52 {strides = array<i32>} : memref<128xf32, #tpu.memory_space<vmem>>, vector<16xf32>,
    %mul3A_53 = arith.constant 640 : i32
    %mul3A_54 = arith.muli %arg1, %mul3A_53 : i32
    "tpu.region"() ({
      %run_scoped3A = tpu.sem_alloc : memref<!tpu.dma_semaphore, #tpu.memory_space<semaphore_mem>>
      %dma_start3A_77 = tpu.memref_slice %arg7[%mul3A_54] : memref<10240xf32, #tpu.memory_space<vmem_shared>> -> memref<640xf32, #tpu.memory_space<vmem_shared>>
      %dma_start3A_78 = tpu.memref_slice %arg7[%mul3A_54] : memref<10240xf32, #tpu.memory_space<vmem_shared>> -> memref<640xf32, #tpu.memory_space<vmem_shared>>
      tpu.enqueue_dma source(%arg6 : memref<640xf32, #tpu.memory_space<vmem>>) target(%dma_start3A_78 : memref<640xf32, #tpu.memory_space<vmem_shared>>) target_semaphore(%run_scoped3A : memref<!tpu.dma_semaphore, #tpu.memory_space<semaphore_mem>>)
      %dma_wait3A_79 = tpu.memref_slice %arg7[%mul3A_54] : memref<10240xf32, #tpu.memory_space<vmem_shared>> -> memref<640xf32, #tpu.memory_space<vmem_shared>>
      %dma_wait3A_80 = tpu.memref_slice %arg7[%mul3A_54] : memref<10240xf32, #tpu.memory_space<vmem_shared>> -> memref<640xf32, #tpu.memory_space<vmem_shared>>
      tpu.wait_dma2 semaphore(%run_scoped3A : memref<!tpu.dma_semaphore, #tpu.memory_space<semaphore_mem>>) src(%arg6 : memref<640xf32, #tpu.memory_space<vmem>>) dst(%dma_wait3A_80 : memref<640xf32, #tpu.memory_space<vmem_shared>>)
      tpu.yield
    }) : () -> ()
    "tpu.region"() ({
      %run_scoped3A = tpu.sem_alloc : memref<!tpu.dma_semaphore, #tpu.memory_space<semaphore_mem>>
      %dma_start3A_77 = arith.constant 0 : i32
      %dma_start3A_78 = arith.constant 0 : i32
      %dma_start3A_79 = tpu.memref_slice %arg2[%add3A, %dma_start3A_77, %dma_start3A_78] : memref<32x81x128xi32, #tpu.memory_space<hbm>> -> memref<1x81x128xi32, #tpu.memory_space<hbm>>
      %dma_start3A_80 = tpu.memref_squeeze %dma_start3A_79 : memref<1x81x128xi32, #tpu.memory_space<hbm>> -> memref<81x128xi32, #tpu.memory_space<hbm>>
      %dma_start3A_81 = arith.constant 0 : i32
      %dma_start3A_82 = arith.constant 0 : i32
      %dma_start3A_83 = tpu.memref_slice %arg2[%add3A, %dma_start3A_81, %dma_start3A_82] : memref<32x81x128xi32, #tpu.memory_space<hbm>> -> memref<1x81x128xi32, #tpu.memory_space<hbm>>
      %dma_start3A_84 = tpu.memref_squeeze %dma_start3A_83 : memref<1x81x128xi32, #tpu.memory_space<hbm>> -> memref<81x128xi32, #tpu.memory_space<hbm>>
      tpu.enqueue_dma source(%dma_start3A_84 : memref<81x128xi32, #tpu.memory_space<hbm>>) target(%arg4 : memref<81x128xi32, #tpu.memory_space<vmem>>) target_semaphore(%run_scoped3A : memref<!tpu.dma_semaphore, #tpu.memory_space<semaphore_mem>>)
      %dma_wait3A_85 = arith.constant 0 : i32
      %dma_wait3A_86 = arith.constant 0 : i32
      %dma_wait3A_87 = tpu.memref_slice %arg2[%add3A, %dma_wait3A_85, %dma_wait3A_86] : memref<32x81x128xi32, #tpu.memory_space<hbm>> -> memref<1x81x128xi32, #tpu.memory_space<hbm>>
      %dma_wait3A_88 = tpu.memref_squeeze %dma_wait3A_87 : memref<1x81x128xi32, #tpu.memory_space<hbm>> -> memref<81x128xi32, #tpu.memory_space<hbm>>
      %dma_wait3A_89 = arith.constant 0 : i32
      %dma_wait3A_90 = arith.constant 0 : i32
      %dma_wait3A_91 = tpu.memref_slice %arg2[%add3A, %dma_wait3A_89, %dma_wait3A_90] : memref<32x81x128xi32, #tpu.memory_space<hbm>> -> memref<1x81x128xi32, #tpu.memory_space<hbm>>
      %dma_wait3A_92 = tpu.memref_squeeze %dma_wait3A_91 : memref<1x81x128xi32, #tpu.memory_space<hbm>> -> memref<81x128xi32, #tpu.memory_space<hbm>>
      tpu.wait_dma2 semaphore(%run_scoped3A : memref<!tpu.dma_semaphore, #tpu.memory_space<semaphore_mem>>) src(%dma_wait3A_92 : memref<81x128xi32, #tpu.memory_space<hbm>>) dst(%arg4 : memref<81x128xi32, #tpu.memory_space<vmem>>)
      tpu.yield
    }) : () -> ()
    %barrier3A = arith.constant 0 : index
    tpu.barrier barrier_id(%barrier3A)
    %dma_start3A = arith.constant 0 : i32
    %dma_start3A_55 = arith.constant 0 : i32
    %dma_start3A_56 = tpu.memref_slice %arg4[%dma_start3A, %dma_start3A_55] : memref<81x128xi32, #tpu.memory_space<vmem>> -> memref<1x128xi32, #tpu.memory_space<vmem>>
    %dma_start3A_57 = tpu.memref_squeeze %dma_start3A_56 : memref<1x128xi32, #tpu.memory_space<vmem>> -> memref<128xi32, #tpu.memory_space<vmem>>
    %dma_start3A_58 = arith.constant 0 : i32
    %dma_start3A_59 = tpu.memref_slice %arg7[%dma_start3A_58] : memref<10240xf32, #tpu.memory_space<vmem_shared>> -> memref<10240xf32, #tpu.memory_space<vmem_shared>>
    tpu.enqueue_indirect_dma source(%arg5 : memref<128xf32, #tpu.memory_space<vmem>>) target(%dma_start3A_59 : memref<10240xf32, #tpu.memory_space<vmem_shared>>) offsets(%dma_start3A_57 : memref<128xi32, #tpu.memory_space<vmem>>) semaphore(%arg8 : memref<!tpu.dma_semaphore, #tpu.memory_space<semaphore_mem>>) {add = true}
    %scan3A_60 = arith.constant 0 : i32
    %scan3A_61 = arith.constant 0 : i32
    %scan3A_62 = arith.constant 40 : i32
    %scan3A_63 = arith.addi %scan3A_61, %scan3A_62 : i32
    %scan3A_64 = arith.constant 1 : i32
    %scan3A_65 = scf.for %scan3A_77 = %scan3A_61 to %scan3A_63 step %scan3A_64 iter_args(%scan3A_78 = %scan3A_60) -> (i32)  : i32 {
      %mul3A_79 = arith.constant 2 : i32
      %mul3A_80 = arith.muli %mul3A_79, %scan3A_77 : i32
      %add3A_81 = arith.constant 1 : i32
      %add3A_82 = arith.addi %mul3A_80, %add3A_81 : i32
      %dma_start3A_83 = arith.constant 0 : i32
      %dma_start3A_84 = tpu.memref_slice %arg4[%add3A_82, %dma_start3A_83] : memref<81x128xi32, #tpu.memory_space<vmem>> -> memref<1x128xi32, #tpu.memory_space<vmem>>
      %dma_start3A_85 = tpu.memref_squeeze %dma_start3A_84 : memref<1x128xi32, #tpu.memory_space<vmem>> -> memref<128xi32, #tpu.memory_space<vmem>>
      %dma_start3A_86 = arith.constant 0 : i32
      %dma_start3A_87 = tpu.memref_slice %arg7[%dma_start3A_86] : memref<10240xf32, #tpu.memory_space<vmem_shared>> -> memref<10240xf32, #tpu.memory_space<vmem_shared>>
      tpu.enqueue_indirect_dma source(%arg5 : memref<128xf32, #tpu.memory_space<vmem>>) target(%dma_start3A_87 : memref<10240xf32, #tpu.memory_space<vmem_shared>>) offsets(%dma_start3A_85 : memref<128xi32, #tpu.memory_space<vmem>>) semaphore(%arg9 : memref<!tpu.dma_semaphore, #tpu.memory_space<semaphore_mem>>) {add = true}
      %dma_wait3A_88 = arith.constant 0 : i32
      %dma_wait3A_89 = tpu.memref_slice %arg4[%mul3A_80, %dma_wait3A_88] : memref<81x128xi32, #tpu.memory_space<vmem>> -> memref<1x128xi32, #tpu.memory_space<vmem>>
      %dma_wait3A_90 = tpu.memref_squeeze %dma_wait3A_89 : memref<1x128xi32, #tpu.memory_space<vmem>> -> memref<128xi32, #tpu.memory_space<vmem>>
      %dma_wait3A_91 = arith.constant 0 : i32
      %dma_wait3A_92 = tpu.memref_slice %arg7[%dma_wait3A_91] : memref<10240xf32, #tpu.memory_space<vmem_shared>> -> memref<10240xf32, #tpu.memory_space<vmem_shared>>
      tpu.wait_indirect_dma semaphore(%arg8 : memref<!tpu.dma_semaphore, #tpu.memory_space<semaphore_mem>>) src(%arg5 : memref<128xf32, #tpu.memory_space<vmem>>) dst(%dma_wait3A_92 : memref<10240xf32, #tpu.memory_space<vmem_shared>>)
      %add3A_93 = arith.constant 2 : i32
      %add3A_94 = arith.addi %mul3A_80, %add3A_93 : i32
      %dma_start3A_95 = arith.constant 0 : i32
      %dma_start3A_96 = tpu.memref_slice %arg4[%add3A_94, %dma_start3A_95] : memref<81x128xi32, #tpu.memory_space<vmem>> -> memref<1x128xi32, #tpu.memory_space<vmem>>
      %dma_start3A_97 = tpu.memref_squeeze %dma_start3A_96 : memref<1x128xi32, #tpu.memory_space<vmem>> -> memref<128xi32, #tpu.memory_space<vmem>>
      %dma_start3A_98 = arith.constant 0 : i32
      %dma_start3A_99 = tpu.memref_slice %arg7[%dma_start3A_98] : memref<10240xf32, #tpu.memory_space<vmem_shared>> -> memref<10240xf32, #tpu.memory_space<vmem_shared>>
      tpu.enqueue_indirect_dma source(%arg5 : memref<128xf32, #tpu.memory_space<vmem>>) target(%dma_start3A_99 : memref<10240xf32, #tpu.memory_space<vmem_shared>>) offsets(%dma_start3A_97 : memref<128xi32, #tpu.memory_space<vmem>>) semaphore(%arg8 : memref<!tpu.dma_semaphore, #tpu.memory_space<semaphore_mem>>) {add = true}
      %add3A_100 = arith.constant 1 : i32
      %add3A_101 = arith.addi %mul3A_80, %add3A_100 : i32
      %dma_wait3A_102 = arith.constant 0 : i32
      %dma_wait3A_103 = tpu.memref_slice %arg4[%add3A_101, %dma_wait3A_102] : memref<81x128xi32, #tpu.memory_space<vmem>> -> memref<1x128xi32, #tpu.memory_space<vmem>>
      %dma_wait3A_104 = tpu.memref_squeeze %dma_wait3A_103 : memref<1x128xi32, #tpu.memory_space<vmem>> -> memref<128xi32, #tpu.memory_space<vmem>>
      %dma_wait3A_105 = arith.constant 0 : i32
      %dma_wait3A_106 = tpu.memref_slice %arg7[%dma_wait3A_105] : memref<10240xf32, #tpu.memory_space<vmem_shared>> -> memref<10240xf32, #tpu.memory_space<vmem_shared>>
      tpu.wait_indirect_dma semaphore(%arg9 : memref<!tpu.dma_semaphore, #tpu.memory_space<semaphore_mem>>) src(%arg5 : memref<128xf32, #tpu.memory_space<vmem>>) dst(%dma_wait3A_106 : memref<10240xf32, #tpu.memory_space<vmem_shared>>)
      %scan3A_107 = arith.constant 0 : i32
      scf.yield %scan3A_107 : i32
    }
    %scan3A_66 = arith.constant 40 : i32
    %dma_wait3A = arith.constant 80 : i32
    %dma_wait3A_67 = arith.constant 0 : i32
    %dma_wait3A_68 = tpu.memref_slice %arg4[%dma_wait3A, %dma_wait3A_67] : memref<81x128xi32, #tpu.memory_space<vmem>> -> memref<1x128xi32, #tpu.memory_space<vmem>>
    %dma_wait3A_69 = tpu.memref_squeeze %dma_wait3A_68 : memref<1x128xi32, #tpu.memory_space<vmem>> -> memref<128xi32, #tpu.memory_space<vmem>>
    %dma_wait3A_70 = arith.constant 0 : i32
    %dma_wait3A_71 = tpu.memref_slice %arg7[%dma_wait3A_70] : memref<10240xf32, #tpu.memory_space<vmem_shared>> -> memref<10240xf32, #tpu.memory_space<vmem_shared>>
    tpu.wait_indirect_dma semaphore(%arg8 : memref<!tpu.dma_semaphore, #tpu.memory_space<semaphore_mem>>) src(%arg5 : memref<128xf32, #tpu.memory_space<vmem>>) dst(%dma_wait3A_71 : memref<10240xf32, #tpu.memory_space<vmem_shared>>)
    %barrier3A_72 = arith.constant 0 : index
    tpu.barrier barrier_id(%barrier3A_72)
    %mul3A_73 = arith.constant 640 : i32
    %mul3A_74 = arith.muli %arg1, %mul3A_73 : i32
    %mul3A_75 = arith.constant 640 : i32
    %mul3A_76 = arith.muli %arg1, %mul3A_75 : i32
    "tpu.region"() ({
      %run_scoped3A = tpu.sem_alloc : memref<!tpu.dma_semaphore, #tpu.memory_space<semaphore_mem>>
      %dma_start3A_77 = tpu.memref_slice %arg3[%arg0, %mul3A_76] : memref<2x10240xf32, #tpu.memory_space<hbm>> -> memref<1x640xf32, #tpu.memory_space<hbm>>
      %dma_start3A_78 = tpu.memref_squeeze %dma_start3A_77 : memref<1x640xf32, #tpu.memory_space<hbm>> -> memref<640xf32, #tpu.memory_space<hbm>>
      %dma_start3A_79 = tpu.memref_slice %arg7[%mul3A_74] : memref<10240xf32, #tpu.memory_space<vmem_shared>> -> memref<640xf32, #tpu.memory_space<vmem_shared>>
      tpu.enqueue_dma source(%dma_start3A_79 : memref<640xf32, #tpu.memory_space<vmem_shared>>) target(%dma_start3A_78 : memref<640xf32, #tpu.memory_space<hbm>>) target_semaphore(%run_scoped3A : memref<!tpu.dma_semaphore, #tpu.memory_space<semaphore_mem>>)
      %dma_wait3A_80 = tpu.memref_slice %arg3[%arg0, %mul3A_76] : memref<2x10240xf32, #tpu.memory_space<hbm>> -> memref<1x640xf32, #tpu.memory_space<hbm>>
      %dma_wait3A_81 = tpu.memref_squeeze %dma_wait3A_80 : memref<1x640xf32, #tpu.memory_space<hbm>> -> memref<640xf32, #tpu.memory_space<hbm>>
      %dma_wait3A_82 = tpu.memref_slice %arg7[%mul3A_74] : memref<10240xf32, #tpu.memory_space<vmem_shared>> -> memref<640xf32, #tpu.memory_space<vmem_shared>>
      tpu.wait_dma2 semaphore(%run_scoped3A : memref<!tpu.dma_semaphore, #tpu.memory_space<semaphore_mem>>) src(%dma_wait3A_82 : memref<640xf32, #tpu.memory_space<vmem_shared>>) dst(%dma_wait3A_81 : memref<640xf32, #tpu.memory_space<hbm>>)
      tpu.yield
    }) : () -> ()
    return
  }
}

#map = affine_map<(d0, d1) -> (0, 0)>
#map1 = affine_map<(d0, d1) -> (0, 0, 0, 0)>
#map2 = affine_map<(d0, d1) -> (0, 0, 0)>
module attributes {stable_mosaic.version = 14 : i64} {
  func.func @scat_kernel(%arg0: i32, %arg1: i32, %arg2: memref<10000x64xf32, #tpu.memory_space<hbm>>, %arg3: memref<32x27x8x48xi32, #tpu.memory_space<hbm>>, %arg4: memref<32x27x8x48xi32, #tpu.memory_space<hbm>>, %arg5: memref<2x10240x64xf32, #tpu.memory_space<hbm>>, %arg6: memref<2x8x48xi32, #tpu.memory_space<vmem>>, %arg7: memref<2x8x48xi32, #tpu.memory_space<vmem>>, %arg8: memref<48x64xf32, #tpu.memory_space<vmem>>, %arg9: memref<48x64xf32, #tpu.memory_space<vmem>>, %arg10: memref<48x64xf32, #tpu.memory_space<vmem>>, %arg11: memref<48x64xf32, #tpu.memory_space<vmem>>, %arg12: memref<10240x64xf32, #tpu.memory_space<vmem_shared>>, %arg13: memref<!tpu.dma_semaphore, #tpu.memory_space<semaphore_mem>>, %arg14: memref<!tpu.dma_semaphore, #tpu.memory_space<semaphore_mem>>, %arg15: memref<!tpu.dma_semaphore, #tpu.memory_space<semaphore_mem>>, %arg16: memref<!tpu.dma_semaphore, #tpu.memory_space<semaphore_mem>>, %arg17: memref<!tpu.dma_semaphore, #tpu.memory_space<semaphore_mem>>, %arg18: memref<!tpu.dma_semaphore, #tpu.memory_space<semaphore_mem>>, %arg19: memref<!tpu.dma_semaphore, #tpu.memory_space<semaphore_mem>>, %arg20: memref<!tpu.dma_semaphore, #tpu.memory_space<semaphore_mem>>, %arg21: memref<!tpu.dma_semaphore, #tpu.memory_space<semaphore_mem>>, %arg22: memref<10000x64xf32, #tpu.memory_space<vmem_shared>>) attributes {dimension_semantics = [#tpu.dimension_semantics<core_parallel>, #tpu.dimension_semantics<subcore_parallel>], iteration_bounds = array<i64: 2, 16>, scalar_prefetch = 0 : i64, scratch_operands = 17 : i64, tpu.core_type = #tpu.core_type<sc_vector_subcore>, window_params = [{transform_indices = #map}, {transform_indices = #map1}, {transform_indices = #map1}, {transform_indices = #map2}]} {
    %mul3A = arith.constant 2 : i32
    %mul3A_0 = arith.muli %arg1, %mul3A : i32
    %add3A = arith.addi %mul3A_0, %arg0 : i32
    %mul3A_1 = arith.constant 625 : i32
    %mul3A_2 = arith.muli %arg1, %mul3A_1 : i32
    %mul3A_3 = arith.constant 625 : i32
    %mul3A_4 = arith.muli %arg1, %mul3A_3 : i32
    "tpu.region"() ({
      %run_scoped3A_112 = tpu.sem_alloc : memref<!tpu.dma_semaphore, #tpu.memory_space<semaphore_mem>>
      %dma_start3A_113 = arith.constant 0 : i32
      %dma_start3A_114 = tpu.memref_slice %arg22[%mul3A_4, %dma_start3A_113] : memref<10000x64xf32, #tpu.memory_space<vmem_shared>> -> memref<625x64xf32, #tpu.memory_space<vmem_shared>>
      %dma_start3A_115 = arith.constant 0 : i32
      %dma_start3A_116 = tpu.memref_slice %arg2[%mul3A_2, %dma_start3A_115] : memref<10000x64xf32, #tpu.memory_space<hbm>> -> memref<625x64xf32, #tpu.memory_space<hbm>>
      tpu.enqueue_dma source(%dma_start3A_116 : memref<625x64xf32, #tpu.memory_space<hbm>>) target(%dma_start3A_114 : memref<625x64xf32, #tpu.memory_space<vmem_shared>>) target_semaphore(%run_scoped3A_112 : memref<!tpu.dma_semaphore, #tpu.memory_space<semaphore_mem>>)
      %dma_wait3A_117 = arith.constant 0 : i32
      %dma_wait3A_118 = tpu.memref_slice %arg22[%mul3A_4, %dma_wait3A_117] : memref<10000x64xf32, #tpu.memory_space<vmem_shared>> -> memref<625x64xf32, #tpu.memory_space<vmem_shared>>
      %dma_wait3A_119 = arith.constant 0 : i32
      %dma_wait3A_120 = tpu.memref_slice %arg2[%mul3A_2, %dma_wait3A_119] : memref<10000x64xf32, #tpu.memory_space<hbm>> -> memref<625x64xf32, #tpu.memory_space<hbm>>
      tpu.wait_dma2 semaphore(%run_scoped3A_112 : memref<!tpu.dma_semaphore, #tpu.memory_space<semaphore_mem>>) src(%dma_wait3A_120 : memref<625x64xf32, #tpu.memory_space<hbm>>) dst(%dma_wait3A_118 : memref<625x64xf32, #tpu.memory_space<vmem_shared>>)
      tpu.yield
    }) : () -> ()
    %scan3A = arith.constant 0 : i32
    %scan3A_5 = arith.constant 0 : i32
    %scan3A_6 = arith.constant 48 : i32
    %scan3A_7 = arith.addi %scan3A_5, %scan3A_6 : i32
    %scan3A_8 = arith.constant 1 : i32
    %scan3A_9 = scf.for %scan3A_112 = %scan3A_5 to %scan3A_7 step %scan3A_8 iter_args(%scan3A_113 = %scan3A) -> (i32)  : i32 {
      %broadcast_in_dim3A = arith.constant 0.000000e+00 : f32
      %broadcast_in_dim3A_114 = vector.broadcast %broadcast_in_dim3A : f32 to vector<16xf32>
      %swap3A = arith.index_cast %scan3A_112 : i32 to index
      %swap3A_115 = arith.constant 0 : index
      %swap3A_116 = tpu.vector_load %arg8[%swap3A, %swap3A_115] {strides = array<i32>} : memref<48x64xf32, #tpu.memory_space<vmem>>, vector<1x16xf32>,
      %swap3A_117 = vector.shape_cast %swap3A_116 : vector<1x16xf32> to vector<16xf32>
      %swap3A_118 = vector.shape_cast %broadcast_in_dim3A_114 : vector<16xf32> to vector<1x16xf32>
      tpu.vector_store %arg8[%swap3A, %swap3A_115], %swap3A_118 {strides = array<i32>} : memref<48x64xf32, #tpu.memory_space<vmem>>, vector<1x16xf32>,
      %broadcast_in_dim3A_119 = arith.constant 0.000000e+00 : f32
      %broadcast_in_dim3A_120 = vector.broadcast %broadcast_in_dim3A_119 : f32 to vector<16xf32>
      %swap3A_121 = arith.index_cast %scan3A_112 : i32 to index
      %swap3A_122 = arith.constant 16 : index
      %swap3A_123 = tpu.vector_load %arg8[%swap3A_121, %swap3A_122] {strides = array<i32>} : memref<48x64xf32, #tpu.memory_space<vmem>>, vector<1x16xf32>,
      %swap3A_124 = vector.shape_cast %swap3A_123 : vector<1x16xf32> to vector<16xf32>
      %swap3A_125 = vector.shape_cast %broadcast_in_dim3A_120 : vector<16xf32> to vector<1x16xf32>
      tpu.vector_store %arg8[%swap3A_121, %swap3A_122], %swap3A_125 {strides = array<i32>} : memref<48x64xf32, #tpu.memory_space<vmem>>, vector<1x16xf32>,
      %broadcast_in_dim3A_126 = arith.constant 0.000000e+00 : f32
      %broadcast_in_dim3A_127 = vector.broadcast %broadcast_in_dim3A_126 : f32 to vector<16xf32>
      %swap3A_128 = arith.index_cast %scan3A_112 : i32 to index
      %swap3A_129 = arith.constant 32 : index
      %swap3A_130 = tpu.vector_load %arg8[%swap3A_128, %swap3A_129] {strides = array<i32>} : memref<48x64xf32, #tpu.memory_space<vmem>>, vector<1x16xf32>,
      %swap3A_131 = vector.shape_cast %swap3A_130 : vector<1x16xf32> to vector<16xf32>
      %swap3A_132 = vector.shape_cast %broadcast_in_dim3A_127 : vector<16xf32> to vector<1x16xf32>
      tpu.vector_store %arg8[%swap3A_128, %swap3A_129], %swap3A_132 {strides = array<i32>} : memref<48x64xf32, #tpu.memory_space<vmem>>, vector<1x16xf32>,
      %broadcast_in_dim3A_133 = arith.constant 0.000000e+00 : f32
      %broadcast_in_dim3A_134 = vector.broadcast %broadcast_in_dim3A_133 : f32 to vector<16xf32>
      %swap3A_135 = arith.index_cast %scan3A_112 : i32 to index
      %swap3A_136 = arith.constant 48 : index
      %swap3A_137 = tpu.vector_load %arg8[%swap3A_135, %swap3A_136] {strides = array<i32>} : memref<48x64xf32, #tpu.memory_space<vmem>>, vector<1x16xf32>,
      %swap3A_138 = vector.shape_cast %swap3A_137 : vector<1x16xf32> to vector<16xf32>
      %swap3A_139 = vector.shape_cast %broadcast_in_dim3A_134 : vector<16xf32> to vector<1x16xf32>
      tpu.vector_store %arg8[%swap3A_135, %swap3A_136], %swap3A_139 {strides = array<i32>} : memref<48x64xf32, #tpu.memory_space<vmem>>, vector<1x16xf32>,
      %scan3A_140 = arith.constant 0 : i32
      scf.yield %scan3A_140 : i32
    }
    %scan3A_10 = arith.constant 48 : i32
    %mul3A_11 = arith.constant 640 : i32
    %mul3A_12 = arith.muli %arg1, %mul3A_11 : i32
    %add3A_13 = arith.constant 0 : i32
    %add3A_14 = arith.addi %mul3A_12, %add3A_13 : i32
    "tpu.region"() ({
      %run_scoped3A_112 = tpu.sem_alloc : memref<!tpu.dma_semaphore, #tpu.memory_space<semaphore_mem>>
      %dma_start3A_113 = arith.constant 0 : i32
      %dma_start3A_114 = tpu.memref_slice %arg12[%add3A_14, %dma_start3A_113] : memref<10240x64xf32, #tpu.memory_space<vmem_shared>> -> memref<48x64xf32, #tpu.memory_space<vmem_shared>>
      %dma_start3A_115 = arith.constant 0 : i32
      %dma_start3A_116 = tpu.memref_slice %arg12[%add3A_14, %dma_start3A_115] : memref<10240x64xf32, #tpu.memory_space<vmem_shared>> -> memref<48x64xf32, #tpu.memory_space<vmem_shared>>
      tpu.enqueue_dma source(%arg8 : memref<48x64xf32, #tpu.memory_space<vmem>>) target(%dma_start3A_116 : memref<48x64xf32, #tpu.memory_space<vmem_shared>>) target_semaphore(%run_scoped3A_112 : memref<!tpu.dma_semaphore, #tpu.memory_space<semaphore_mem>>)
      %dma_wait3A_117 = arith.constant 0 : i32
      %dma_wait3A_118 = tpu.memref_slice %arg12[%add3A_14, %dma_wait3A_117] : memref<10240x64xf32, #tpu.memory_space<vmem_shared>> -> memref<48x64xf32, #tpu.memory_space<vmem_shared>>
      %dma_wait3A_119 = arith.constant 0 : i32
      %dma_wait3A_120 = tpu.memref_slice %arg12[%add3A_14, %dma_wait3A_119] : memref<10240x64xf32, #tpu.memory_space<vmem_shared>> -> memref<48x64xf32, #tpu.memory_space<vmem_shared>>
      tpu.wait_dma2 semaphore(%run_scoped3A_112 : memref<!tpu.dma_semaphore, #tpu.memory_space<semaphore_mem>>) src(%arg8 : memref<48x64xf32, #tpu.memory_space<vmem>>) dst(%dma_wait3A_120 : memref<48x64xf32, #tpu.memory_space<vmem_shared>>)
      tpu.yield
    }) : () -> ()
    %mul3A_15 = arith.constant 640 : i32
    %mul3A_16 = arith.muli %arg1, %mul3A_15 : i32
    %add3A_17 = arith.constant 48 : i32
    %add3A_18 = arith.addi %mul3A_16, %add3A_17 : i32
    "tpu.region"() ({
      %run_scoped3A_112 = tpu.sem_alloc : memref<!tpu.dma_semaphore, #tpu.memory_space<semaphore_mem>>
      %dma_start3A_113 = arith.constant 0 : i32
      %dma_start3A_114 = tpu.memref_slice %arg12[%add3A_18, %dma_start3A_113] : memref<10240x64xf32, #tpu.memory_space<vmem_shared>> -> memref<48x64xf32, #tpu.memory_space<vmem_shared>>
      %dma_start3A_115 = arith.constant 0 : i32
      %dma_start3A_116 = tpu.memref_slice %arg12[%add3A_18, %dma_start3A_115] : memref<10240x64xf32, #tpu.memory_space<vmem_shared>> -> memref<48x64xf32, #tpu.memory_space<vmem_shared>>
      tpu.enqueue_dma source(%arg8 : memref<48x64xf32, #tpu.memory_space<vmem>>) target(%dma_start3A_116 : memref<48x64xf32, #tpu.memory_space<vmem_shared>>) target_semaphore(%run_scoped3A_112 : memref<!tpu.dma_semaphore, #tpu.memory_space<semaphore_mem>>)
      %dma_wait3A_117 = arith.constant 0 : i32
      %dma_wait3A_118 = tpu.memref_slice %arg12[%add3A_18, %dma_wait3A_117] : memref<10240x64xf32, #tpu.memory_space<vmem_shared>> -> memref<48x64xf32, #tpu.memory_space<vmem_shared>>
      %dma_wait3A_119 = arith.constant 0 : i32
      %dma_wait3A_120 = tpu.memref_slice %arg12[%add3A_18, %dma_wait3A_119] : memref<10240x64xf32, #tpu.memory_space<vmem_shared>> -> memref<48x64xf32, #tpu.memory_space<vmem_shared>>
      tpu.wait_dma2 semaphore(%run_scoped3A_112 : memref<!tpu.dma_semaphore, #tpu.memory_space<semaphore_mem>>) src(%arg8 : memref<48x64xf32, #tpu.memory_space<vmem>>) dst(%dma_wait3A_120 : memref<48x64xf32, #tpu.memory_space<vmem_shared>>)
      tpu.yield
    }) : () -> ()
    %mul3A_19 = arith.constant 640 : i32
    %mul3A_20 = arith.muli %arg1, %mul3A_19 : i32
    %add3A_21 = arith.constant 96 : i32
    %add3A_22 = arith.addi %mul3A_20, %add3A_21 : i32
    "tpu.region"() ({
      %run_scoped3A_112 = tpu.sem_alloc : memref<!tpu.dma_semaphore, #tpu.memory_space<semaphore_mem>>
      %dma_start3A_113 = arith.constant 0 : i32
      %dma_start3A_114 = tpu.memref_slice %arg12[%add3A_22, %dma_start3A_113] : memref<10240x64xf32, #tpu.memory_space<vmem_shared>> -> memref<48x64xf32, #tpu.memory_space<vmem_shared>>
      %dma_start3A_115 = arith.constant 0 : i32
      %dma_start3A_116 = tpu.memref_slice %arg12[%add3A_22, %dma_start3A_115] : memref<10240x64xf32, #tpu.memory_space<vmem_shared>> -> memref<48x64xf32, #tpu.memory_space<vmem_shared>>
      tpu.enqueue_dma source(%arg8 : memref<48x64xf32, #tpu.memory_space<vmem>>) target(%dma_start3A_116 : memref<48x64xf32, #tpu.memory_space<vmem_shared>>) target_semaphore(%run_scoped3A_112 : memref<!tpu.dma_semaphore, #tpu.memory_space<semaphore_mem>>)
      %dma_wait3A_117 = arith.constant 0 : i32
      %dma_wait3A_118 = tpu.memref_slice %arg12[%add3A_22, %dma_wait3A_117] : memref<10240x64xf32, #tpu.memory_space<vmem_shared>> -> memref<48x64xf32, #tpu.memory_space<vmem_shared>>
      %dma_wait3A_119 = arith.constant 0 : i32
      %dma_wait3A_120 = tpu.memref_slice %arg12[%add3A_22, %dma_wait3A_119] : memref<10240x64xf32, #tpu.memory_space<vmem_shared>> -> memref<48x64xf32, #tpu.memory_space<vmem_shared>>
      tpu.wait_dma2 semaphore(%run_scoped3A_112 : memref<!tpu.dma_semaphore, #tpu.memory_space<semaphore_mem>>) src(%arg8 : memref<48x64xf32, #tpu.memory_space<vmem>>) dst(%dma_wait3A_120 : memref<48x64xf32, #tpu.memory_space<vmem_shared>>)
      tpu.yield
    }) : () -> ()
    %mul3A_23 = arith.constant 640 : i32
    %mul3A_24 = arith.muli %arg1, %mul3A_23 : i32
    %add3A_25 = arith.constant 144 : i32
    %add3A_26 = arith.addi %mul3A_24, %add3A_25 : i32
    "tpu.region"() ({
      %run_scoped3A_112 = tpu.sem_alloc : memref<!tpu.dma_semaphore, #tpu.memory_space<semaphore_mem>>
      %dma_start3A_113 = arith.constant 0 : i32
      %dma_start3A_114 = tpu.memref_slice %arg12[%add3A_26, %dma_start3A_113] : memref<10240x64xf32, #tpu.memory_space<vmem_shared>> -> memref<48x64xf32, #tpu.memory_space<vmem_shared>>
      %dma_start3A_115 = arith.constant 0 : i32
      %dma_start3A_116 = tpu.memref_slice %arg12[%add3A_26, %dma_start3A_115] : memref<10240x64xf32, #tpu.memory_space<vmem_shared>> -> memref<48x64xf32, #tpu.memory_space<vmem_shared>>
      tpu.enqueue_dma source(%arg8 : memref<48x64xf32, #tpu.memory_space<vmem>>) target(%dma_start3A_116 : memref<48x64xf32, #tpu.memory_space<vmem_shared>>) target_semaphore(%run_scoped3A_112 : memref<!tpu.dma_semaphore, #tpu.memory_space<semaphore_mem>>)
      %dma_wait3A_117 = arith.constant 0 : i32
      %dma_wait3A_118 = tpu.memref_slice %arg12[%add3A_26, %dma_wait3A_117] : memref<10240x64xf32, #tpu.memory_space<vmem_shared>> -> memref<48x64xf32, #tpu.memory_space<vmem_shared>>
      %dma_wait3A_119 = arith.constant 0 : i32
      %dma_wait3A_120 = tpu.memref_slice %arg12[%add3A_26, %dma_wait3A_119] : memref<10240x64xf32, #tpu.memory_space<vmem_shared>> -> memref<48x64xf32, #tpu.memory_space<vmem_shared>>
      tpu.wait_dma2 semaphore(%run_scoped3A_112 : memref<!tpu.dma_semaphore, #tpu.memory_space<semaphore_mem>>) src(%arg8 : memref<48x64xf32, #tpu.memory_space<vmem>>) dst(%dma_wait3A_120 : memref<48x64xf32, #tpu.memory_space<vmem_shared>>)
      tpu.yield
    }) : () -> ()
    %mul3A_27 = arith.constant 640 : i32
    %mul3A_28 = arith.muli %arg1, %mul3A_27 : i32
    %add3A_29 = arith.constant 192 : i32
    %add3A_30 = arith.addi %mul3A_28, %add3A_29 : i32
    "tpu.region"() ({
      %run_scoped3A_112 = tpu.sem_alloc : memref<!tpu.dma_semaphore, #tpu.memory_space<semaphore_mem>>
      %dma_start3A_113 = arith.constant 0 : i32
      %dma_start3A_114 = tpu.memref_slice %arg12[%add3A_30, %dma_start3A_113] : memref<10240x64xf32, #tpu.memory_space<vmem_shared>> -> memref<48x64xf32, #tpu.memory_space<vmem_shared>>
      %dma_start3A_115 = arith.constant 0 : i32
      %dma_start3A_116 = tpu.memref_slice %arg12[%add3A_30, %dma_start3A_115] : memref<10240x64xf32, #tpu.memory_space<vmem_shared>> -> memref<48x64xf32, #tpu.memory_space<vmem_shared>>
      tpu.enqueue_dma source(%arg8 : memref<48x64xf32, #tpu.memory_space<vmem>>) target(%dma_start3A_116 : memref<48x64xf32, #tpu.memory_space<vmem_shared>>) target_semaphore(%run_scoped3A_112 : memref<!tpu.dma_semaphore, #tpu.memory_space<semaphore_mem>>)
      %dma_wait3A_117 = arith.constant 0 : i32
      %dma_wait3A_118 = tpu.memref_slice %arg12[%add3A_30, %dma_wait3A_117] : memref<10240x64xf32, #tpu.memory_space<vmem_shared>> -> memref<48x64xf32, #tpu.memory_space<vmem_shared>>
      %dma_wait3A_119 = arith.constant 0 : i32
      %dma_wait3A_120 = tpu.memref_slice %arg12[%add3A_30, %dma_wait3A_119] : memref<10240x64xf32, #tpu.memory_space<vmem_shared>> -> memref<48x64xf32, #tpu.memory_space<vmem_shared>>
      tpu.wait_dma2 semaphore(%run_scoped3A_112 : memref<!tpu.dma_semaphore, #tpu.memory_space<semaphore_mem>>) src(%arg8 : memref<48x64xf32, #tpu.memory_space<vmem>>) dst(%dma_wait3A_120 : memref<48x64xf32, #tpu.memory_space<vmem_shared>>)
      tpu.yield
    }) : () -> ()
    %mul3A_31 = arith.constant 640 : i32
    %mul3A_32 = arith.muli %arg1, %mul3A_31 : i32
    %add3A_33 = arith.constant 240 : i32
    %add3A_34 = arith.addi %mul3A_32, %add3A_33 : i32
    "tpu.region"() ({
      %run_scoped3A_112 = tpu.sem_alloc : memref<!tpu.dma_semaphore, #tpu.memory_space<semaphore_mem>>
      %dma_start3A_113 = arith.constant 0 : i32
      %dma_start3A_114 = tpu.memref_slice %arg12[%add3A_34, %dma_start3A_113] : memref<10240x64xf32, #tpu.memory_space<vmem_shared>> -> memref<48x64xf32, #tpu.memory_space<vmem_shared>>
      %dma_start3A_115 = arith.constant 0 : i32
      %dma_start3A_116 = tpu.memref_slice %arg12[%add3A_34, %dma_start3A_115] : memref<10240x64xf32, #tpu.memory_space<vmem_shared>> -> memref<48x64xf32, #tpu.memory_space<vmem_shared>>
      tpu.enqueue_dma source(%arg8 : memref<48x64xf32, #tpu.memory_space<vmem>>) target(%dma_start3A_116 : memref<48x64xf32, #tpu.memory_space<vmem_shared>>) target_semaphore(%run_scoped3A_112 : memref<!tpu.dma_semaphore, #tpu.memory_space<semaphore_mem>>)
      %dma_wait3A_117 = arith.constant 0 : i32
      %dma_wait3A_118 = tpu.memref_slice %arg12[%add3A_34, %dma_wait3A_117] : memref<10240x64xf32, #tpu.memory_space<vmem_shared>> -> memref<48x64xf32, #tpu.memory_space<vmem_shared>>
      %dma_wait3A_119 = arith.constant 0 : i32
      %dma_wait3A_120 = tpu.memref_slice %arg12[%add3A_34, %dma_wait3A_119] : memref<10240x64xf32, #tpu.memory_space<vmem_shared>> -> memref<48x64xf32, #tpu.memory_space<vmem_shared>>
      tpu.wait_dma2 semaphore(%run_scoped3A_112 : memref<!tpu.dma_semaphore, #tpu.memory_space<semaphore_mem>>) src(%arg8 : memref<48x64xf32, #tpu.memory_space<vmem>>) dst(%dma_wait3A_120 : memref<48x64xf32, #tpu.memory_space<vmem_shared>>)
      tpu.yield
    }) : () -> ()
    %mul3A_35 = arith.constant 640 : i32
    %mul3A_36 = arith.muli %arg1, %mul3A_35 : i32
    %add3A_37 = arith.constant 288 : i32
    %add3A_38 = arith.addi %mul3A_36, %add3A_37 : i32
    "tpu.region"() ({
      %run_scoped3A_112 = tpu.sem_alloc : memref<!tpu.dma_semaphore, #tpu.memory_space<semaphore_mem>>
      %dma_start3A_113 = arith.constant 0 : i32
      %dma_start3A_114 = tpu.memref_slice %arg12[%add3A_38, %dma_start3A_113] : memref<10240x64xf32, #tpu.memory_space<vmem_shared>> -> memref<48x64xf32, #tpu.memory_space<vmem_shared>>
      %dma_start3A_115 = arith.constant 0 : i32
      %dma_start3A_116 = tpu.memref_slice %arg12[%add3A_38, %dma_start3A_115] : memref<10240x64xf32, #tpu.memory_space<vmem_shared>> -> memref<48x64xf32, #tpu.memory_space<vmem_shared>>
      tpu.enqueue_dma source(%arg8 : memref<48x64xf32, #tpu.memory_space<vmem>>) target(%dma_start3A_116 : memref<48x64xf32, #tpu.memory_space<vmem_shared>>) target_semaphore(%run_scoped3A_112 : memref<!tpu.dma_semaphore, #tpu.memory_space<semaphore_mem>>)
      %dma_wait3A_117 = arith.constant 0 : i32
      %dma_wait3A_118 = tpu.memref_slice %arg12[%add3A_38, %dma_wait3A_117] : memref<10240x64xf32, #tpu.memory_space<vmem_shared>> -> memref<48x64xf32, #tpu.memory_space<vmem_shared>>
      %dma_wait3A_119 = arith.constant 0 : i32
      %dma_wait3A_120 = tpu.memref_slice %arg12[%add3A_38, %dma_wait3A_119] : memref<10240x64xf32, #tpu.memory_space<vmem_shared>> -> memref<48x64xf32, #tpu.memory_space<vmem_shared>>
      tpu.wait_dma2 semaphore(%run_scoped3A_112 : memref<!tpu.dma_semaphore, #tpu.memory_space<semaphore_mem>>) src(%arg8 : memref<48x64xf32, #tpu.memory_space<vmem>>) dst(%dma_wait3A_120 : memref<48x64xf32, #tpu.memory_space<vmem_shared>>)
      tpu.yield
    }) : () -> ()
    %mul3A_39 = arith.constant 640 : i32
    %mul3A_40 = arith.muli %arg1, %mul3A_39 : i32
    %add3A_41 = arith.constant 336 : i32
    %add3A_42 = arith.addi %mul3A_40, %add3A_41 : i32
    "tpu.region"() ({
      %run_scoped3A_112 = tpu.sem_alloc : memref<!tpu.dma_semaphore, #tpu.memory_space<semaphore_mem>>
      %dma_start3A_113 = arith.constant 0 : i32
      %dma_start3A_114 = tpu.memref_slice %arg12[%add3A_42, %dma_start3A_113] : memref<10240x64xf32, #tpu.memory_space<vmem_shared>> -> memref<48x64xf32, #tpu.memory_space<vmem_shared>>
      %dma_start3A_115 = arith.constant 0 : i32
      %dma_start3A_116 = tpu.memref_slice %arg12[%add3A_42, %dma_start3A_115] : memref<10240x64xf32, #tpu.memory_space<vmem_shared>> -> memref<48x64xf32, #tpu.memory_space<vmem_shared>>
      tpu.enqueue_dma source(%arg8 : memref<48x64xf32, #tpu.memory_space<vmem>>) target(%dma_start3A_116 : memref<48x64xf32, #tpu.memory_space<vmem_shared>>) target_semaphore(%run_scoped3A_112 : memref<!tpu.dma_semaphore, #tpu.memory_space<semaphore_mem>>)
      %dma_wait3A_117 = arith.constant 0 : i32
      %dma_wait3A_118 = tpu.memref_slice %arg12[%add3A_42, %dma_wait3A_117] : memref<10240x64xf32, #tpu.memory_space<vmem_shared>> -> memref<48x64xf32, #tpu.memory_space<vmem_shared>>
      %dma_wait3A_119 = arith.constant 0 : i32
      %dma_wait3A_120 = tpu.memref_slice %arg12[%add3A_42, %dma_wait3A_119] : memref<10240x64xf32, #tpu.memory_space<vmem_shared>> -> memref<48x64xf32, #tpu.memory_space<vmem_shared>>
      tpu.wait_dma2 semaphore(%run_scoped3A_112 : memref<!tpu.dma_semaphore, #tpu.memory_space<semaphore_mem>>) src(%arg8 : memref<48x64xf32, #tpu.memory_space<vmem>>) dst(%dma_wait3A_120 : memref<48x64xf32, #tpu.memory_space<vmem_shared>>)
      tpu.yield
    }) : () -> ()
    %mul3A_43 = arith.constant 640 : i32
    %mul3A_44 = arith.muli %arg1, %mul3A_43 : i32
    %add3A_45 = arith.constant 384 : i32
    %add3A_46 = arith.addi %mul3A_44, %add3A_45 : i32
    "tpu.region"() ({
      %run_scoped3A_112 = tpu.sem_alloc : memref<!tpu.dma_semaphore, #tpu.memory_space<semaphore_mem>>
      %dma_start3A_113 = arith.constant 0 : i32
      %dma_start3A_114 = tpu.memref_slice %arg12[%add3A_46, %dma_start3A_113] : memref<10240x64xf32, #tpu.memory_space<vmem_shared>> -> memref<48x64xf32, #tpu.memory_space<vmem_shared>>
      %dma_start3A_115 = arith.constant 0 : i32
      %dma_start3A_116 = tpu.memref_slice %arg12[%add3A_46, %dma_start3A_115] : memref<10240x64xf32, #tpu.memory_space<vmem_shared>> -> memref<48x64xf32, #tpu.memory_space<vmem_shared>>
      tpu.enqueue_dma source(%arg8 : memref<48x64xf32, #tpu.memory_space<vmem>>) target(%dma_start3A_116 : memref<48x64xf32, #tpu.memory_space<vmem_shared>>) target_semaphore(%run_scoped3A_112 : memref<!tpu.dma_semaphore, #tpu.memory_space<semaphore_mem>>)
      %dma_wait3A_117 = arith.constant 0 : i32
      %dma_wait3A_118 = tpu.memref_slice %arg12[%add3A_46, %dma_wait3A_117] : memref<10240x64xf32, #tpu.memory_space<vmem_shared>> -> memref<48x64xf32, #tpu.memory_space<vmem_shared>>
      %dma_wait3A_119 = arith.constant 0 : i32
      %dma_wait3A_120 = tpu.memref_slice %arg12[%add3A_46, %dma_wait3A_119] : memref<10240x64xf32, #tpu.memory_space<vmem_shared>> -> memref<48x64xf32, #tpu.memory_space<vmem_shared>>
      tpu.wait_dma2 semaphore(%run_scoped3A_112 : memref<!tpu.dma_semaphore, #tpu.memory_space<semaphore_mem>>) src(%arg8 : memref<48x64xf32, #tpu.memory_space<vmem>>) dst(%dma_wait3A_120 : memref<48x64xf32, #tpu.memory_space<vmem_shared>>)
      tpu.yield
    }) : () -> ()
    %mul3A_47 = arith.constant 640 : i32
    %mul3A_48 = arith.muli %arg1, %mul3A_47 : i32
    %add3A_49 = arith.constant 432 : i32
    %add3A_50 = arith.addi %mul3A_48, %add3A_49 : i32
    "tpu.region"() ({
      %run_scoped3A_112 = tpu.sem_alloc : memref<!tpu.dma_semaphore, #tpu.memory_space<semaphore_mem>>
      %dma_start3A_113 = arith.constant 0 : i32
      %dma_start3A_114 = tpu.memref_slice %arg12[%add3A_50, %dma_start3A_113] : memref<10240x64xf32, #tpu.memory_space<vmem_shared>> -> memref<48x64xf32, #tpu.memory_space<vmem_shared>>
      %dma_start3A_115 = arith.constant 0 : i32
      %dma_start3A_116 = tpu.memref_slice %arg12[%add3A_50, %dma_start3A_115] : memref<10240x64xf32, #tpu.memory_space<vmem_shared>> -> memref<48x64xf32, #tpu.memory_space<vmem_shared>>
      tpu.enqueue_dma source(%arg8 : memref<48x64xf32, #tpu.memory_space<vmem>>) target(%dma_start3A_116 : memref<48x64xf32, #tpu.memory_space<vmem_shared>>) target_semaphore(%run_scoped3A_112 : memref<!tpu.dma_semaphore, #tpu.memory_space<semaphore_mem>>)
      %dma_wait3A_117 = arith.constant 0 : i32
      %dma_wait3A_118 = tpu.memref_slice %arg12[%add3A_50, %dma_wait3A_117] : memref<10240x64xf32, #tpu.memory_space<vmem_shared>> -> memref<48x64xf32, #tpu.memory_space<vmem_shared>>
      %dma_wait3A_119 = arith.constant 0 : i32
      %dma_wait3A_120 = tpu.memref_slice %arg12[%add3A_50, %dma_wait3A_119] : memref<10240x64xf32, #tpu.memory_space<vmem_shared>> -> memref<48x64xf32, #tpu.memory_space<vmem_shared>>
      tpu.wait_dma2 semaphore(%run_scoped3A_112 : memref<!tpu.dma_semaphore, #tpu.memory_space<semaphore_mem>>) src(%arg8 : memref<48x64xf32, #tpu.memory_space<vmem>>) dst(%dma_wait3A_120 : memref<48x64xf32, #tpu.memory_space<vmem_shared>>)
      tpu.yield
    }) : () -> ()
    %mul3A_51 = arith.constant 640 : i32
    %mul3A_52 = arith.muli %arg1, %mul3A_51 : i32
    %add3A_53 = arith.constant 480 : i32
    %add3A_54 = arith.addi %mul3A_52, %add3A_53 : i32
    "tpu.region"() ({
      %run_scoped3A_112 = tpu.sem_alloc : memref<!tpu.dma_semaphore, #tpu.memory_space<semaphore_mem>>
      %dma_start3A_113 = arith.constant 0 : i32
      %dma_start3A_114 = tpu.memref_slice %arg12[%add3A_54, %dma_start3A_113] : memref<10240x64xf32, #tpu.memory_space<vmem_shared>> -> memref<48x64xf32, #tpu.memory_space<vmem_shared>>
      %dma_start3A_115 = arith.constant 0 : i32
      %dma_start3A_116 = tpu.memref_slice %arg12[%add3A_54, %dma_start3A_115] : memref<10240x64xf32, #tpu.memory_space<vmem_shared>> -> memref<48x64xf32, #tpu.memory_space<vmem_shared>>
      tpu.enqueue_dma source(%arg8 : memref<48x64xf32, #tpu.memory_space<vmem>>) target(%dma_start3A_116 : memref<48x64xf32, #tpu.memory_space<vmem_shared>>) target_semaphore(%run_scoped3A_112 : memref<!tpu.dma_semaphore, #tpu.memory_space<semaphore_mem>>)
      %dma_wait3A_117 = arith.constant 0 : i32
      %dma_wait3A_118 = tpu.memref_slice %arg12[%add3A_54, %dma_wait3A_117] : memref<10240x64xf32, #tpu.memory_space<vmem_shared>> -> memref<48x64xf32, #tpu.memory_space<vmem_shared>>
      %dma_wait3A_119 = arith.constant 0 : i32
      %dma_wait3A_120 = tpu.memref_slice %arg12[%add3A_54, %dma_wait3A_119] : memref<10240x64xf32, #tpu.memory_space<vmem_shared>> -> memref<48x64xf32, #tpu.memory_space<vmem_shared>>
      tpu.wait_dma2 semaphore(%run_scoped3A_112 : memref<!tpu.dma_semaphore, #tpu.memory_space<semaphore_mem>>) src(%arg8 : memref<48x64xf32, #tpu.memory_space<vmem>>) dst(%dma_wait3A_120 : memref<48x64xf32, #tpu.memory_space<vmem_shared>>)
      tpu.yield
    }) : () -> ()
    %mul3A_55 = arith.constant 640 : i32
    %mul3A_56 = arith.muli %arg1, %mul3A_55 : i32
    %add3A_57 = arith.constant 528 : i32
    %add3A_58 = arith.addi %mul3A_56, %add3A_57 : i32
    "tpu.region"() ({
      %run_scoped3A_112 = tpu.sem_alloc : memref<!tpu.dma_semaphore, #tpu.memory_space<semaphore_mem>>
      %dma_start3A_113 = arith.constant 0 : i32
      %dma_start3A_114 = tpu.memref_slice %arg12[%add3A_58, %dma_start3A_113] : memref<10240x64xf32, #tpu.memory_space<vmem_shared>> -> memref<48x64xf32, #tpu.memory_space<vmem_shared>>
      %dma_start3A_115 = arith.constant 0 : i32
      %dma_start3A_116 = tpu.memref_slice %arg12[%add3A_58, %dma_start3A_115] : memref<10240x64xf32, #tpu.memory_space<vmem_shared>> -> memref<48x64xf32, #tpu.memory_space<vmem_shared>>
      tpu.enqueue_dma source(%arg8 : memref<48x64xf32, #tpu.memory_space<vmem>>) target(%dma_start3A_116 : memref<48x64xf32, #tpu.memory_space<vmem_shared>>) target_semaphore(%run_scoped3A_112 : memref<!tpu.dma_semaphore, #tpu.memory_space<semaphore_mem>>)
      %dma_wait3A_117 = arith.constant 0 : i32
      %dma_wait3A_118 = tpu.memref_slice %arg12[%add3A_58, %dma_wait3A_117] : memref<10240x64xf32, #tpu.memory_space<vmem_shared>> -> memref<48x64xf32, #tpu.memory_space<vmem_shared>>
      %dma_wait3A_119 = arith.constant 0 : i32
      %dma_wait3A_120 = tpu.memref_slice %arg12[%add3A_58, %dma_wait3A_119] : memref<10240x64xf32, #tpu.memory_space<vmem_shared>> -> memref<48x64xf32, #tpu.memory_space<vmem_shared>>
      tpu.wait_dma2 semaphore(%run_scoped3A_112 : memref<!tpu.dma_semaphore, #tpu.memory_space<semaphore_mem>>) src(%arg8 : memref<48x64xf32, #tpu.memory_space<vmem>>) dst(%dma_wait3A_120 : memref<48x64xf32, #tpu.memory_space<vmem_shared>>)
      tpu.yield
    }) : () -> ()
    %mul3A_59 = arith.constant 640 : i32
    %mul3A_60 = arith.muli %arg1, %mul3A_59 : i32
    %add3A_61 = arith.constant 576 : i32
    %add3A_62 = arith.addi %mul3A_60, %add3A_61 : i32
    "tpu.region"() ({
      %run_scoped3A_112 = tpu.sem_alloc : memref<!tpu.dma_semaphore, #tpu.memory_space<semaphore_mem>>
      %dma_start3A_113 = arith.constant 0 : i32
      %dma_start3A_114 = tpu.memref_slice %arg12[%add3A_62, %dma_start3A_113] : memref<10240x64xf32, #tpu.memory_space<vmem_shared>> -> memref<48x64xf32, #tpu.memory_space<vmem_shared>>
      %dma_start3A_115 = arith.constant 0 : i32
      %dma_start3A_116 = tpu.memref_slice %arg12[%add3A_62, %dma_start3A_115] : memref<10240x64xf32, #tpu.memory_space<vmem_shared>> -> memref<48x64xf32, #tpu.memory_space<vmem_shared>>
      tpu.enqueue_dma source(%arg8 : memref<48x64xf32, #tpu.memory_space<vmem>>) target(%dma_start3A_116 : memref<48x64xf32, #tpu.memory_space<vmem_shared>>) target_semaphore(%run_scoped3A_112 : memref<!tpu.dma_semaphore, #tpu.memory_space<semaphore_mem>>)
      %dma_wait3A_117 = arith.constant 0 : i32
      %dma_wait3A_118 = tpu.memref_slice %arg12[%add3A_62, %dma_wait3A_117] : memref<10240x64xf32, #tpu.memory_space<vmem_shared>> -> memref<48x64xf32, #tpu.memory_space<vmem_shared>>
      %dma_wait3A_119 = arith.constant 0 : i32
      %dma_wait3A_120 = tpu.memref_slice %arg12[%add3A_62, %dma_wait3A_119] : memref<10240x64xf32, #tpu.memory_space<vmem_shared>> -> memref<48x64xf32, #tpu.memory_space<vmem_shared>>
      tpu.wait_dma2 semaphore(%run_scoped3A_112 : memref<!tpu.dma_semaphore, #tpu.memory_space<semaphore_mem>>) src(%arg8 : memref<48x64xf32, #tpu.memory_space<vmem>>) dst(%dma_wait3A_120 : memref<48x64xf32, #tpu.memory_space<vmem_shared>>)
      tpu.yield
    }) : () -> ()
    %mul3A_63 = arith.constant 640 : i32
    %mul3A_64 = arith.muli %arg1, %mul3A_63 : i32
    %add3A_65 = arith.constant 624 : i32
    %add3A_66 = arith.addi %mul3A_64, %add3A_65 : i32
    "tpu.region"() ({
      %run_scoped3A_112 = tpu.sem_alloc : memref<!tpu.dma_semaphore, #tpu.memory_space<semaphore_mem>>
      %dma_start3A_113 = arith.constant 0 : i32
      %dma_start3A_114 = arith.constant 0 : i32
      %dma_start3A_115 = tpu.memref_slice %arg8[%dma_start3A_113, %dma_start3A_114] : memref<48x64xf32, #tpu.memory_space<vmem>> -> memref<16x64xf32, #tpu.memory_space<vmem>>
      %dma_start3A_116 = arith.constant 0 : i32
      %dma_start3A_117 = tpu.memref_slice %arg12[%add3A_66, %dma_start3A_116] : memref<10240x64xf32, #tpu.memory_space<vmem_shared>> -> memref<16x64xf32, #tpu.memory_space<vmem_shared>>
      %dma_start3A_118 = arith.constant 0 : i32
      %dma_start3A_119 = tpu.memref_slice %arg12[%add3A_66, %dma_start3A_118] : memref<10240x64xf32, #tpu.memory_space<vmem_shared>> -> memref<16x64xf32, #tpu.memory_space<vmem_shared>>
      %dma_start3A_120 = arith.constant 0 : i32
      %dma_start3A_121 = arith.constant 0 : i32
      %dma_start3A_122 = tpu.memref_slice %arg8[%dma_start3A_120, %dma_start3A_121] : memref<48x64xf32, #tpu.memory_space<vmem>> -> memref<16x64xf32, #tpu.memory_space<vmem>>
      tpu.enqueue_dma source(%dma_start3A_122 : memref<16x64xf32, #tpu.memory_space<vmem>>) target(%dma_start3A_119 : memref<16x64xf32, #tpu.memory_space<vmem_shared>>) target_semaphore(%run_scoped3A_112 : memref<!tpu.dma_semaphore, #tpu.memory_space<semaphore_mem>>)
      %dma_wait3A_123 = arith.constant 0 : i32
      %dma_wait3A_124 = arith.constant 0 : i32
      %dma_wait3A_125 = tpu.memref_slice %arg8[%dma_wait3A_123, %dma_wait3A_124] : memref<48x64xf32, #tpu.memory_space<vmem>> -> memref<16x64xf32, #tpu.memory_space<vmem>>
      %dma_wait3A_126 = arith.constant 0 : i32
      %dma_wait3A_127 = tpu.memref_slice %arg12[%add3A_66, %dma_wait3A_126] : memref<10240x64xf32, #tpu.memory_space<vmem_shared>> -> memref<16x64xf32, #tpu.memory_space<vmem_shared>>
      %dma_wait3A_128 = arith.constant 0 : i32
      %dma_wait3A_129 = tpu.memref_slice %arg12[%add3A_66, %dma_wait3A_128] : memref<10240x64xf32, #tpu.memory_space<vmem_shared>> -> memref<16x64xf32, #tpu.memory_space<vmem_shared>>
      %dma_wait3A_130 = arith.constant 0 : i32
      %dma_wait3A_131 = arith.constant 0 : i32
      %dma_wait3A_132 = tpu.memref_slice %arg8[%dma_wait3A_130, %dma_wait3A_131] : memref<48x64xf32, #tpu.memory_space<vmem>> -> memref<16x64xf32, #tpu.memory_space<vmem>>
      tpu.wait_dma2 semaphore(%run_scoped3A_112 : memref<!tpu.dma_semaphore, #tpu.memory_space<semaphore_mem>>) src(%dma_wait3A_132 : memref<16x64xf32, #tpu.memory_space<vmem>>) dst(%dma_wait3A_129 : memref<16x64xf32, #tpu.memory_space<vmem_shared>>)
      tpu.yield
    }) : () -> ()
    %run_scoped3A = arith.constant 0 : i32
    %run_scoped3A_67 = arith.constant 0 : i32
    "tpu.region"() ({
      %run_scoped3A_112 = tpu.sem_alloc : memref<!tpu.dma_semaphore, #tpu.memory_space<semaphore_mem>>
      %dma_start3A_113 = arith.constant 0 : i32
      %dma_start3A_114 = arith.constant 0 : i32
      %dma_start3A_115 = tpu.memref_slice %arg6[%run_scoped3A_67, %dma_start3A_113, %dma_start3A_114] : memref<2x8x48xi32, #tpu.memory_space<vmem>> -> memref<1x8x48xi32, #tpu.memory_space<vmem>>
      %dma_start3A_116 = tpu.memref_squeeze %dma_start3A_115 : memref<1x8x48xi32, #tpu.memory_space<vmem>> -> memref<8x48xi32, #tpu.memory_space<vmem>>
      %dma_start3A_117 = arith.constant 0 : i32
      %dma_start3A_118 = arith.constant 0 : i32
      %dma_start3A_119 = tpu.memref_slice %arg3[%add3A, %run_scoped3A, %dma_start3A_117, %dma_start3A_118] : memref<32x27x8x48xi32, #tpu.memory_space<hbm>> -> memref<1x1x8x48xi32, #tpu.memory_space<hbm>>
      %dma_start3A_120 = tpu.memref_squeeze %dma_start3A_119 : memref<1x1x8x48xi32, #tpu.memory_space<hbm>> -> memref<8x48xi32, #tpu.memory_space<hbm>>
      %dma_start3A_121 = arith.constant 0 : i32
      %dma_start3A_122 = arith.constant 0 : i32
      %dma_start3A_123 = tpu.memref_slice %arg6[%run_scoped3A_67, %dma_start3A_121, %dma_start3A_122] : memref<2x8x48xi32, #tpu.memory_space<vmem>> -> memref<1x8x48xi32, #tpu.memory_space<vmem>>
      %dma_start3A_124 = tpu.memref_squeeze %dma_start3A_123 : memref<1x8x48xi32, #tpu.memory_space<vmem>> -> memref<8x48xi32, #tpu.memory_space<vmem>>
      %dma_start3A_125 = arith.constant 0 : i32
      %dma_start3A_126 = arith.constant 0 : i32
      %dma_start3A_127 = tpu.memref_slice %arg3[%add3A, %run_scoped3A, %dma_start3A_125, %dma_start3A_126] : memref<32x27x8x48xi32, #tpu.memory_space<hbm>> -> memref<1x1x8x48xi32, #tpu.memory_space<hbm>>
      %dma_start3A_128 = tpu.memref_squeeze %dma_start3A_127 : memref<1x1x8x48xi32, #tpu.memory_space<hbm>> -> memref<8x48xi32, #tpu.memory_space<hbm>>
      tpu.enqueue_dma source(%dma_start3A_128 : memref<8x48xi32, #tpu.memory_space<hbm>>) target(%dma_start3A_124 : memref<8x48xi32, #tpu.memory_space<vmem>>) target_semaphore(%run_scoped3A_112 : memref<!tpu.dma_semaphore, #tpu.memory_space<semaphore_mem>>)
      %dma_wait3A_129 = arith.constant 0 : i32
      %dma_wait3A_130 = arith.constant 0 : i32
      %dma_wait3A_131 = tpu.memref_slice %arg6[%run_scoped3A_67, %dma_wait3A_129, %dma_wait3A_130] : memref<2x8x48xi32, #tpu.memory_space<vmem>> -> memref<1x8x48xi32, #tpu.memory_space<vmem>>
      %dma_wait3A_132 = tpu.memref_squeeze %dma_wait3A_131 : memref<1x8x48xi32, #tpu.memory_space<vmem>> -> memref<8x48xi32, #tpu.memory_space<vmem>>
      %dma_wait3A_133 = arith.constant 0 : i32
      %dma_wait3A_134 = arith.constant 0 : i32
      %dma_wait3A_135 = tpu.memref_slice %arg3[%add3A, %run_scoped3A, %dma_wait3A_133, %dma_wait3A_134] : memref<32x27x8x48xi32, #tpu.memory_space<hbm>> -> memref<1x1x8x48xi32, #tpu.memory_space<hbm>>
      %dma_wait3A_136 = tpu.memref_squeeze %dma_wait3A_135 : memref<1x1x8x48xi32, #tpu.memory_space<hbm>> -> memref<8x48xi32, #tpu.memory_space<hbm>>
      %dma_wait3A_137 = arith.constant 0 : i32
      %dma_wait3A_138 = arith.constant 0 : i32
      %dma_wait3A_139 = tpu.memref_slice %arg6[%run_scoped3A_67, %dma_wait3A_137, %dma_wait3A_138] : memref<2x8x48xi32, #tpu.memory_space<vmem>> -> memref<1x8x48xi32, #tpu.memory_space<vmem>>
      %dma_wait3A_140 = tpu.memref_squeeze %dma_wait3A_139 : memref<1x8x48xi32, #tpu.memory_space<vmem>> -> memref<8x48xi32, #tpu.memory_space<vmem>>
      %dma_wait3A_141 = arith.constant 0 : i32
      %dma_wait3A_142 = arith.constant 0 : i32
      %dma_wait3A_143 = tpu.memref_slice %arg3[%add3A, %run_scoped3A, %dma_wait3A_141, %dma_wait3A_142] : memref<32x27x8x48xi32, #tpu.memory_space<hbm>> -> memref<1x1x8x48xi32, #tpu.memory_space<hbm>>
      %dma_wait3A_144 = tpu.memref_squeeze %dma_wait3A_143 : memref<1x1x8x48xi32, #tpu.memory_space<hbm>> -> memref<8x48xi32, #tpu.memory_space<hbm>>
      tpu.wait_dma2 semaphore(%run_scoped3A_112 : memref<!tpu.dma_semaphore, #tpu.memory_space<semaphore_mem>>) src(%dma_wait3A_144 : memref<8x48xi32, #tpu.memory_space<hbm>>) dst(%dma_wait3A_140 : memref<8x48xi32, #tpu.memory_space<vmem>>)
      tpu.yield
    }) : () -> ()
    %run_scoped3A_68 = arith.constant 0 : i32
    %run_scoped3A_69 = arith.constant 0 : i32
    "tpu.region"() ({
      %run_scoped3A_112 = tpu.sem_alloc : memref<!tpu.dma_semaphore, #tpu.memory_space<semaphore_mem>>
      %dma_start3A_113 = arith.constant 0 : i32
      %dma_start3A_114 = arith.constant 0 : i32
      %dma_start3A_115 = tpu.memref_slice %arg7[%run_scoped3A_69, %dma_start3A_113, %dma_start3A_114] : memref<2x8x48xi32, #tpu.memory_space<vmem>> -> memref<1x8x48xi32, #tpu.memory_space<vmem>>
      %dma_start3A_116 = tpu.memref_squeeze %dma_start3A_115 : memref<1x8x48xi32, #tpu.memory_space<vmem>> -> memref<8x48xi32, #tpu.memory_space<vmem>>
      %dma_start3A_117 = arith.constant 0 : i32
      %dma_start3A_118 = arith.constant 0 : i32
      %dma_start3A_119 = tpu.memref_slice %arg4[%add3A, %run_scoped3A_68, %dma_start3A_117, %dma_start3A_118] : memref<32x27x8x48xi32, #tpu.memory_space<hbm>> -> memref<1x1x8x48xi32, #tpu.memory_space<hbm>>
      %dma_start3A_120 = tpu.memref_squeeze %dma_start3A_119 : memref<1x1x8x48xi32, #tpu.memory_space<hbm>> -> memref<8x48xi32, #tpu.memory_space<hbm>>
      %dma_start3A_121 = arith.constant 0 : i32
      %dma_start3A_122 = arith.constant 0 : i32
      %dma_start3A_123 = tpu.memref_slice %arg7[%run_scoped3A_69, %dma_start3A_121, %dma_start3A_122] : memref<2x8x48xi32, #tpu.memory_space<vmem>> -> memref<1x8x48xi32, #tpu.memory_space<vmem>>
      %dma_start3A_124 = tpu.memref_squeeze %dma_start3A_123 : memref<1x8x48xi32, #tpu.memory_space<vmem>> -> memref<8x48xi32, #tpu.memory_space<vmem>>
      %dma_start3A_125 = arith.constant 0 : i32
      %dma_start3A_126 = arith.constant 0 : i32
      %dma_start3A_127 = tpu.memref_slice %arg4[%add3A, %run_scoped3A_68, %dma_start3A_125, %dma_start3A_126] : memref<32x27x8x48xi32, #tpu.memory_space<hbm>> -> memref<1x1x8x48xi32, #tpu.memory_space<hbm>>
      %dma_start3A_128 = tpu.memref_squeeze %dma_start3A_127 : memref<1x1x8x48xi32, #tpu.memory_space<hbm>> -> memref<8x48xi32, #tpu.memory_space<hbm>>
      tpu.enqueue_dma source(%dma_start3A_128 : memref<8x48xi32, #tpu.memory_space<hbm>>) target(%dma_start3A_124 : memref<8x48xi32, #tpu.memory_space<vmem>>) target_semaphore(%run_scoped3A_112 : memref<!tpu.dma_semaphore, #tpu.memory_space<semaphore_mem>>)
      %dma_wait3A_129 = arith.constant 0 : i32
      %dma_wait3A_130 = arith.constant 0 : i32
      %dma_wait3A_131 = tpu.memref_slice %arg7[%run_scoped3A_69, %dma_wait3A_129, %dma_wait3A_130] : memref<2x8x48xi32, #tpu.memory_space<vmem>> -> memref<1x8x48xi32, #tpu.memory_space<vmem>>
      %dma_wait3A_132 = tpu.memref_squeeze %dma_wait3A_131 : memref<1x8x48xi32, #tpu.memory_space<vmem>> -> memref<8x48xi32, #tpu.memory_space<vmem>>
      %dma_wait3A_133 = arith.constant 0 : i32
      %dma_wait3A_134 = arith.constant 0 : i32
      %dma_wait3A_135 = tpu.memref_slice %arg4[%add3A, %run_scoped3A_68, %dma_wait3A_133, %dma_wait3A_134] : memref<32x27x8x48xi32, #tpu.memory_space<hbm>> -> memref<1x1x8x48xi32, #tpu.memory_space<hbm>>
      %dma_wait3A_136 = tpu.memref_squeeze %dma_wait3A_135 : memref<1x1x8x48xi32, #tpu.memory_space<hbm>> -> memref<8x48xi32, #tpu.memory_space<hbm>>
      %dma_wait3A_137 = arith.constant 0 : i32
      %dma_wait3A_138 = arith.constant 0 : i32
      %dma_wait3A_139 = tpu.memref_slice %arg7[%run_scoped3A_69, %dma_wait3A_137, %dma_wait3A_138] : memref<2x8x48xi32, #tpu.memory_space<vmem>> -> memref<1x8x48xi32, #tpu.memory_space<vmem>>
      %dma_wait3A_140 = tpu.memref_squeeze %dma_wait3A_139 : memref<1x8x48xi32, #tpu.memory_space<vmem>> -> memref<8x48xi32, #tpu.memory_space<vmem>>
      %dma_wait3A_141 = arith.constant 0 : i32
      %dma_wait3A_142 = arith.constant 0 : i32
      %dma_wait3A_143 = tpu.memref_slice %arg4[%add3A, %run_scoped3A_68, %dma_wait3A_141, %dma_wait3A_142] : memref<32x27x8x48xi32, #tpu.memory_space<hbm>> -> memref<1x1x8x48xi32, #tpu.memory_space<hbm>>
      %dma_wait3A_144 = tpu.memref_squeeze %dma_wait3A_143 : memref<1x1x8x48xi32, #tpu.memory_space<hbm>> -> memref<8x48xi32, #tpu.memory_space<hbm>>
      tpu.wait_dma2 semaphore(%run_scoped3A_112 : memref<!tpu.dma_semaphore, #tpu.memory_space<semaphore_mem>>) src(%dma_wait3A_144 : memref<8x48xi32, #tpu.memory_space<hbm>>) dst(%dma_wait3A_140 : memref<8x48xi32, #tpu.memory_space<vmem>>)
      tpu.yield
    }) : () -> ()
    %barrier3A = arith.constant 0 : index
    tpu.barrier barrier_id(%barrier3A)
    %dma_start3A = arith.constant 0 : i32
    %dma_start3A_70 = arith.constant 0 : i32
    %dma_start3A_71 = arith.constant 0 : i32
    %dma_start3A_72 = tpu.memref_slice %arg6[%dma_start3A, %dma_start3A_70, %dma_start3A_71] : memref<2x8x48xi32, #tpu.memory_space<vmem>> -> memref<1x1x48xi32, #tpu.memory_space<vmem>>
    %dma_start3A_73 = tpu.memref_squeeze %dma_start3A_72 : memref<1x1x48xi32, #tpu.memory_space<vmem>> -> memref<48xi32, #tpu.memory_space<vmem>>
    %dma_start3A_74 = arith.constant 0 : i32
    %dma_start3A_75 = arith.constant 0 : i32
    %dma_start3A_76 = tpu.memref_slice %arg22[%dma_start3A_74, %dma_start3A_75] : memref<10000x64xf32, #tpu.memory_space<vmem_shared>> -> memref<10000x64xf32, #tpu.memory_space<vmem_shared>>
    tpu.enqueue_indirect_dma source(%dma_start3A_76 : memref<10000x64xf32, #tpu.memory_space<vmem_shared>>) target(%arg8 : memref<48x64xf32, #tpu.memory_space<vmem>>) offsets(%dma_start3A_73 : memref<48xi32, #tpu.memory_space<vmem>>) semaphore(%arg13 : memref<!tpu.dma_semaphore, #tpu.memory_space<semaphore_mem>>)
    %dma_start3A_77 = arith.constant 0 : i32
    %dma_start3A_78 = arith.constant 1 : i32
    %dma_start3A_79 = arith.constant 0 : i32
    %dma_start3A_80 = tpu.memref_slice %arg6[%dma_start3A_77, %dma_start3A_78, %dma_start3A_79] : memref<2x8x48xi32, #tpu.memory_space<vmem>> -> memref<1x1x48xi32, #tpu.memory_space<vmem>>
    %dma_start3A_81 = tpu.memref_squeeze %dma_start3A_80 : memref<1x1x48xi32, #tpu.memory_space<vmem>> -> memref<48xi32, #tpu.memory_space<vmem>>
    %dma_start3A_82 = arith.constant 0 : i32
    %dma_start3A_83 = arith.constant 0 : i32
    %dma_start3A_84 = tpu.memref_slice %arg22[%dma_start3A_82, %dma_start3A_83] : memref<10000x64xf32, #tpu.memory_space<vmem_shared>> -> memref<10000x64xf32, #tpu.memory_space<vmem_shared>>
    tpu.enqueue_indirect_dma source(%dma_start3A_84 : memref<10000x64xf32, #tpu.memory_space<vmem_shared>>) target(%arg9 : memref<48x64xf32, #tpu.memory_space<vmem>>) offsets(%dma_start3A_81 : memref<48xi32, #tpu.memory_space<vmem>>) semaphore(%arg14 : memref<!tpu.dma_semaphore, #tpu.memory_space<semaphore_mem>>)
    %dma_start3A_85 = arith.constant 0 : i32
    %dma_start3A_86 = arith.constant 2 : i32
    %dma_start3A_87 = arith.constant 0 : i32
    %dma_start3A_88 = tpu.memref_slice %arg6[%dma_start3A_85, %dma_start3A_86, %dma_start3A_87] : memref<2x8x48xi32, #tpu.memory_space<vmem>> -> memref<1x1x48xi32, #tpu.memory_space<vmem>>
    %dma_start3A_89 = tpu.memref_squeeze %dma_start3A_88 : memref<1x1x48xi32, #tpu.memory_space<vmem>> -> memref<48xi32, #tpu.memory_space<vmem>>
    %dma_start3A_90 = arith.constant 0 : i32
    %dma_start3A_91 = arith.constant 0 : i32
    %dma_start3A_92 = tpu.memref_slice %arg22[%dma_start3A_90, %dma_start3A_91] : memref<10000x64xf32, #tpu.memory_space<vmem_shared>> -> memref<10000x64xf32, #tpu.memory_space<vmem_shared>>
    tpu.enqueue_indirect_dma source(%dma_start3A_92 : memref<10000x64xf32, #tpu.memory_space<vmem_shared>>) target(%arg10 : memref<48x64xf32, #tpu.memory_space<vmem>>) offsets(%dma_start3A_89 : memref<48xi32, #tpu.memory_space<vmem>>) semaphore(%arg15 : memref<!tpu.dma_semaphore, #tpu.memory_space<semaphore_mem>>)
    %scan3A_93 = arith.constant 0 : i32
    %scan3A_94 = arith.constant 0 : i32
    %scan3A_95 = arith.constant 27 : i32
    %scan3A_96 = arith.addi %scan3A_94, %scan3A_95 : i32
    %scan3A_97 = arith.constant 1 : i32
    %scan3A_98 = scf.for %scan3A_112 = %scan3A_94 to %scan3A_96 step %scan3A_97 iter_args(%scan3A_113 = %scan3A_93) -> (i32)  : i32 {
      %rem3A = arith.constant 2 : i32
      %rem3A_114 = arith.remsi %scan3A_112, %rem3A : i32
      %lt3A = arith.constant 26 : i32
      %lt3A_115 = arith.cmpi slt, %scan3A_112, %lt3A : i32
      %convert_element_type3A = arith.extui %lt3A_115 : i1 to i32
      %cond3A = arith.constant 0 : i32
      %cond3A_116 = arith.cmpi ne, %convert_element_type3A, %cond3A : i32
      scf.if %cond3A_116 {
        %add3A_333 = arith.constant 1 : i32
        %add3A_334 = arith.addi %scan3A_112, %add3A_333 : i32
        %sub3A = arith.constant 1 : i32
        %sub3A_335 = arith.subi %sub3A, %rem3A_114 : i32
        %dma_start3A_336 = arith.constant 0 : i32
        %dma_start3A_337 = arith.constant 0 : i32
        %dma_start3A_338 = tpu.memref_slice %arg6[%sub3A_335, %dma_start3A_336, %dma_start3A_337] : memref<2x8x48xi32, #tpu.memory_space<vmem>> -> memref<1x8x48xi32, #tpu.memory_space<vmem>>
        %dma_start3A_339 = tpu.memref_squeeze %dma_start3A_338 : memref<1x8x48xi32, #tpu.memory_space<vmem>> -> memref<8x48xi32, #tpu.memory_space<vmem>>
        %dma_start3A_340 = arith.constant 0 : i32
        %dma_start3A_341 = arith.constant 0 : i32
        %dma_start3A_342 = tpu.memref_slice %arg3[%add3A, %add3A_334, %dma_start3A_340, %dma_start3A_341] : memref<32x27x8x48xi32, #tpu.memory_space<hbm>> -> memref<1x1x8x48xi32, #tpu.memory_space<hbm>>
        %dma_start3A_343 = tpu.memref_squeeze %dma_start3A_342 : memref<1x1x8x48xi32, #tpu.memory_space<hbm>> -> memref<8x48xi32, #tpu.memory_space<hbm>>
        %dma_start3A_344 = arith.constant 0 : i32
        %dma_start3A_345 = arith.constant 0 : i32
        %dma_start3A_346 = tpu.memref_slice %arg6[%sub3A_335, %dma_start3A_344, %dma_start3A_345] : memref<2x8x48xi32, #tpu.memory_space<vmem>> -> memref<1x8x48xi32, #tpu.memory_space<vmem>>
        %dma_start3A_347 = tpu.memref_squeeze %dma_start3A_346 : memref<1x8x48xi32, #tpu.memory_space<vmem>> -> memref<8x48xi32, #tpu.memory_space<vmem>>
        %dma_start3A_348 = arith.constant 0 : i32
        %dma_start3A_349 = arith.constant 0 : i32
        %dma_start3A_350 = tpu.memref_slice %arg3[%add3A, %add3A_334, %dma_start3A_348, %dma_start3A_349] : memref<32x27x8x48xi32, #tpu.memory_space<hbm>> -> memref<1x1x8x48xi32, #tpu.memory_space<hbm>>
        %dma_start3A_351 = tpu.memref_squeeze %dma_start3A_350 : memref<1x1x8x48xi32, #tpu.memory_space<hbm>> -> memref<8x48xi32, #tpu.memory_space<hbm>>
        tpu.enqueue_dma source(%dma_start3A_351 : memref<8x48xi32, #tpu.memory_space<hbm>>) target(%dma_start3A_347 : memref<8x48xi32, #tpu.memory_space<vmem>>) target_semaphore(%arg21 : memref<!tpu.dma_semaphore, #tpu.memory_space<semaphore_mem>>)
        %add3A_352 = arith.constant 1 : i32
        %add3A_353 = arith.addi %scan3A_112, %add3A_352 : i32
        %sub3A_354 = arith.constant 1 : i32
        %sub3A_355 = arith.subi %sub3A_354, %rem3A_114 : i32
        %dma_start3A_356 = arith.constant 0 : i32
        %dma_start3A_357 = arith.constant 0 : i32
        %dma_start3A_358 = tpu.memref_slice %arg7[%sub3A_355, %dma_start3A_356, %dma_start3A_357] : memref<2x8x48xi32, #tpu.memory_space<vmem>> -> memref<1x8x48xi32, #tpu.memory_space<vmem>>
        %dma_start3A_359 = tpu.memref_squeeze %dma_start3A_358 : memref<1x8x48xi32, #tpu.memory_space<vmem>> -> memref<8x48xi32, #tpu.memory_space<vmem>>
        %dma_start3A_360 = arith.constant 0 : i32
        %dma_start3A_361 = arith.constant 0 : i32
        %dma_start3A_362 = tpu.memref_slice %arg4[%add3A, %add3A_353, %dma_start3A_360, %dma_start3A_361] : memref<32x27x8x48xi32, #tpu.memory_space<hbm>> -> memref<1x1x8x48xi32, #tpu.memory_space<hbm>>
        %dma_start3A_363 = tpu.memref_squeeze %dma_start3A_362 : memref<1x1x8x48xi32, #tpu.memory_space<hbm>> -> memref<8x48xi32, #tpu.memory_space<hbm>>
        %dma_start3A_364 = arith.constant 0 : i32
        %dma_start3A_365 = arith.constant 0 : i32
        %dma_start3A_366 = tpu.memref_slice %arg7[%sub3A_355, %dma_start3A_364, %dma_start3A_365] : memref<2x8x48xi32, #tpu.memory_space<vmem>> -> memref<1x8x48xi32, #tpu.memory_space<vmem>>
        %dma_start3A_367 = tpu.memref_squeeze %dma_start3A_366 : memref<1x8x48xi32, #tpu.memory_space<vmem>> -> memref<8x48xi32, #tpu.memory_space<vmem>>
        %dma_start3A_368 = arith.constant 0 : i32
        %dma_start3A_369 = arith.constant 0 : i32
        %dma_start3A_370 = tpu.memref_slice %arg4[%add3A, %add3A_353, %dma_start3A_368, %dma_start3A_369] : memref<32x27x8x48xi32, #tpu.memory_space<hbm>> -> memref<1x1x8x48xi32, #tpu.memory_space<hbm>>
        %dma_start3A_371 = tpu.memref_squeeze %dma_start3A_370 : memref<1x1x8x48xi32, #tpu.memory_space<hbm>> -> memref<8x48xi32, #tpu.memory_space<hbm>>
        tpu.enqueue_dma source(%dma_start3A_371 : memref<8x48xi32, #tpu.memory_space<hbm>>) target(%dma_start3A_367 : memref<8x48xi32, #tpu.memory_space<vmem>>) target_semaphore(%arg21 : memref<!tpu.dma_semaphore, #tpu.memory_space<semaphore_mem>>)
      } else {
      }
      %dma_wait3A_117 = arith.constant 0 : i32
      %dma_wait3A_118 = arith.constant 0 : i32
      %dma_wait3A_119 = tpu.memref_slice %arg6[%rem3A_114, %dma_wait3A_117, %dma_wait3A_118] : memref<2x8x48xi32, #tpu.memory_space<vmem>> -> memref<1x1x48xi32, #tpu.memory_space<vmem>>
      %dma_wait3A_120 = tpu.memref_squeeze %dma_wait3A_119 : memref<1x1x48xi32, #tpu.memory_space<vmem>> -> memref<48xi32, #tpu.memory_space<vmem>>
      %dma_wait3A_121 = arith.constant 0 : i32
      %dma_wait3A_122 = arith.constant 0 : i32
      %dma_wait3A_123 = tpu.memref_slice %arg22[%dma_wait3A_121, %dma_wait3A_122] : memref<10000x64xf32, #tpu.memory_space<vmem_shared>> -> memref<10000x64xf32, #tpu.memory_space<vmem_shared>>
      tpu.wait_indirect_dma semaphore(%arg13 : memref<!tpu.dma_semaphore, #tpu.memory_space<semaphore_mem>>) src(%dma_wait3A_123 : memref<10000x64xf32, #tpu.memory_space<vmem_shared>>) dst(%arg8 : memref<48x64xf32, #tpu.memory_space<vmem>>)
      %dma_start3A_124 = arith.constant 0 : i32
      %dma_start3A_125 = arith.constant 0 : i32
      %dma_start3A_126 = tpu.memref_slice %arg7[%rem3A_114, %dma_start3A_124, %dma_start3A_125] : memref<2x8x48xi32, #tpu.memory_space<vmem>> -> memref<1x1x48xi32, #tpu.memory_space<vmem>>
      %dma_start3A_127 = tpu.memref_squeeze %dma_start3A_126 : memref<1x1x48xi32, #tpu.memory_space<vmem>> -> memref<48xi32, #tpu.memory_space<vmem>>
      %dma_start3A_128 = arith.constant 0 : i32
      %dma_start3A_129 = arith.constant 0 : i32
      %dma_start3A_130 = tpu.memref_slice %arg12[%dma_start3A_128, %dma_start3A_129] : memref<10240x64xf32, #tpu.memory_space<vmem_shared>> -> memref<10240x64xf32, #tpu.memory_space<vmem_shared>>
      tpu.enqueue_indirect_dma source(%arg8 : memref<48x64xf32, #tpu.memory_space<vmem>>) target(%dma_start3A_130 : memref<10240x64xf32, #tpu.memory_space<vmem_shared>>) offsets(%dma_start3A_127 : memref<48xi32, #tpu.memory_space<vmem>>) semaphore(%arg17 : memref<!tpu.dma_semaphore, #tpu.memory_space<semaphore_mem>>) {add = true}
      %gt3A = arith.constant 0 : i32
      %gt3A_131 = arith.cmpi sgt, %scan3A_112, %gt3A : i32
      %convert_element_type3A_132 = arith.extui %gt3A_131 : i1 to i32
      %cond3A_133 = arith.constant 0 : i32
      %cond3A_134 = arith.cmpi ne, %convert_element_type3A_132, %cond3A_133 : i32
      scf.if %cond3A_134 {
        %sub3A = arith.constant 1 : i32
        %sub3A_333 = arith.subi %sub3A, %rem3A_114 : i32
        %dma_wait3A_334 = arith.constant 7 : i32
        %dma_wait3A_335 = arith.constant 0 : i32
        %dma_wait3A_336 = tpu.memref_slice %arg7[%sub3A_333, %dma_wait3A_334, %dma_wait3A_335] : memref<2x8x48xi32, #tpu.memory_space<vmem>> -> memref<1x1x48xi32, #tpu.memory_space<vmem>>
        %dma_wait3A_337 = tpu.memref_squeeze %dma_wait3A_336 : memref<1x1x48xi32, #tpu.memory_space<vmem>> -> memref<48xi32, #tpu.memory_space<vmem>>
        %dma_wait3A_338 = arith.constant 0 : i32
        %dma_wait3A_339 = arith.constant 0 : i32
        %dma_wait3A_340 = tpu.memref_slice %arg12[%dma_wait3A_338, %dma_wait3A_339] : memref<10240x64xf32, #tpu.memory_space<vmem_shared>> -> memref<10240x64xf32, #tpu.memory_space<vmem_shared>>
        tpu.wait_indirect_dma semaphore(%arg20 : memref<!tpu.dma_semaphore, #tpu.memory_space<semaphore_mem>>) src(%arg11 : memref<48x64xf32, #tpu.memory_space<vmem>>) dst(%dma_wait3A_340 : memref<10240x64xf32, #tpu.memory_space<vmem_shared>>)
      } else {
      }
      %dma_start3A_135 = arith.constant 3 : i32
      %dma_start3A_136 = arith.constant 0 : i32
      %dma_start3A_137 = tpu.memref_slice %arg6[%rem3A_114, %dma_start3A_135, %dma_start3A_136] : memref<2x8x48xi32, #tpu.memory_space<vmem>> -> memref<1x1x48xi32, #tpu.memory_space<vmem>>
      %dma_start3A_138 = tpu.memref_squeeze %dma_start3A_137 : memref<1x1x48xi32, #tpu.memory_space<vmem>> -> memref<48xi32, #tpu.memory_space<vmem>>
      %dma_start3A_139 = arith.constant 0 : i32
      %dma_start3A_140 = arith.constant 0 : i32
      %dma_start3A_141 = tpu.memref_slice %arg22[%dma_start3A_139, %dma_start3A_140] : memref<10000x64xf32, #tpu.memory_space<vmem_shared>> -> memref<10000x64xf32, #tpu.memory_space<vmem_shared>>
      tpu.enqueue_indirect_dma source(%dma_start3A_141 : memref<10000x64xf32, #tpu.memory_space<vmem_shared>>) target(%arg11 : memref<48x64xf32, #tpu.memory_space<vmem>>) offsets(%dma_start3A_138 : memref<48xi32, #tpu.memory_space<vmem>>) semaphore(%arg16 : memref<!tpu.dma_semaphore, #tpu.memory_space<semaphore_mem>>)
      %dma_wait3A_142 = arith.constant 1 : i32
      %dma_wait3A_143 = arith.constant 0 : i32
      %dma_wait3A_144 = tpu.memref_slice %arg6[%rem3A_114, %dma_wait3A_142, %dma_wait3A_143] : memref<2x8x48xi32, #tpu.memory_space<vmem>> -> memref<1x1x48xi32, #tpu.memory_space<vmem>>
      %dma_wait3A_145 = tpu.memref_squeeze %dma_wait3A_144 : memref<1x1x48xi32, #tpu.memory_space<vmem>> -> memref<48xi32, #tpu.memory_space<vmem>>
      %dma_wait3A_146 = arith.constant 0 : i32
      %dma_wait3A_147 = arith.constant 0 : i32
      %dma_wait3A_148 = tpu.memref_slice %arg22[%dma_wait3A_146, %dma_wait3A_147] : memref<10000x64xf32, #tpu.memory_space<vmem_shared>> -> memref<10000x64xf32, #tpu.memory_space<vmem_shared>>
      tpu.wait_indirect_dma semaphore(%arg14 : memref<!tpu.dma_semaphore, #tpu.memory_space<semaphore_mem>>) src(%dma_wait3A_148 : memref<10000x64xf32, #tpu.memory_space<vmem_shared>>) dst(%arg9 : memref<48x64xf32, #tpu.memory_space<vmem>>)
      %dma_start3A_149 = arith.constant 1 : i32
      %dma_start3A_150 = arith.constant 0 : i32
      %dma_start3A_151 = tpu.memref_slice %arg7[%rem3A_114, %dma_start3A_149, %dma_start3A_150] : memref<2x8x48xi32, #tpu.memory_space<vmem>> -> memref<1x1x48xi32, #tpu.memory_space<vmem>>
      %dma_start3A_152 = tpu.memref_squeeze %dma_start3A_151 : memref<1x1x48xi32, #tpu.memory_space<vmem>> -> memref<48xi32, #tpu.memory_space<vmem>>
      %dma_start3A_153 = arith.constant 0 : i32
      %dma_start3A_154 = arith.constant 0 : i32
      %dma_start3A_155 = tpu.memref_slice %arg12[%dma_start3A_153, %dma_start3A_154] : memref<10240x64xf32, #tpu.memory_space<vmem_shared>> -> memref<10240x64xf32, #tpu.memory_space<vmem_shared>>
      tpu.enqueue_indirect_dma source(%arg9 : memref<48x64xf32, #tpu.memory_space<vmem>>) target(%dma_start3A_155 : memref<10240x64xf32, #tpu.memory_space<vmem_shared>>) offsets(%dma_start3A_152 : memref<48xi32, #tpu.memory_space<vmem>>) semaphore(%arg18 : memref<!tpu.dma_semaphore, #tpu.memory_space<semaphore_mem>>) {add = true}
      %dma_wait3A_156 = arith.constant 0 : i32
      %dma_wait3A_157 = arith.constant 0 : i32
      %dma_wait3A_158 = tpu.memref_slice %arg7[%rem3A_114, %dma_wait3A_156, %dma_wait3A_157] : memref<2x8x48xi32, #tpu.memory_space<vmem>> -> memref<1x1x48xi32, #tpu.memory_space<vmem>>
      %dma_wait3A_159 = tpu.memref_squeeze %dma_wait3A_158 : memref<1x1x48xi32, #tpu.memory_space<vmem>> -> memref<48xi32, #tpu.memory_space<vmem>>
      %dma_wait3A_160 = arith.constant 0 : i32
      %dma_wait3A_161 = arith.constant 0 : i32
      %dma_wait3A_162 = tpu.memref_slice %arg12[%dma_wait3A_160, %dma_wait3A_161] : memref<10240x64xf32, #tpu.memory_space<vmem_shared>> -> memref<10240x64xf32, #tpu.memory_space<vmem_shared>>
      tpu.wait_indirect_dma semaphore(%arg17 : memref<!tpu.dma_semaphore, #tpu.memory_space<semaphore_mem>>) src(%arg8 : memref<48x64xf32, #tpu.memory_space<vmem>>) dst(%dma_wait3A_162 : memref<10240x64xf32, #tpu.memory_space<vmem_shared>>)
      %dma_start3A_163 = arith.constant 4 : i32
      %dma_start3A_164 = arith.constant 0 : i32
      %dma_start3A_165 = tpu.memref_slice %arg6[%rem3A_114, %dma_start3A_163, %dma_start3A_164] : memref<2x8x48xi32, #tpu.memory_space<vmem>> -> memref<1x1x48xi32, #tpu.memory_space<vmem>>
      %dma_start3A_166 = tpu.memref_squeeze %dma_start3A_165 : memref<1x1x48xi32, #tpu.memory_space<vmem>> -> memref<48xi32, #tpu.memory_space<vmem>>
      %dma_start3A_167 = arith.constant 0 : i32
      %dma_start3A_168 = arith.constant 0 : i32
      %dma_start3A_169 = tpu.memref_slice %arg22[%dma_start3A_167, %dma_start3A_168] : memref<10000x64xf32, #tpu.memory_space<vmem_shared>> -> memref<10000x64xf32, #tpu.memory_space<vmem_shared>>
      tpu.enqueue_indirect_dma source(%dma_start3A_169 : memref<10000x64xf32, #tpu.memory_space<vmem_shared>>) target(%arg8 : memref<48x64xf32, #tpu.memory_space<vmem>>) offsets(%dma_start3A_166 : memref<48xi32, #tpu.memory_space<vmem>>) semaphore(%arg13 : memref<!tpu.dma_semaphore, #tpu.memory_space<semaphore_mem>>)
      %dma_wait3A_170 = arith.constant 2 : i32
      %dma_wait3A_171 = arith.constant 0 : i32
      %dma_wait3A_172 = tpu.memref_slice %arg6[%rem3A_114, %dma_wait3A_170, %dma_wait3A_171] : memref<2x8x48xi32, #tpu.memory_space<vmem>> -> memref<1x1x48xi32, #tpu.memory_space<vmem>>
      %dma_wait3A_173 = tpu.memref_squeeze %dma_wait3A_172 : memref<1x1x48xi32, #tpu.memory_space<vmem>> -> memref<48xi32, #tpu.memory_space<vmem>>
      %dma_wait3A_174 = arith.constant 0 : i32
      %dma_wait3A_175 = arith.constant 0 : i32
      %dma_wait3A_176 = tpu.memref_slice %arg22[%dma_wait3A_174, %dma_wait3A_175] : memref<10000x64xf32, #tpu.memory_space<vmem_shared>> -> memref<10000x64xf32, #tpu.memory_space<vmem_shared>>
      tpu.wait_indirect_dma semaphore(%arg15 : memref<!tpu.dma_semaphore, #tpu.memory_space<semaphore_mem>>) src(%dma_wait3A_176 : memref<10000x64xf32, #tpu.memory_space<vmem_shared>>) dst(%arg10 : memref<48x64xf32, #tpu.memory_space<vmem>>)
      %dma_start3A_177 = arith.constant 2 : i32
      %dma_start3A_178 = arith.constant 0 : i32
      %dma_start3A_179 = tpu.memref_slice %arg7[%rem3A_114, %dma_start3A_177, %dma_start3A_178] : memref<2x8x48xi32, #tpu.memory_space<vmem>> -> memref<1x1x48xi32, #tpu.memory_space<vmem>>
      %dma_start3A_180 = tpu.memref_squeeze %dma_start3A_179 : memref<1x1x48xi32, #tpu.memory_space<vmem>> -> memref<48xi32, #tpu.memory_space<vmem>>
      %dma_start3A_181 = arith.constant 0 : i32
      %dma_start3A_182 = arith.constant 0 : i32
      %dma_start3A_183 = tpu.memref_slice %arg12[%dma_start3A_181, %dma_start3A_182] : memref<10240x64xf32, #tpu.memory_space<vmem_shared>> -> memref<10240x64xf32, #tpu.memory_space<vmem_shared>>
      tpu.enqueue_indirect_dma source(%arg10 : memref<48x64xf32, #tpu.memory_space<vmem>>) target(%dma_start3A_183 : memref<10240x64xf32, #tpu.memory_space<vmem_shared>>) offsets(%dma_start3A_180 : memref<48xi32, #tpu.memory_space<vmem>>) semaphore(%arg19 : memref<!tpu.dma_semaphore, #tpu.memory_space<semaphore_mem>>) {add = true}
      %dma_wait3A_184 = arith.constant 1 : i32
      %dma_wait3A_185 = arith.constant 0 : i32
      %dma_wait3A_186 = tpu.memref_slice %arg7[%rem3A_114, %dma_wait3A_184, %dma_wait3A_185] : memref<2x8x48xi32, #tpu.memory_space<vmem>> -> memref<1x1x48xi32, #tpu.memory_space<vmem>>
      %dma_wait3A_187 = tpu.memref_squeeze %dma_wait3A_186 : memref<1x1x48xi32, #tpu.memory_space<vmem>> -> memref<48xi32, #tpu.memory_space<vmem>>
      %dma_wait3A_188 = arith.constant 0 : i32
      %dma_wait3A_189 = arith.constant 0 : i32
      %dma_wait3A_190 = tpu.memref_slice %arg12[%dma_wait3A_188, %dma_wait3A_189] : memref<10240x64xf32, #tpu.memory_space<vmem_shared>> -> memref<10240x64xf32, #tpu.memory_space<vmem_shared>>
      tpu.wait_indirect_dma semaphore(%arg18 : memref<!tpu.dma_semaphore, #tpu.memory_space<semaphore_mem>>) src(%arg9 : memref<48x64xf32, #tpu.memory_space<vmem>>) dst(%dma_wait3A_190 : memref<10240x64xf32, #tpu.memory_space<vmem_shared>>)
      %dma_start3A_191 = arith.constant 5 : i32
      %dma_start3A_192 = arith.constant 0 : i32
      %dma_start3A_193 = tpu.memref_slice %arg6[%rem3A_114, %dma_start3A_191, %dma_start3A_192] : memref<2x8x48xi32, #tpu.memory_space<vmem>> -> memref<1x1x48xi32, #tpu.memory_space<vmem>>
      %dma_start3A_194 = tpu.memref_squeeze %dma_start3A_193 : memref<1x1x48xi32, #tpu.memory_space<vmem>> -> memref<48xi32, #tpu.memory_space<vmem>>
      %dma_start3A_195 = arith.constant 0 : i32
      %dma_start3A_196 = arith.constant 0 : i32
      %dma_start3A_197 = tpu.memref_slice %arg22[%dma_start3A_195, %dma_start3A_196] : memref<10000x64xf32, #tpu.memory_space<vmem_shared>> -> memref<10000x64xf32, #tpu.memory_space<vmem_shared>>
      tpu.enqueue_indirect_dma source(%dma_start3A_197 : memref<10000x64xf32, #tpu.memory_space<vmem_shared>>) target(%arg9 : memref<48x64xf32, #tpu.memory_space<vmem>>) offsets(%dma_start3A_194 : memref<48xi32, #tpu.memory_space<vmem>>) semaphore(%arg14 : memref<!tpu.dma_semaphore, #tpu.memory_space<semaphore_mem>>)
      %dma_wait3A_198 = arith.constant 3 : i32
      %dma_wait3A_199 = arith.constant 0 : i32
      %dma_wait3A_200 = tpu.memref_slice %arg6[%rem3A_114, %dma_wait3A_198, %dma_wait3A_199] : memref<2x8x48xi32, #tpu.memory_space<vmem>> -> memref<1x1x48xi32, #tpu.memory_space<vmem>>
      %dma_wait3A_201 = tpu.memref_squeeze %dma_wait3A_200 : memref<1x1x48xi32, #tpu.memory_space<vmem>> -> memref<48xi32, #tpu.memory_space<vmem>>
      %dma_wait3A_202 = arith.constant 0 : i32
      %dma_wait3A_203 = arith.constant 0 : i32
      %dma_wait3A_204 = tpu.memref_slice %arg22[%dma_wait3A_202, %dma_wait3A_203] : memref<10000x64xf32, #tpu.memory_space<vmem_shared>> -> memref<10000x64xf32, #tpu.memory_space<vmem_shared>>
      tpu.wait_indirect_dma semaphore(%arg16 : memref<!tpu.dma_semaphore, #tpu.memory_space<semaphore_mem>>) src(%dma_wait3A_204 : memref<10000x64xf32, #tpu.memory_space<vmem_shared>>) dst(%arg11 : memref<48x64xf32, #tpu.memory_space<vmem>>)
      %dma_start3A_205 = arith.constant 3 : i32
      %dma_start3A_206 = arith.constant 0 : i32
      %dma_start3A_207 = tpu.memref_slice %arg7[%rem3A_114, %dma_start3A_205, %dma_start3A_206] : memref<2x8x48xi32, #tpu.memory_space<vmem>> -> memref<1x1x48xi32, #tpu.memory_space<vmem>>
      %dma_start3A_208 = tpu.memref_squeeze %dma_start3A_207 : memref<1x1x48xi32, #tpu.memory_space<vmem>> -> memref<48xi32, #tpu.memory_space<vmem>>
      %dma_start3A_209 = arith.constant 0 : i32
      %dma_start3A_210 = arith.constant 0 : i32
      %dma_start3A_211 = tpu.memref_slice %arg12[%dma_start3A_209, %dma_start3A_210] : memref<10240x64xf32, #tpu.memory_space<vmem_shared>> -> memref<10240x64xf32, #tpu.memory_space<vmem_shared>>
      tpu.enqueue_indirect_dma source(%arg11 : memref<48x64xf32, #tpu.memory_space<vmem>>) target(%dma_start3A_211 : memref<10240x64xf32, #tpu.memory_space<vmem_shared>>) offsets(%dma_start3A_208 : memref<48xi32, #tpu.memory_space<vmem>>) semaphore(%arg20 : memref<!tpu.dma_semaphore, #tpu.memory_space<semaphore_mem>>) {add = true}
      %dma_wait3A_212 = arith.constant 2 : i32
      %dma_wait3A_213 = arith.constant 0 : i32
      %dma_wait3A_214 = tpu.memref_slice %arg7[%rem3A_114, %dma_wait3A_212, %dma_wait3A_213] : memref<2x8x48xi32, #tpu.memory_space<vmem>> -> memref<1x1x48xi32, #tpu.memory_space<vmem>>
      %dma_wait3A_215 = tpu.memref_squeeze %dma_wait3A_214 : memref<1x1x48xi32, #tpu.memory_space<vmem>> -> memref<48xi32, #tpu.memory_space<vmem>>
      %dma_wait3A_216 = arith.constant 0 : i32
      %dma_wait3A_217 = arith.constant 0 : i32
      %dma_wait3A_218 = tpu.memref_slice %arg12[%dma_wait3A_216, %dma_wait3A_217] : memref<10240x64xf32, #tpu.memory_space<vmem_shared>> -> memref<10240x64xf32, #tpu.memory_space<vmem_shared>>
      tpu.wait_indirect_dma semaphore(%arg19 : memref<!tpu.dma_semaphore, #tpu.memory_space<semaphore_mem>>) src(%arg10 : memref<48x64xf32, #tpu.memory_space<vmem>>) dst(%dma_wait3A_218 : memref<10240x64xf32, #tpu.memory_space<vmem_shared>>)
      %dma_start3A_219 = arith.constant 6 : i32
      %dma_start3A_220 = arith.constant 0 : i32
      %dma_start3A_221 = tpu.memref_slice %arg6[%rem3A_114, %dma_start3A_219, %dma_start3A_220] : memref<2x8x48xi32, #tpu.memory_space<vmem>> -> memref<1x1x48xi32, #tpu.memory_space<vmem>>
      %dma_start3A_222 = tpu.memref_squeeze %dma_start3A_221 : memref<1x1x48xi32, #tpu.memory_space<vmem>> -> memref<48xi32, #tpu.memory_space<vmem>>
      %dma_start3A_223 = arith.constant 0 : i32
      %dma_start3A_224 = arith.constant 0 : i32
      %dma_start3A_225 = tpu.memref_slice %arg22[%dma_start3A_223, %dma_start3A_224] : memref<10000x64xf32, #tpu.memory_space<vmem_shared>> -> memref<10000x64xf32, #tpu.memory_space<vmem_shared>>
      tpu.enqueue_indirect_dma source(%dma_start3A_225 : memref<10000x64xf32, #tpu.memory_space<vmem_shared>>) target(%arg10 : memref<48x64xf32, #tpu.memory_space<vmem>>) offsets(%dma_start3A_222 : memref<48xi32, #tpu.memory_space<vmem>>) semaphore(%arg15 : memref<!tpu.dma_semaphore, #tpu.memory_space<semaphore_mem>>)
      %dma_wait3A_226 = arith.constant 4 : i32
      %dma_wait3A_227 = arith.constant 0 : i32
      %dma_wait3A_228 = tpu.memref_slice %arg6[%rem3A_114, %dma_wait3A_226, %dma_wait3A_227] : memref<2x8x48xi32, #tpu.memory_space<vmem>> -> memref<1x1x48xi32, #tpu.memory_space<vmem>>
      %dma_wait3A_229 = tpu.memref_squeeze %dma_wait3A_228 : memref<1x1x48xi32, #tpu.memory_space<vmem>> -> memref<48xi32, #tpu.memory_space<vmem>>
      %dma_wait3A_230 = arith.constant 0 : i32
      %dma_wait3A_231 = arith.constant 0 : i32
      %dma_wait3A_232 = tpu.memref_slice %arg22[%dma_wait3A_230, %dma_wait3A_231] : memref<10000x64xf32, #tpu.memory_space<vmem_shared>> -> memref<10000x64xf32, #tpu.memory_space<vmem_shared>>
      tpu.wait_indirect_dma semaphore(%arg13 : memref<!tpu.dma_semaphore, #tpu.memory_space<semaphore_mem>>) src(%dma_wait3A_232 : memref<10000x64xf32, #tpu.memory_space<vmem_shared>>) dst(%arg8 : memref<48x64xf32, #tpu.memory_space<vmem>>)
      %dma_start3A_233 = arith.constant 4 : i32
      %dma_start3A_234 = arith.constant 0 : i32
      %dma_start3A_235 = tpu.memref_slice %arg7[%rem3A_114, %dma_start3A_233, %dma_start3A_234] : memref<2x8x48xi32, #tpu.memory_space<vmem>> -> memref<1x1x48xi32, #tpu.memory_space<vmem>>
      %dma_start3A_236 = tpu.memref_squeeze %dma_start3A_235 : memref<1x1x48xi32, #tpu.memory_space<vmem>> -> memref<48xi32, #tpu.memory_space<vmem>>
      %dma_start3A_237 = arith.constant 0 : i32
      %dma_start3A_238 = arith.constant 0 : i32
      %dma_start3A_239 = tpu.memref_slice %arg12[%dma_start3A_237, %dma_start3A_238] : memref<10240x64xf32, #tpu.memory_space<vmem_shared>> -> memref<10240x64xf32, #tpu.memory_space<vmem_shared>>
      tpu.enqueue_indirect_dma source(%arg8 : memref<48x64xf32, #tpu.memory_space<vmem>>) target(%dma_start3A_239 : memref<10240x64xf32, #tpu.memory_space<vmem_shared>>) offsets(%dma_start3A_236 : memref<48xi32, #tpu.memory_space<vmem>>) semaphore(%arg17 : memref<!tpu.dma_semaphore, #tpu.memory_space<semaphore_mem>>) {add = true}
      %dma_wait3A_240 = arith.constant 3 : i32
      %dma_wait3A_241 = arith.constant 0 : i32
      %dma_wait3A_242 = tpu.memref_slice %arg7[%rem3A_114, %dma_wait3A_240, %dma_wait3A_241] : memref<2x8x48xi32, #tpu.memory_space<vmem>> -> memref<1x1x48xi32, #tpu.memory_space<vmem>>
      %dma_wait3A_243 = tpu.memref_squeeze %dma_wait3A_242 : memref<1x1x48xi32, #tpu.memory_space<vmem>> -> memref<48xi32, #tpu.memory_space<vmem>>
      %dma_wait3A_244 = arith.constant 0 : i32
      %dma_wait3A_245 = arith.constant 0 : i32
      %dma_wait3A_246 = tpu.memref_slice %arg12[%dma_wait3A_244, %dma_wait3A_245] : memref<10240x64xf32, #tpu.memory_space<vmem_shared>> -> memref<10240x64xf32, #tpu.memory_space<vmem_shared>>
      tpu.wait_indirect_dma semaphore(%arg20 : memref<!tpu.dma_semaphore, #tpu.memory_space<semaphore_mem>>) src(%arg11 : memref<48x64xf32, #tpu.memory_space<vmem>>) dst(%dma_wait3A_246 : memref<10240x64xf32, #tpu.memory_space<vmem_shared>>)
      %dma_start3A_247 = arith.constant 7 : i32
      %dma_start3A_248 = arith.constant 0 : i32
      %dma_start3A_249 = tpu.memref_slice %arg6[%rem3A_114, %dma_start3A_247, %dma_start3A_248] : memref<2x8x48xi32, #tpu.memory_space<vmem>> -> memref<1x1x48xi32, #tpu.memory_space<vmem>>
      %dma_start3A_250 = tpu.memref_squeeze %dma_start3A_249 : memref<1x1x48xi32, #tpu.memory_space<vmem>> -> memref<48xi32, #tpu.memory_space<vmem>>
      %dma_start3A_251 = arith.constant 0 : i32
      %dma_start3A_252 = arith.constant 0 : i32
      %dma_start3A_253 = tpu.memref_slice %arg22[%dma_start3A_251, %dma_start3A_252] : memref<10000x64xf32, #tpu.memory_space<vmem_shared>> -> memref<10000x64xf32, #tpu.memory_space<vmem_shared>>
      tpu.enqueue_indirect_dma source(%dma_start3A_253 : memref<10000x64xf32, #tpu.memory_space<vmem_shared>>) target(%arg11 : memref<48x64xf32, #tpu.memory_space<vmem>>) offsets(%dma_start3A_250 : memref<48xi32, #tpu.memory_space<vmem>>) semaphore(%arg16 : memref<!tpu.dma_semaphore, #tpu.memory_space<semaphore_mem>>)
      %dma_wait3A_254 = arith.constant 5 : i32
      %dma_wait3A_255 = arith.constant 0 : i32
      %dma_wait3A_256 = tpu.memref_slice %arg6[%rem3A_114, %dma_wait3A_254, %dma_wait3A_255] : memref<2x8x48xi32, #tpu.memory_space<vmem>> -> memref<1x1x48xi32, #tpu.memory_space<vmem>>
      %dma_wait3A_257 = tpu.memref_squeeze %dma_wait3A_256 : memref<1x1x48xi32, #tpu.memory_space<vmem>> -> memref<48xi32, #tpu.memory_space<vmem>>
      %dma_wait3A_258 = arith.constant 0 : i32
      %dma_wait3A_259 = arith.constant 0 : i32
      %dma_wait3A_260 = tpu.memref_slice %arg22[%dma_wait3A_258, %dma_wait3A_259] : memref<10000x64xf32, #tpu.memory_space<vmem_shared>> -> memref<10000x64xf32, #tpu.memory_space<vmem_shared>>
      tpu.wait_indirect_dma semaphore(%arg14 : memref<!tpu.dma_semaphore, #tpu.memory_space<semaphore_mem>>) src(%dma_wait3A_260 : memref<10000x64xf32, #tpu.memory_space<vmem_shared>>) dst(%arg9 : memref<48x64xf32, #tpu.memory_space<vmem>>)
      %dma_start3A_261 = arith.constant 5 : i32
      %dma_start3A_262 = arith.constant 0 : i32
      %dma_start3A_263 = tpu.memref_slice %arg7[%rem3A_114, %dma_start3A_261, %dma_start3A_262] : memref<2x8x48xi32, #tpu.memory_space<vmem>> -> memref<1x1x48xi32, #tpu.memory_space<vmem>>
      %dma_start3A_264 = tpu.memref_squeeze %dma_start3A_263 : memref<1x1x48xi32, #tpu.memory_space<vmem>> -> memref<48xi32, #tpu.memory_space<vmem>>
      %dma_start3A_265 = arith.constant 0 : i32
      %dma_start3A_266 = arith.constant 0 : i32
      %dma_start3A_267 = tpu.memref_slice %arg12[%dma_start3A_265, %dma_start3A_266] : memref<10240x64xf32, #tpu.memory_space<vmem_shared>> -> memref<10240x64xf32, #tpu.memory_space<vmem_shared>>
      tpu.enqueue_indirect_dma source(%arg9 : memref<48x64xf32, #tpu.memory_space<vmem>>) target(%dma_start3A_267 : memref<10240x64xf32, #tpu.memory_space<vmem_shared>>) offsets(%dma_start3A_264 : memref<48xi32, #tpu.memory_space<vmem>>) semaphore(%arg18 : memref<!tpu.dma_semaphore, #tpu.memory_space<semaphore_mem>>) {add = true}
      %dma_wait3A_268 = arith.constant 4 : i32
      %dma_wait3A_269 = arith.constant 0 : i32
      %dma_wait3A_270 = tpu.memref_slice %arg7[%rem3A_114, %dma_wait3A_268, %dma_wait3A_269] : memref<2x8x48xi32, #tpu.memory_space<vmem>> -> memref<1x1x48xi32, #tpu.memory_space<vmem>>
      %dma_wait3A_271 = tpu.memref_squeeze %dma_wait3A_270 : memref<1x1x48xi32, #tpu.memory_space<vmem>> -> memref<48xi32, #tpu.memory_space<vmem>>
      %dma_wait3A_272 = arith.constant 0 : i32
      %dma_wait3A_273 = arith.constant 0 : i32
      %dma_wait3A_274 = tpu.memref_slice %arg12[%dma_wait3A_272, %dma_wait3A_273] : memref<10240x64xf32, #tpu.memory_space<vmem_shared>> -> memref<10240x64xf32, #tpu.memory_space<vmem_shared>>
      tpu.wait_indirect_dma semaphore(%arg17 : memref<!tpu.dma_semaphore, #tpu.memory_space<semaphore_mem>>) src(%arg8 : memref<48x64xf32, #tpu.memory_space<vmem>>) dst(%dma_wait3A_274 : memref<10240x64xf32, #tpu.memory_space<vmem_shared>>)
      %lt3A_275 = arith.constant 26 : i32
      %lt3A_276 = arith.cmpi slt, %scan3A_112, %lt3A_275 : i32
      %convert_element_type3A_277 = arith.extui %lt3A_276 : i1 to i32
      %cond3A_278 = arith.constant 0 : i32
      %cond3A_279 = arith.cmpi ne, %convert_element_type3A_277, %cond3A_278 : i32
      scf.if %cond3A_279 {
        %add3A_333 = arith.constant 1 : i32
        %add3A_334 = arith.addi %scan3A_112, %add3A_333 : i32
        %sub3A = arith.constant 1 : i32
        %sub3A_335 = arith.subi %sub3A, %rem3A_114 : i32
        %dma_wait3A_336 = arith.constant 0 : i32
        %dma_wait3A_337 = arith.constant 0 : i32
        %dma_wait3A_338 = tpu.memref_slice %arg6[%sub3A_335, %dma_wait3A_336, %dma_wait3A_337] : memref<2x8x48xi32, #tpu.memory_space<vmem>> -> memref<1x8x48xi32, #tpu.memory_space<vmem>>
        %dma_wait3A_339 = tpu.memref_squeeze %dma_wait3A_338 : memref<1x8x48xi32, #tpu.memory_space<vmem>> -> memref<8x48xi32, #tpu.memory_space<vmem>>
        %dma_wait3A_340 = arith.constant 0 : i32
        %dma_wait3A_341 = arith.constant 0 : i32
        %dma_wait3A_342 = tpu.memref_slice %arg3[%add3A, %add3A_334, %dma_wait3A_340, %dma_wait3A_341] : memref<32x27x8x48xi32, #tpu.memory_space<hbm>> -> memref<1x1x8x48xi32, #tpu.memory_space<hbm>>
        %dma_wait3A_343 = tpu.memref_squeeze %dma_wait3A_342 : memref<1x1x8x48xi32, #tpu.memory_space<hbm>> -> memref<8x48xi32, #tpu.memory_space<hbm>>
        %dma_wait3A_344 = arith.constant 0 : i32
        %dma_wait3A_345 = arith.constant 0 : i32
        %dma_wait3A_346 = tpu.memref_slice %arg6[%sub3A_335, %dma_wait3A_344, %dma_wait3A_345] : memref<2x8x48xi32, #tpu.memory_space<vmem>> -> memref<1x8x48xi32, #tpu.memory_space<vmem>>
        %dma_wait3A_347 = tpu.memref_squeeze %dma_wait3A_346 : memref<1x8x48xi32, #tpu.memory_space<vmem>> -> memref<8x48xi32, #tpu.memory_space<vmem>>
        %dma_wait3A_348 = arith.constant 0 : i32
        %dma_wait3A_349 = arith.constant 0 : i32
        %dma_wait3A_350 = tpu.memref_slice %arg3[%add3A, %add3A_334, %dma_wait3A_348, %dma_wait3A_349] : memref<32x27x8x48xi32, #tpu.memory_space<hbm>> -> memref<1x1x8x48xi32, #tpu.memory_space<hbm>>
        %dma_wait3A_351 = tpu.memref_squeeze %dma_wait3A_350 : memref<1x1x8x48xi32, #tpu.memory_space<hbm>> -> memref<8x48xi32, #tpu.memory_space<hbm>>
        tpu.wait_dma2 semaphore(%arg21 : memref<!tpu.dma_semaphore, #tpu.memory_space<semaphore_mem>>) src(%dma_wait3A_351 : memref<8x48xi32, #tpu.memory_space<hbm>>) dst(%dma_wait3A_347 : memref<8x48xi32, #tpu.memory_space<vmem>>)
        %add3A_352 = arith.constant 1 : i32
        %add3A_353 = arith.addi %scan3A_112, %add3A_352 : i32
        %sub3A_354 = arith.constant 1 : i32
        %sub3A_355 = arith.subi %sub3A_354, %rem3A_114 : i32
        %dma_wait3A_356 = arith.constant 0 : i32
        %dma_wait3A_357 = arith.constant 0 : i32
        %dma_wait3A_358 = tpu.memref_slice %arg7[%sub3A_355, %dma_wait3A_356, %dma_wait3A_357] : memref<2x8x48xi32, #tpu.memory_space<vmem>> -> memref<1x8x48xi32, #tpu.memory_space<vmem>>
        %dma_wait3A_359 = tpu.memref_squeeze %dma_wait3A_358 : memref<1x8x48xi32, #tpu.memory_space<vmem>> -> memref<8x48xi32, #tpu.memory_space<vmem>>
        %dma_wait3A_360 = arith.constant 0 : i32
        %dma_wait3A_361 = arith.constant 0 : i32
        %dma_wait3A_362 = tpu.memref_slice %arg4[%add3A, %add3A_353, %dma_wait3A_360, %dma_wait3A_361] : memref<32x27x8x48xi32, #tpu.memory_space<hbm>> -> memref<1x1x8x48xi32, #tpu.memory_space<hbm>>
        %dma_wait3A_363 = tpu.memref_squeeze %dma_wait3A_362 : memref<1x1x8x48xi32, #tpu.memory_space<hbm>> -> memref<8x48xi32, #tpu.memory_space<hbm>>
        %dma_wait3A_364 = arith.constant 0 : i32
        %dma_wait3A_365 = arith.constant 0 : i32
        %dma_wait3A_366 = tpu.memref_slice %arg7[%sub3A_355, %dma_wait3A_364, %dma_wait3A_365] : memref<2x8x48xi32, #tpu.memory_space<vmem>> -> memref<1x8x48xi32, #tpu.memory_space<vmem>>
        %dma_wait3A_367 = tpu.memref_squeeze %dma_wait3A_366 : memref<1x8x48xi32, #tpu.memory_space<vmem>> -> memref<8x48xi32, #tpu.memory_space<vmem>>
        %dma_wait3A_368 = arith.constant 0 : i32
        %dma_wait3A_369 = arith.constant 0 : i32
        %dma_wait3A_370 = tpu.memref_slice %arg4[%add3A, %add3A_353, %dma_wait3A_368, %dma_wait3A_369] : memref<32x27x8x48xi32, #tpu.memory_space<hbm>> -> memref<1x1x8x48xi32, #tpu.memory_space<hbm>>
        %dma_wait3A_371 = tpu.memref_squeeze %dma_wait3A_370 : memref<1x1x8x48xi32, #tpu.memory_space<hbm>> -> memref<8x48xi32, #tpu.memory_space<hbm>>
        tpu.wait_dma2 semaphore(%arg21 : memref<!tpu.dma_semaphore, #tpu.memory_space<semaphore_mem>>) src(%dma_wait3A_371 : memref<8x48xi32, #tpu.memory_space<hbm>>) dst(%dma_wait3A_367 : memref<8x48xi32, #tpu.memory_space<vmem>>)
        %sub3A_372 = arith.constant 1 : i32
        %sub3A_373 = arith.subi %sub3A_372, %rem3A_114 : i32
        %dma_start3A_374 = arith.constant 0 : i32
        %dma_start3A_375 = arith.constant 0 : i32
        %dma_start3A_376 = tpu.memref_slice %arg6[%sub3A_373, %dma_start3A_374, %dma_start3A_375] : memref<2x8x48xi32, #tpu.memory_space<vmem>> -> memref<1x1x48xi32, #tpu.memory_space<vmem>>
        %dma_start3A_377 = tpu.memref_squeeze %dma_start3A_376 : memref<1x1x48xi32, #tpu.memory_space<vmem>> -> memref<48xi32, #tpu.memory_space<vmem>>
        %dma_start3A_378 = arith.constant 0 : i32
        %dma_start3A_379 = arith.constant 0 : i32
        %dma_start3A_380 = tpu.memref_slice %arg22[%dma_start3A_378, %dma_start3A_379] : memref<10000x64xf32, #tpu.memory_space<vmem_shared>> -> memref<10000x64xf32, #tpu.memory_space<vmem_shared>>
        tpu.enqueue_indirect_dma source(%dma_start3A_380 : memref<10000x64xf32, #tpu.memory_space<vmem_shared>>) target(%arg8 : memref<48x64xf32, #tpu.memory_space<vmem>>) offsets(%dma_start3A_377 : memref<48xi32, #tpu.memory_space<vmem>>) semaphore(%arg13 : memref<!tpu.dma_semaphore, #tpu.memory_space<semaphore_mem>>)
      } else {
      }
      %dma_wait3A_280 = arith.constant 6 : i32
      %dma_wait3A_281 = arith.constant 0 : i32
      %dma_wait3A_282 = tpu.memref_slice %arg6[%rem3A_114, %dma_wait3A_280, %dma_wait3A_281] : memref<2x8x48xi32, #tpu.memory_space<vmem>> -> memref<1x1x48xi32, #tpu.memory_space<vmem>>
      %dma_wait3A_283 = tpu.memref_squeeze %dma_wait3A_282 : memref<1x1x48xi32, #tpu.memory_space<vmem>> -> memref<48xi32, #tpu.memory_space<vmem>>
      %dma_wait3A_284 = arith.constant 0 : i32
      %dma_wait3A_285 = arith.constant 0 : i32
      %dma_wait3A_286 = tpu.memref_slice %arg22[%dma_wait3A_284, %dma_wait3A_285] : memref<10000x64xf32, #tpu.memory_space<vmem_shared>> -> memref<10000x64xf32, #tpu.memory_space<vmem_shared>>
      tpu.wait_indirect_dma semaphore(%arg15 : memref<!tpu.dma_semaphore, #tpu.memory_space<semaphore_mem>>) src(%dma_wait3A_286 : memref<10000x64xf32, #tpu.memory_space<vmem_shared>>) dst(%arg10 : memref<48x64xf32, #tpu.memory_space<vmem>>)
      %dma_start3A_287 = arith.constant 6 : i32
      %dma_start3A_288 = arith.constant 0 : i32
      %dma_start3A_289 = tpu.memref_slice %arg7[%rem3A_114, %dma_start3A_287, %dma_start3A_288] : memref<2x8x48xi32, #tpu.memory_space<vmem>> -> memref<1x1x48xi32, #tpu.memory_space<vmem>>
      %dma_start3A_290 = tpu.memref_squeeze %dma_start3A_289 : memref<1x1x48xi32, #tpu.memory_space<vmem>> -> memref<48xi32, #tpu.memory_space<vmem>>
      %dma_start3A_291 = arith.constant 0 : i32
      %dma_start3A_292 = arith.constant 0 : i32
      %dma_start3A_293 = tpu.memref_slice %arg12[%dma_start3A_291, %dma_start3A_292] : memref<10240x64xf32, #tpu.memory_space<vmem_shared>> -> memref<10240x64xf32, #tpu.memory_space<vmem_shared>>
      tpu.enqueue_indirect_dma source(%arg10 : memref<48x64xf32, #tpu.memory_space<vmem>>) target(%dma_start3A_293 : memref<10240x64xf32, #tpu.memory_space<vmem_shared>>) offsets(%dma_start3A_290 : memref<48xi32, #tpu.memory_space<vmem>>) semaphore(%arg19 : memref<!tpu.dma_semaphore, #tpu.memory_space<semaphore_mem>>) {add = true}
      %dma_wait3A_294 = arith.constant 5 : i32
      %dma_wait3A_295 = arith.constant 0 : i32
      %dma_wait3A_296 = tpu.memref_slice %arg7[%rem3A_114, %dma_wait3A_294, %dma_wait3A_295] : memref<2x8x48xi32, #tpu.memory_space<vmem>> -> memref<1x1x48xi32, #tpu.memory_space<vmem>>
      %dma_wait3A_297 = tpu.memref_squeeze %dma_wait3A_296 : memref<1x1x48xi32, #tpu.memory_space<vmem>> -> memref<48xi32, #tpu.memory_space<vmem>>
      %dma_wait3A_298 = arith.constant 0 : i32
      %dma_wait3A_299 = arith.constant 0 : i32
      %dma_wait3A_300 = tpu.memref_slice %arg12[%dma_wait3A_298, %dma_wait3A_299] : memref<10240x64xf32, #tpu.memory_space<vmem_shared>> -> memref<10240x64xf32, #tpu.memory_space<vmem_shared>>
      tpu.wait_indirect_dma semaphore(%arg18 : memref<!tpu.dma_semaphore, #tpu.memory_space<semaphore_mem>>) src(%arg9 : memref<48x64xf32, #tpu.memory_space<vmem>>) dst(%dma_wait3A_300 : memref<10240x64xf32, #tpu.memory_space<vmem_shared>>)
      %lt3A_301 = arith.constant 26 : i32
      %lt3A_302 = arith.cmpi slt, %scan3A_112, %lt3A_301 : i32
      %convert_element_type3A_303 = arith.extui %lt3A_302 : i1 to i32
      %cond3A_304 = arith.constant 0 : i32
      %cond3A_305 = arith.cmpi ne, %convert_element_type3A_303, %cond3A_304 : i32
      scf.if %cond3A_305 {
        %sub3A = arith.constant 1 : i32
        %sub3A_333 = arith.subi %sub3A, %rem3A_114 : i32
        %dma_start3A_334 = arith.constant 1 : i32
        %dma_start3A_335 = arith.constant 0 : i32
        %dma_start3A_336 = tpu.memref_slice %arg6[%sub3A_333, %dma_start3A_334, %dma_start3A_335] : memref<2x8x48xi32, #tpu.memory_space<vmem>> -> memref<1x1x48xi32, #tpu.memory_space<vmem>>
        %dma_start3A_337 = tpu.memref_squeeze %dma_start3A_336 : memref<1x1x48xi32, #tpu.memory_space<vmem>> -> memref<48xi32, #tpu.memory_space<vmem>>
        %dma_start3A_338 = arith.constant 0 : i32
        %dma_start3A_339 = arith.constant 0 : i32
        %dma_start3A_340 = tpu.memref_slice %arg22[%dma_start3A_338, %dma_start3A_339] : memref<10000x64xf32, #tpu.memory_space<vmem_shared>> -> memref<10000x64xf32, #tpu.memory_space<vmem_shared>>
        tpu.enqueue_indirect_dma source(%dma_start3A_340 : memref<10000x64xf32, #tpu.memory_space<vmem_shared>>) target(%arg9 : memref<48x64xf32, #tpu.memory_space<vmem>>) offsets(%dma_start3A_337 : memref<48xi32, #tpu.memory_space<vmem>>) semaphore(%arg14 : memref<!tpu.dma_semaphore, #tpu.memory_space<semaphore_mem>>)
      } else {
      }
      %dma_wait3A_306 = arith.constant 7 : i32
      %dma_wait3A_307 = arith.constant 0 : i32
      %dma_wait3A_308 = tpu.memref_slice %arg6[%rem3A_114, %dma_wait3A_306, %dma_wait3A_307] : memref<2x8x48xi32, #tpu.memory_space<vmem>> -> memref<1x1x48xi32, #tpu.memory_space<vmem>>
      %dma_wait3A_309 = tpu.memref_squeeze %dma_wait3A_308 : memref<1x1x48xi32, #tpu.memory_space<vmem>> -> memref<48xi32, #tpu.memory_space<vmem>>
      %dma_wait3A_310 = arith.constant 0 : i32
      %dma_wait3A_311 = arith.constant 0 : i32
      %dma_wait3A_312 = tpu.memref_slice %arg22[%dma_wait3A_310, %dma_wait3A_311] : memref<10000x64xf32, #tpu.memory_space<vmem_shared>> -> memref<10000x64xf32, #tpu.memory_space<vmem_shared>>
      tpu.wait_indirect_dma semaphore(%arg16 : memref<!tpu.dma_semaphore, #tpu.memory_space<semaphore_mem>>) src(%dma_wait3A_312 : memref<10000x64xf32, #tpu.memory_space<vmem_shared>>) dst(%arg11 : memref<48x64xf32, #tpu.memory_space<vmem>>)
      %dma_start3A_313 = arith.constant 7 : i32
      %dma_start3A_314 = arith.constant 0 : i32
      %dma_start3A_315 = tpu.memref_slice %arg7[%rem3A_114, %dma_start3A_313, %dma_start3A_314] : memref<2x8x48xi32, #tpu.memory_space<vmem>> -> memref<1x1x48xi32, #tpu.memory_space<vmem>>
      %dma_start3A_316 = tpu.memref_squeeze %dma_start3A_315 : memref<1x1x48xi32, #tpu.memory_space<vmem>> -> memref<48xi32, #tpu.memory_space<vmem>>
      %dma_start3A_317 = arith.constant 0 : i32
      %dma_start3A_318 = arith.constant 0 : i32
      %dma_start3A_319 = tpu.memref_slice %arg12[%dma_start3A_317, %dma_start3A_318] : memref<10240x64xf32, #tpu.memory_space<vmem_shared>> -> memref<10240x64xf32, #tpu.memory_space<vmem_shared>>
      tpu.enqueue_indirect_dma source(%arg11 : memref<48x64xf32, #tpu.memory_space<vmem>>) target(%dma_start3A_319 : memref<10240x64xf32, #tpu.memory_space<vmem_shared>>) offsets(%dma_start3A_316 : memref<48xi32, #tpu.memory_space<vmem>>) semaphore(%arg20 : memref<!tpu.dma_semaphore, #tpu.memory_space<semaphore_mem>>) {add = true}
      %dma_wait3A_320 = arith.constant 6 : i32
      %dma_wait3A_321 = arith.constant 0 : i32
      %dma_wait3A_322 = tpu.memref_slice %arg7[%rem3A_114, %dma_wait3A_320, %dma_wait3A_321] : memref<2x8x48xi32, #tpu.memory_space<vmem>> -> memref<1x1x48xi32, #tpu.memory_space<vmem>>
      %dma_wait3A_323 = tpu.memref_squeeze %dma_wait3A_322 : memref<1x1x48xi32, #tpu.memory_space<vmem>> -> memref<48xi32, #tpu.memory_space<vmem>>
      %dma_wait3A_324 = arith.constant 0 : i32
      %dma_wait3A_325 = arith.constant 0 : i32
      %dma_wait3A_326 = tpu.memref_slice %arg12[%dma_wait3A_324, %dma_wait3A_325] : memref<10240x64xf32, #tpu.memory_space<vmem_shared>> -> memref<10240x64xf32, #tpu.memory_space<vmem_shared>>
      tpu.wait_indirect_dma semaphore(%arg19 : memref<!tpu.dma_semaphore, #tpu.memory_space<semaphore_mem>>) src(%arg10 : memref<48x64xf32, #tpu.memory_space<vmem>>) dst(%dma_wait3A_326 : memref<10240x64xf32, #tpu.memory_space<vmem_shared>>)
      %lt3A_327 = arith.constant 26 : i32
      %lt3A_328 = arith.cmpi slt, %scan3A_112, %lt3A_327 : i32
      %convert_element_type3A_329 = arith.extui %lt3A_328 : i1 to i32
      %cond3A_330 = arith.constant 0 : i32
      %cond3A_331 = arith.cmpi ne, %convert_element_type3A_329, %cond3A_330 : i32
      scf.if %cond3A_331 {
        %sub3A = arith.constant 1 : i32
        %sub3A_333 = arith.subi %sub3A, %rem3A_114 : i32
        %dma_start3A_334 = arith.constant 2 : i32
        %dma_start3A_335 = arith.constant 0 : i32
        %dma_start3A_336 = tpu.memref_slice %arg6[%sub3A_333, %dma_start3A_334, %dma_start3A_335] : memref<2x8x48xi32, #tpu.memory_space<vmem>> -> memref<1x1x48xi32, #tpu.memory_space<vmem>>
        %dma_start3A_337 = tpu.memref_squeeze %dma_start3A_336 : memref<1x1x48xi32, #tpu.memory_space<vmem>> -> memref<48xi32, #tpu.memory_space<vmem>>
        %dma_start3A_338 = arith.constant 0 : i32
        %dma_start3A_339 = arith.constant 0 : i32
        %dma_start3A_340 = tpu.memref_slice %arg22[%dma_start3A_338, %dma_start3A_339] : memref<10000x64xf32, #tpu.memory_space<vmem_shared>> -> memref<10000x64xf32, #tpu.memory_space<vmem_shared>>
        tpu.enqueue_indirect_dma source(%dma_start3A_340 : memref<10000x64xf32, #tpu.memory_space<vmem_shared>>) target(%arg10 : memref<48x64xf32, #tpu.memory_space<vmem>>) offsets(%dma_start3A_337 : memref<48xi32, #tpu.memory_space<vmem>>) semaphore(%arg15 : memref<!tpu.dma_semaphore, #tpu.memory_space<semaphore_mem>>)
      } else {
      }
      %scan3A_332 = arith.constant 0 : i32
      scf.yield %scan3A_332 : i32
    }
    %scan3A_99 = arith.constant 27 : i32
    %dma_wait3A = arith.constant 0 : i32
    %dma_wait3A_100 = arith.constant 7 : i32
    %dma_wait3A_101 = arith.constant 0 : i32
    %dma_wait3A_102 = tpu.memref_slice %arg7[%dma_wait3A, %dma_wait3A_100, %dma_wait3A_101] : memref<2x8x48xi32, #tpu.memory_space<vmem>> -> memref<1x1x48xi32, #tpu.memory_space<vmem>>
    %dma_wait3A_103 = tpu.memref_squeeze %dma_wait3A_102 : memref<1x1x48xi32, #tpu.memory_space<vmem>> -> memref<48xi32, #tpu.memory_space<vmem>>
    %dma_wait3A_104 = arith.constant 0 : i32
    %dma_wait3A_105 = arith.constant 0 : i32
    %dma_wait3A_106 = tpu.memref_slice %arg12[%dma_wait3A_104, %dma_wait3A_105] : memref<10240x64xf32, #tpu.memory_space<vmem_shared>> -> memref<10240x64xf32, #tpu.memory_space<vmem_shared>>
    tpu.wait_indirect_dma semaphore(%arg20 : memref<!tpu.dma_semaphore, #tpu.memory_space<semaphore_mem>>) src(%arg11 : memref<48x64xf32, #tpu.memory_space<vmem>>) dst(%dma_wait3A_106 : memref<10240x64xf32, #tpu.memory_space<vmem_shared>>)
    %barrier3A_107 = arith.constant 0 : index
    tpu.barrier barrier_id(%barrier3A_107)
    %mul3A_108 = arith.constant 640 : i32
    %mul3A_109 = arith.muli %arg1, %mul3A_108 : i32
    %mul3A_110 = arith.constant 640 : i32
    %mul3A_111 = arith.muli %arg1, %mul3A_110 : i32
    "tpu.region"() ({
      %run_scoped3A_112 = tpu.sem_alloc : memref<!tpu.dma_semaphore, #tpu.memory_space<semaphore_mem>>
      %dma_start3A_113 = arith.constant 0 : i32
      %dma_start3A_114 = tpu.memref_slice %arg5[%arg0, %mul3A_111, %dma_start3A_113] : memref<2x10240x64xf32, #tpu.memory_space<hbm>> -> memref<1x640x64xf32, #tpu.memory_space<hbm>>
      %dma_start3A_115 = tpu.memref_squeeze %dma_start3A_114 : memref<1x640x64xf32, #tpu.memory_space<hbm>> -> memref<640x64xf32, #tpu.memory_space<hbm>>
      %dma_start3A_116 = arith.constant 0 : i32
      %dma_start3A_117 = tpu.memref_slice %arg12[%mul3A_109, %dma_start3A_116] : memref<10240x64xf32, #tpu.memory_space<vmem_shared>> -> memref<640x64xf32, #tpu.memory_space<vmem_shared>>
      tpu.enqueue_dma source(%dma_start3A_117 : memref<640x64xf32, #tpu.memory_space<vmem_shared>>) target(%dma_start3A_115 : memref<640x64xf32, #tpu.memory_space<hbm>>) target_semaphore(%run_scoped3A_112 : memref<!tpu.dma_semaphore, #tpu.memory_space<semaphore_mem>>)
      %dma_wait3A_118 = arith.constant 0 : i32
      %dma_wait3A_119 = tpu.memref_slice %arg5[%arg0, %mul3A_111, %dma_wait3A_118] : memref<2x10240x64xf32, #tpu.memory_space<hbm>> -> memref<1x640x64xf32, #tpu.memory_space<hbm>>
      %dma_wait3A_120 = tpu.memref_squeeze %dma_wait3A_119 : memref<1x640x64xf32, #tpu.memory_space<hbm>> -> memref<640x64xf32, #tpu.memory_space<hbm>>
      %dma_wait3A_121 = arith.constant 0 : i32
      %dma_wait3A_122 = tpu.memref_slice %arg12[%mul3A_109, %dma_wait3A_121] : memref<10240x64xf32, #tpu.memory_space<vmem_shared>> -> memref<640x64xf32, #tpu.memory_space<vmem_shared>>
      tpu.wait_dma2 semaphore(%run_scoped3A_112 : memref<!tpu.dma_semaphore, #tpu.memory_space<semaphore_mem>>) src(%dma_wait3A_122 : memref<640x64xf32, #tpu.memory_space<vmem_shared>>) dst(%dma_wait3A_120 : memref<640x64xf32, #tpu.memory_space<hbm>>)
      tpu.yield
    }) : () -> ()
    return
  }
}

module attributes {stable_mosaic.version = 14 : i64} {
  func.func @_tc1_body(%arg0: memref<10000x128xf32, #tpu.memory_space<vmem>>, %arg1: memref<128x128xf32, #tpu.memory_space<vmem>>, %arg2: memref<10240x2xf32, #tpu.memory_space<vmem>>, %arg3: memref<10000x128xf32, #tpu.memory_space<vmem>>, %arg4: memref<10000x1xf32, #tpu.memory_space<vmem>>) attributes {dimension_semantics = [], scalar_prefetch = 0 : i64, scratch_operands = 0 : i64, tpu.core_type = #tpu.core_type<tc>} {
    %get3A = arith.constant 0 : index
    %get3A_0 = arith.constant 0 : index
    %get3A_1 = vector.load %arg2[%get3A, %get3A_0] : memref<10240x2xf32, #tpu.memory_space<vmem>>, vector<10000x1xf32>
    %get3A_2 = arith.constant 0 : index
    %get3A_3 = arith.constant 1 : index
    %get3A_4 = vector.load %arg2[%get3A_2, %get3A_3] : memref<10240x2xf32, #tpu.memory_space<vmem>>, vector<10000x1xf32>
    %add3A = arith.addf %get3A_1, %get3A_4 : vector<10000x1xf32>
    %add3A_5 = arith.constant 1.000000e+00 : f32
    %add3A_6 = vector.broadcast %add3A_5 : f32 to vector<10000x1xf32>
    %add3A_7 = arith.addf %add3A, %add3A_6 : vector<10000x1xf32>
    %rsqrt3A = math.rsqrt %add3A_7 : vector<10000x1xf32>
    %get3A_8 = arith.constant 0 : index
    %get3A_9 = arith.constant 0 : index
    %get3A_10 = vector.load %arg0[%get3A_8, %get3A_9] : memref<10000x128xf32, #tpu.memory_space<vmem>>, vector<10000x128xf32>
    %get3A_11 = arith.constant 0 : index
    %get3A_12 = arith.constant 0 : index
    %get3A_13 = vector.load %arg1[%get3A_11, %get3A_12] : memref<128x128xf32, #tpu.memory_space<vmem>>, vector<128x128xf32>
    %dot_general3A = arith.constant dense<0.000000e+00> : vector<10000x128xf32>
    %dot_general3A_14 = tpu.matmul %get3A_10, %get3A_13, %dot_general3A {dimension_numbers = #tpu.dot_dimension_numbers<[1], [0], [0], [1], [0, 0, 1, 1], [], []>, transpose_lhs_hint = false} : vector<10000x128xf32>, vector<128x128xf32>, vector<10000x128xf32> -> vector<10000x128xf32>
    %mul3A = vector.broadcast %rsqrt3A : vector<10000x1xf32> to vector<10000x128xf32>
    %mul3A_15 = arith.mulf %mul3A, %dot_general3A_14 : vector<10000x128xf32>
    %swap3A = arith.constant 0 : index
    %swap3A_16 = arith.constant 0 : index
    %swap3A_17 = vector.load %arg3[%swap3A, %swap3A_16] : memref<10000x128xf32, #tpu.memory_space<vmem>>, vector<10000x128xf32>
    tpu.vector_store %arg3[%swap3A, %swap3A_16], %mul3A_15 {strides = array<i32>} : memref<10000x128xf32, #tpu.memory_space<vmem>>, vector<10000x128xf32>,
    %swap3A_18 = arith.constant 0 : index
    %swap3A_19 = arith.constant 0 : index
    %swap3A_20 = vector.load %arg4[%swap3A_18, %swap3A_19] : memref<10000x1xf32, #tpu.memory_space<vmem>>, vector<10000x1xf32>
    tpu.vector_store %arg4[%swap3A_18, %swap3A_19], %rsqrt3A {strides = array<i32>} : memref<10000x1xf32, #tpu.memory_space<vmem>>, vector<10000x1xf32>,
    return
  }
}

module attributes {stable_mosaic.version = 14 : i64} {
  func.func @_tc2_body(%arg0: memref<2x10240x128xf32, #tpu.memory_space<vmem>>, %arg1: memref<10000x128xf32, #tpu.memory_space<vmem>>, %arg2: memref<10000x1xf32, #tpu.memory_space<vmem>>, %arg3: memref<1x128xf32, #tpu.memory_space<vmem>>, %arg4: memref<128x64xf32, #tpu.memory_space<vmem>>, %arg5: memref<10000x64xf32, #tpu.memory_space<vmem>>) attributes {dimension_semantics = [], scalar_prefetch = 0 : i64, scratch_operands = 0 : i64, tpu.core_type = #tpu.core_type<tc>} {
    %get3A = arith.constant 0 : index
    %get3A_0 = arith.constant 0 : index
    %get3A_1 = vector.load %arg2[%get3A, %get3A_0] : memref<10000x1xf32, #tpu.memory_space<vmem>>, vector<10000x1xf32>
    %get3A_2 = arith.constant 0 : index
    %get3A_3 = arith.constant 0 : index
    %get3A_4 = arith.constant 0 : index
    %get3A_5 = vector.load %arg0[%get3A_2, %get3A_3, %get3A_4] : memref<2x10240x128xf32, #tpu.memory_space<vmem>>, vector<1x10000x128xf32>
    %get3A_6 = vector.shape_cast %get3A_5 : vector<1x10000x128xf32> to vector<10000x128xf32>
    %get3A_7 = arith.constant 1 : index
    %get3A_8 = arith.constant 0 : index
    %get3A_9 = arith.constant 0 : index
    %get3A_10 = vector.load %arg0[%get3A_7, %get3A_8, %get3A_9] : memref<2x10240x128xf32, #tpu.memory_space<vmem>>, vector<1x10000x128xf32>
    %get3A_11 = vector.shape_cast %get3A_10 : vector<1x10000x128xf32> to vector<10000x128xf32>
    %add3A = arith.addf %get3A_6, %get3A_11 : vector<10000x128xf32>
    %get3A_12 = arith.constant 0 : index
    %get3A_13 = arith.constant 0 : index
    %get3A_14 = vector.load %arg1[%get3A_12, %get3A_13] : memref<10000x128xf32, #tpu.memory_space<vmem>>, vector<10000x128xf32>
    %add3A_15 = arith.addf %add3A, %get3A_14 : vector<10000x128xf32>
    %mul3A = vector.broadcast %get3A_1 : vector<10000x1xf32> to vector<10000x128xf32>
    %mul3A_16 = arith.mulf %mul3A, %add3A_15 : vector<10000x128xf32>
    %get3A_17 = arith.constant 0 : index
    %get3A_18 = arith.constant 0 : index
    %get3A_19 = vector.load %arg3[%get3A_17, %get3A_18] : memref<1x128xf32, #tpu.memory_space<vmem>>, vector<1x128xf32>
    %add3A_20 = vector.broadcast %get3A_19 : vector<1x128xf32> to vector<10000x128xf32>
    %add3A_21 = arith.addf %mul3A_16, %add3A_20 : vector<10000x128xf32>
    %gt3A = arith.constant 0.000000e+00 : f32
    %gt3A_22 = vector.broadcast %gt3A : f32 to vector<10000x128xf32>
    %gt3A_23 = arith.cmpf ogt, %add3A_21, %gt3A_22 : vector<10000x128xf32>
    %exp3A = math.exp %add3A_21 : vector<10000x128xf32>
    %sub3A = arith.constant 1.000000e+00 : f32
    %sub3A_24 = vector.broadcast %sub3A : f32 to vector<10000x128xf32>
    %sub3A_25 = arith.subf %exp3A, %sub3A_24 : vector<10000x128xf32>
    %mul3A_26 = arith.constant 1.67326319 : f32
    %mul3A_27 = vector.broadcast %mul3A_26 : f32 to vector<10000x128xf32>
    %mul3A_28 = arith.mulf %mul3A_27, %sub3A_25 : vector<10000x128xf32>
    %select_n3A = arith.select %gt3A_23, %add3A_21, %mul3A_28 : vector<10000x128xi1>, vector<10000x128xf32>
    %mul3A_29 = arith.constant 1.05070102 : f32
    %mul3A_30 = vector.broadcast %mul3A_29 : f32 to vector<10000x128xf32>
    %mul3A_31 = arith.mulf %mul3A_30, %select_n3A : vector<10000x128xf32>
    %get3A_32 = arith.constant 0 : index
    %get3A_33 = arith.constant 0 : index
    %get3A_34 = vector.load %arg4[%get3A_32, %get3A_33] : memref<128x64xf32, #tpu.memory_space<vmem>>, vector<128x64xf32>
    %dot_general3A = arith.constant dense<0.000000e+00> : vector<10000x64xf32>
    %dot_general3A_35 = tpu.matmul %mul3A_31, %get3A_34, %dot_general3A {dimension_numbers = #tpu.dot_dimension_numbers<[1], [0], [0], [1], [0, 0, 1, 1], [], []>, transpose_lhs_hint = false} : vector<10000x128xf32>, vector<128x64xf32>, vector<10000x64xf32> -> vector<10000x64xf32>
    %mul3A_36 = vector.broadcast %get3A_1 : vector<10000x1xf32> to vector<10000x64xf32>
    %mul3A_37 = arith.mulf %mul3A_36, %dot_general3A_35 : vector<10000x64xf32>
    %swap3A = arith.constant 0 : index
    %swap3A_38 = arith.constant 0 : index
    %swap3A_39 = vector.load %arg5[%swap3A, %swap3A_38] : memref<10000x64xf32, #tpu.memory_space<vmem>>, vector<10000x64xf32>
    tpu.vector_store %arg5[%swap3A, %swap3A_38], %mul3A_37 {strides = array<i32>} : memref<10000x64xf32, #tpu.memory_space<vmem>>, vector<10000x64xf32>,
    return
  }
}

module attributes {stable_mosaic.version = 14 : i64} {
  func.func @_tc3_body(%arg0: memref<2x10240x64xf32, #tpu.memory_space<vmem>>, %arg1: memref<10000x64xf32, #tpu.memory_space<vmem>>, %arg2: memref<10000x1xf32, #tpu.memory_space<vmem>>, %arg3: memref<1x64xf32, #tpu.memory_space<vmem>>, %arg4: memref<10000x64xf32, #tpu.memory_space<vmem>>) attributes {dimension_semantics = [], scalar_prefetch = 0 : i64, scratch_operands = 0 : i64, tpu.core_type = #tpu.core_type<tc>} {
    %get3A = arith.constant 0 : index
    %get3A_0 = arith.constant 0 : index
    %get3A_1 = vector.load %arg2[%get3A, %get3A_0] : memref<10000x1xf32, #tpu.memory_space<vmem>>, vector<10000x1xf32>
    %get3A_2 = arith.constant 0 : index
    %get3A_3 = arith.constant 0 : index
    %get3A_4 = arith.constant 0 : index
    %get3A_5 = vector.load %arg0[%get3A_2, %get3A_3, %get3A_4] : memref<2x10240x64xf32, #tpu.memory_space<vmem>>, vector<1x10000x64xf32>
    %get3A_6 = vector.shape_cast %get3A_5 : vector<1x10000x64xf32> to vector<10000x64xf32>
    %get3A_7 = arith.constant 1 : index
    %get3A_8 = arith.constant 0 : index
    %get3A_9 = arith.constant 0 : index
    %get3A_10 = vector.load %arg0[%get3A_7, %get3A_8, %get3A_9] : memref<2x10240x64xf32, #tpu.memory_space<vmem>>, vector<1x10000x64xf32>
    %get3A_11 = vector.shape_cast %get3A_10 : vector<1x10000x64xf32> to vector<10000x64xf32>
    %add3A = arith.addf %get3A_6, %get3A_11 : vector<10000x64xf32>
    %get3A_12 = arith.constant 0 : index
    %get3A_13 = arith.constant 0 : index
    %get3A_14 = vector.load %arg1[%get3A_12, %get3A_13] : memref<10000x64xf32, #tpu.memory_space<vmem>>, vector<10000x64xf32>
    %add3A_15 = arith.addf %add3A, %get3A_14 : vector<10000x64xf32>
    %mul3A = vector.broadcast %get3A_1 : vector<10000x1xf32> to vector<10000x64xf32>
    %mul3A_16 = arith.mulf %mul3A, %add3A_15 : vector<10000x64xf32>
    %get3A_17 = arith.constant 0 : index
    %get3A_18 = arith.constant 0 : index
    %get3A_19 = vector.load %arg3[%get3A_17, %get3A_18] : memref<1x64xf32, #tpu.memory_space<vmem>>, vector<1x64xf32>
    %add3A_20 = vector.broadcast %get3A_19 : vector<1x64xf32> to vector<10000x64xf32>
    %add3A_21 = arith.addf %mul3A_16, %add3A_20 : vector<10000x64xf32>
    %swap3A = arith.constant 0 : index
    %swap3A_22 = arith.constant 0 : index
    %swap3A_23 = vector.load %arg4[%swap3A, %swap3A_22] : memref<10000x64xf32, #tpu.memory_space<vmem>>, vector<10000x64xf32>
    tpu.vector_store %arg4[%swap3A, %swap3A_22], %add3A_21 {strides = array<i32>} : memref<10000x64xf32, #tpu.memory_space<vmem>>, vector<10000x64xf32>,
    return
  }
}

</mosaic_0001>

<sc_bundles>
// kernel: kernel.11.cloned.1.call-start
scs
__scs_entry_jumppad:
0x0: {  	(pc) =	sbr.rel $0x88, $3  }
0x1: {  	(tag) =	ssettag $0x0;
	lr =	simm.s32 $0x1  }
0x2: {  	[smem:$0x3F9B] =	sst lr;
	_ =	strace $0xD0000000  }
0x3: {  	_ = 	snop  }
0x4: {  	_ = 	snop  }
0x5: {  	_ = 	snop  }
0x6: {  	_ = 	snop  }
0x7: {  	_ = 	snop  }
__scs_overlays_trampoline_lowered:
0x8: {  	[smem:$0x3FAA] =	sst s0  }
0x9: {  	[smem:$0x3FAB] =	sst s1  }
0xa: {  	[smem:$0x3FAC] =	sst s2  }
0xb: {  	[smem:$0x3FAD] =	sst s3  }
0xc: {  	[smem:$0x3FAE] =	sst s4  }
0xd: {  	[smem:$0x3FAF] =	sst s5  }
0xe: {  	[smem:$0x3FB0] =	sst s6  }
0xf: {  	[smem:$0x3FB1] =	sst s7  }
0x10: {  	[smem:$0x3FB2] =	sst s8  }
0x11: {  	[smem:$0x3FB3] =	sst s9;
	s0 =	simm.s32 @!p0 $0x0  }
0x12: {  	s1 =	sld [smem:$0x3F99];
	s0 =	simm.s32 @p0 $0x1  }
0x13: {  	[smem:$0x3FB4] =	sst s0;
	s0 =	simm.s32 @!p1 $0x0  }
0x14: {  	s2 =	sld [smem:$0x3F98];
	s0 =	simm.s32 @p1 $0x1  }
0x15: {  	[smem:$0x3FB5] =	sst s0;
	s0 =	simm.s32 @!p2 $0x0  }
0x16: {  	s3 =	sld [smem:$0x3FDB];
	s0 =	simm.s32 @p2 $0x1  }
0x17: {  	s4 =	simm.s32 $0x1BF5;
	[smem:$0x3FB7] =	sst s0  }
0x18: {  	s0 =	sld [smem:$0x3F9A];
	_ =	swait.ge [sflag:s4], $0x0  }
0x19: {  	s7 =	sld [smem:$0x3F9B]  }
0x1a: {  	s8 =	sadd.s32 $0xFFFFE003, lr  }
0x1b: {  	s9 =	sadd.s32 $0xFFFFFEF7, lr;
	s5 =	simm.s32 $0xFFFFFFFF;
	p2 =	slt.u32 s8, $0xFFFFF086  }
0x1c: {  	p1 =	slt.u32 s9, $0xF7A;
	s5 =	simm.s32 @!p2 $0x0  }
0x1d: {  	s5 =	simm.s32 @p1 $0x1;
	p0 =	seq.s32 s7, s2  }
0x1e: {  	s7 =	smul.u32 @!p0 $0xF7A, s2;
	p2 =	seq.s32 @!p0 s5, $0x0  }
0x1f: {  	s9 =	smul.u32 $0xF7A, s1;
	s8 =	simm.s32 @!p0 $0x1BF5;
	p2 =	por !p2, p0  }
0x20: {  	[sflag:s8] =	ssyncset.s32 @!p0 $0xFFFFF086;
	s6 =	sadd.s32 @!p0 s3, s7;
	s7 =	simm.s32 @!p0 $0x108  }
0x21: {  	s3 =	sadd.s32 s3, s9;
	s6 =	sadd.s32 @!p0 $0x88, s6;
	s7 =	simm.s32 @p2 $0x1082  }
0x22: {  	[simem:s7], [sflag:s8] =	dma.local @!p0 [hbm:s6], $0xF7A  }
0x23: {  	s9 =	sor.u32 $0xD0000000, s2;
	s6 =	simm.s32 $0x108;
	_ =	swait.ge @!p0 [sflag:s8], $0x0  }
0x24: {  	s3 =	sadd.s32 $0x88, s3;
	s6 =	simm.s32 @!p1 $0x1082;
	[sflag:s4] =	ssyncset.s32 $0xFFFFF086  }
0x25: {  	[simem:s6], [sflag:s4] =	dma.local [hbm:s3], $0xF7A  }
0x26: {  	[smem:$0x3F9B] =	sst s1;
	(tag) =	ssettag s2;
	_ =	strace s9  }
0x27: {  	s1 =	sld [smem:$0x3FAB]  }
0x28: {  	s2 =	sld [smem:$0x3FAC]  }
0x29: {  	s4 =	sld [smem:$0x3FAE]  }
0x2a: {  	p0 =	seq.s32 s5, $0x0;
	s5 =	sld [smem:$0x3FAF]  }
0x2b: {  	s6 =	sld [smem:$0x3FB0]  }
0x2c: {  	s7 =	sld [smem:$0x3FB1]  }
0x2d: {  	s3 =	simm.s32 $0x108;
	s8 =	sld [smem:$0x3FB2]  }
0x2e: {  	s3 =	simm.s32 @!p0 $0x1082;
	s9 =	sld [smem:$0x3FB3]  }
0x2f: {  	lr =	sadd.s32 s0, s3;
	s0 =	sld [smem:$0x3FAA]  }
0x30: {  	s3 =	sld [smem:$0x3FAD]  }
0x31: {  	[smem:$0x3FB6] =	sst s10  }
0x32: {  	s10 =	sld [smem:$0x3FB4];
	_ =	sdelay $0x3  }
0x33: {  	p0 =	seq.s32 s10, $0x1;
	s10 =	sld [smem:$0x3FB6];
	_ =	sdelay $0x3  }
0x34: {  	[smem:$0x3FB6] =	sst s10  }
0x35: {  	s10 =	sld [smem:$0x3FB5];
	_ =	sdelay $0x3  }
0x36: {  	p1 =	seq.s32 s10, $0x1;
	s10 =	sld [smem:$0x3FB6];
	_ =	sdelay $0x3  }
0x37: {  	[smem:$0x3FB6] =	sst s10  }
0x38: {  	s10 =	sld [smem:$0x3FB7]  }
0x39: {  	_ = 	snop;
	(pc) =	sbr.ind lr, $3  }
0x3a: {  	_ = 	snop  }
0x3b: {  	_ = 	snop  }
0x3c: {  	p2 =	seq.s32 s10, $0x1;
	s10 =	sld [smem:$0x3FB6]  }
0x3d: {  	_ =	shalt  }
0x3e: {  	_ =	shalt  }
0x3f: {  	_ =	shalt  }
0x40: {  	_ =	shalt  }
0x41: {  	_ =	shalt  }
0x42: {  	_ =	shalt  }
0x43: {  	_ =	shalt  }
0x44: {  	_ =	shalt  }
0x45: {  	_ =	shalt  }
0x46: {  	_ =	shalt  }
0x47: {  	_ =	shalt  }
0x48: {  	_ =	shalt  }
0x49: {  	_ =	shalt  }
0x4a: {  	_ =	shalt  }
0x4b: {  	_ =	shalt  }
0x4c: {  	_ =	shalt  }
0x4d: {  	_ =	shalt  }
0x4e: {  	_ =	shalt  }
0x4f: {  	_ =	shalt  }
0x50: {  	_ =	shalt  }
0x51: {  	_ =	shalt  }
0x52: {  	_ =	shalt  }
0x53: {  	_ =	shalt  }
0x54: {  	_ =	shalt  }
0x55: {  	_ =	shalt  }
0x56: {  	_ =	shalt  }
0x57: {  	_ =	shalt  }
0x58: {  	_ =	shalt  }
0x59: {  	_ =	shalt  }
0x5a: {  	_ =	shalt  }
0x5b: {  	_ =	shalt  }
0x5c: {  	_ =	shalt  }
0x5d: {  	_ =	shalt  }
0x5e: {  	_ =	shalt  }
0x5f: {  	_ =	shalt  }
0x60: {  	_ =	shalt  }
0x61: {  	_ =	shalt  }
0x62: {  	_ =	shalt  }
0x63: {  	_ =	shalt  }
0x64: {  	_ =	shalt  }
0x65: {  	_ =	shalt  }
0x66: {  	_ =	shalt  }
0x67: {  	_ =	shalt  }
0x68: {  	_ =	shalt  }
0x69: {  	_ =	shalt  }
0x6a: {  	_ =	shalt  }
0x6b: {  	_ =	shalt  }
0x6c: {  	_ =	shalt  }
0x6d: {  	_ =	shalt  }
0x6e: {  	_ =	shalt  }
0x6f: {  	_ =	shalt  }
0x70: {  	_ =	shalt  }
0x71: {  	_ =	shalt  }
0x72: {  	_ =	shalt  }
0x73: {  	_ =	shalt  }
0x74: {  	_ =	shalt  }
0x75: {  	_ =	shalt  }
0x76: {  	_ =	shalt  }
0x77: {  	_ =	shalt  }
0x78: {  	_ =	shalt  }
0x79: {  	_ =	shalt  }
0x7a: {  	_ =	shalt  }
0x7b: {  	_ =	shalt  }
0x7c: {  	_ =	shalt  }
0x7d: {  	_ =	shalt  }
0x7e: {  	_ =	shalt  }
0x7f: {  	_ =	shalt  }
0x80: {  	_ =	shalt  }
0x81: {  	_ =	shalt  }
0x82: {  	_ =	shalt  }
0x83: {  	_ =	shalt  }
0x84: {  	_ =	shalt  }
0x85: {  	_ =	shalt  }
0x86: {  	_ =	shalt  }
0x87: {  	_ =	shalt  }
.Lfunc_end0:
.L_simem_size_0:
called_computation.1_lowered:
.L_overlay_start_0:
0x88: {  	s2 =	sld [smem:$0x3FD9]  }
0x89: {  	s3 =	sld [smem:$0x3FFE];
	_ =	sdelay $0x1  }
0x8a: {  	s1 =	srdreg.scid  }
0x8b: {  	s0 =	sand.u32 $0x1, s1  }
0x8c: {  	s16 =	sshll.u32 s0, $0xA;
	s2 =	sadd.s32 s3, s2  }
0x8d: {  	s2 =	sadd.s32 s2, s16  }
0x8e: {  	[smem:$0x3FC2] =	sst s2  }
0x8f: {  	_ = 	snop  }
0x90: {  	(tm) =	ssettm $0x1  }
0x91: {  	s17 =	sld [smem:$0x3FFB];
	_ =	sdelay $0x3  }
0x92: {  	_ =	strace s17  }
0x93: {  	s2 =	sld [smem:$0x3FFC];
	_ =	sdelay $0x3  }
0x94: {  	_ =	strace s2  }
0x95: {  	s2 =	sld [smem:$0x3FFD];
	_ =	sdelay $0x3  }
0x96: {  	_ =	strace s2  }
0x97: {  	_ =	strace $0x8FFFFFFF  }
0x98: {  	s18 =	sld [smem:$0x3FDB];
	_ =	sdelay $0x1  }
0x99: {  	s19 =	simm.s32 $_scs_section_size  }
0x9a: {  	s4 =	simm.s32 $_size__tile_overlayer_lowered;
	s5 =	simm.s32 $_tile_overlayer_lowered  }
0x9b: {  	s22 =	simm.s32 $0x1BFF;
	s21 =	sshll.u32 s5, $0x1;
	s2 =	sadd.s32 s19, s18  }
0x9c: {  	s6 =	simm.s32 $0x0;
	s20 =	sshll.u32 s4, $0x1;
	s4 =	sadd.s32 s21, s2  }
0x9d: {  	[timem:s6], [sflag:s22] =	dma.local [hbm:s4], s20  }
0x9e: {  	_ =	swait.ge [sflag:s22], s20  }
0x9f: {  	s3 =	ssub.s32 $0x0, s20;
	[sflag:s22] =	ssyncset.done $0x0  }
0xa0: {  	[sflag:s22] =	ssyncadd.s32 s3;
	_ =	sdelay $0x1  }
0xa1: {  	s23 =	simm.s32 $0x1B8B  }
0xa2: {  	_ =	swait.ge [sflag:s23], $0x1  }
0xa3: {  	[sflag:s23] =	ssyncset.done $0x0  }
0xa4: {  	s25 =	simm.s32 $0x1B8E;
	s24 =	sld [smem:$0x3FFE];
	[sflag:s23] =	ssyncadd.s32 $0xFFFFFFFF  }
0xa5: {  	s26 =	simm.s32 $execute0_lowered;
	[smem:$0x3FD2] =	sst s25  }
0xa6: {  	s4 =	sshll.u32 s26, $0x1;
	_ =	strace $0x80000049;
	[dreg:$0x1] =	wrdreg $0xFFFFFFFF  }
0xa7: {  	s28 =	simm.s32 $_size_execute0_lowered;
	s2 =	sadd.s32 s2, s4;
	[dreg:$0x0] =	wrdreg $0x0  }
0xa8: {  	s4 =	sshll.u32 s28, $0x1;
	[dreg:$0x2] =	wrdreg s2  }
0xa9: {  	[dreg:$0x3] =	wrdreg s4  }
0xaa: {  	[dreg:$0x4] =	wrdreg $0xC0  }
0xab: {  	_ =	task [dreg:s6], $0x5FFFF  }
0xac: {  	[dreg:$0x1] =	wrdreg $0xFFFFFFFF  }
0xad: {  	[dreg:$0x0] =	wrdreg $0x60  }
0xae: {  	[dreg:$0x2] =	wrdreg s24  }
0xaf: {  	[dreg:$0x3] =	wrdreg $0x70000  }
0xb0: {  	[dreg:$0x4] =	wrdreg $0x9  }
0xb1: {  	_ =	task.clear_ibuf [dreg:s6], $0x5FFFF;
	_ =	strace $0x90000049  }
0xb2: {  	s29 =	simm.s32 $0x9;
	_ =	strace $0x8000004B  }
0xb3: {  	_ =	swait.ge [sflag:s29], $0x1  }
0xb4: {  	[sflag:s29] =	ssyncadd.s32 $0xFFFFFFFF  }
0xb5: {  	_ =	strace $0x9000004B  }
0xb6: {  	_ =	sfence  }
0xb7: {  	s30 =	sld [smem:$0x0];
	_ =	sdelay $0x2  }
0xb8: {  	s31 =	sshll.u32 s1, $0xD;
	s1 =	sshrl.u32 s1, $0x2  }
0xb9: {  	s3 =	sand.u32 $0x4000, s31;
	s1 =	sadd.s32 s1, s30  }
0xba: {  	s0 =	sor.u32 s3, s0;
	s1 =	sshll.u32 s1, $0x11  }
0xbb: {  	s0 =	sor.u32 s1, s0  }
0xbc: {  	s0 =	sadd.s32 $0x8F2B, s0  }
0xbd: {  	[sflag:s0] =	ssyncadd.remote.s32 $0x1  }
0xbe: {  	_ =	sfence.sel $0xFFFF  }
0xbf: {  	[dreg:$0x0] =	wrdreg $0xFFFFFFFF;
	(pc) =	sbr.abs _section_cstart, $3  }
0xc0: {  	[dreg:$0x1] =	wrdreg $0xFFFFFFFF  }
0xc1: {  	_ =	task.clear_ibuf [dreg:s6], $0x2FFFF;
	_ =	strace $0x9FFFFFFF  }
0xc2: {  	(tm) =	ssettm $0x7FFFFFFF  }
0xc3: {  	_ =	shalt  }
tec
execute0_lowered:
.L_overlay_start_1:
0x0: {  	(tag) =	ssettag $0x1  }
0x1: {  	s2 =	srdreg.scid;
	s11 =	stileid.u32  }
0x2: {  	s0 =	rddreg [dreg:$0x0];
	s2 =	sand.u32 $0x1, s2;
	s6 =	smul.u32 $0x14000, s11  }
0x3: {  	s1 =	rddreg [dreg:$0x1];
	s5 =	smul.u32 $0x140000, s2  }
0x4: {  	s3 =	simm.s32 $0x0;
	s28 =	simm.s32 $0xA;
	s8 =	smul.u32 $0x50000, s11  }
0x5: {  	s30 =	simm.s32 $0x30;
	s4 =	sadd.s32 $0x4D800, s0;
	s7 =	sadd.s32 s6, s5  }
0x6: {  	s24 =	sshrl.u32 s8, $0x2;
	s5 =	sadd.s32 $0x32800, s0;
	s7 =	sshrl.u32 s7, $0x3  }
0x7: {  	s6 =	sadd.s32 $0x17800, s0;
	s0 =	sadd.s32 s7, s0;
	s7 =	sadd.s32 s24, s1  }
0x8: {  	s29 =	simm.s32 $0x4000;
	[smem:$0x7FF] =	sst s3;
	s12 =	sadd.s32 $0x1800, s7  }
0x9: {  	_ =	strace $0x8000004A;
	s13 =	sadd.s32 $0x3000, s7;
	[dreg:$0x3] =	wrdreg s12  }
0xa: {  	s31 =	simm.s32 $0x1;
	s14 =	sadd.s32 $0x4800, s7;
	[dreg:$0x4] =	wrdreg s13  }
0xb: {  	s10 =	sshll.u32 s11, $0x1;
	s15 =	sadd.s32 $0x6000, s7;
	[dreg:$0x5] =	wrdreg s14  }
0xc: {  	s20 =	smul.u32 $0xD800, s11;
	s16 =	sadd.s32 $0x7800, s7;
	[dreg:$0x6] =	wrdreg s15  }
0xd: {  	s11 =	simm.s32 $0x6;
	s17 =	sadd.s32 $0x9000, s7;
	[dreg:$0x7] =	wrdreg s16  }
0xe: {  	s9 =	ssub.s32 $0x2, s2;
	s18 =	sadd.s32 $0xA800, s7;
	[dreg:$0x8] =	wrdreg s17  }
0xf: {  	s26 =	sor.u32 s2, s10;
	s19 =	sadd.s32 $0xC000, s7;
	[dreg:$0x9] =	wrdreg s18  }
0x10: {  	s25 =	sshrl.u32 s9, $0x1;
	s21 =	sadd.s32 $0xD800, s7;
	[dreg:$0xa] =	wrdreg s19  }
0x11: {  	s8 =	ssub.s32 s9, s25;
	s22 =	sadd.s32 $0xF000, s7;
	[dreg:$0xb] =	wrdreg s21  }
0x12: {  	s9 =	smul.u32 $0x6C00, s26;
	s23 =	sadd.s32 $0x10800, s7;
	[dreg:$0xc] =	wrdreg s22  }
0x13: {  	s2 =	smul.u32 $0x6C00, s2;
	s24 =	sadd.s32 $0x12000, s7;
	[dreg:$0xd] =	wrdreg s23  }
0x14: {  	s9 =	sshrl.u32 s9, $0x3;
	s25 =	sadd.s32 $0x13800, s7;
	[dreg:$0xe] =	wrdreg s24  }
0x15: {  	s10 =	simm.s32 $0x3;
	s26 =	sadd.s32 s5, s9;
	[dreg:$0xf] =	wrdreg s25  }
.Ltmp0:
0x16: {  	s2 =	sadd.s32 s2, s20;
	[dreg:$0x10] =	wrdreg s26;
	(pc) =	sbr.rel .LBB2_1-.Ltmp0, $4  }
0x17: {  	s22 =	sadd.s32 s6, s9;
	s23 =	sadd.s32 $0x74A00, s0;
	s24 =	smax.u32 s8, $0x1  }
0x18: {  	s25 =	sadd.s32 $0x400, s2;
	s26 =	simm.s32 $0x1000;
	s0 =	simm.s32 $0x2800  }
0x19: {  	s2 =	simm.s32 $0x5800;
	s8 =	simm.s32 $0x2;
	s9 =	simm.s32 $0x5  }
0x1a: {  	v0 =	vimm.f32 $0.0e+00;
	s12 =	simm.s32 $0x4;
	s13 =	simm.s32 $0x7;
	s14 =	simm.s32 $0x8  }
.LBB2_6:
0x1b: {  	_ =	swait.ge [sflag:s14], $0x1800;
	s15 =	stileid.u32  }
0x1c: {  	s16 =	sshrl.u32 s7, $0x3;
	s3 =	sadd.s32 $0x1, s3;
	[sflag:s14] =	ssyncset.done $0x0  }
0x1d: {  	s15 =	sshll.u32 s15, $0x6;
	p0 =	sne.s32 s3, s24;
	[sflag:s14] =	ssyncadd.s32 $0xFFFFE800  }
.Ltmp1:
0x1e: {  	s15 =	sor.u32 $0x1C0A, s15;
	[bflag:$0x0] =	sbarrier.arrive $0xFFFF;
	(pc) =	sbr.rel @!p0 .LBB2_7-.Ltmp1, $4  }
0x1f: {  	[hbm:s23], [sflag:s15] =	dma.local [spmem:s16], $0x2800  }
0x20: {  	_ =	swait.ge [sflag:s28], $0x2800  }
0x21: {  	[sflag:s28] =	ssyncset.done $0x0  }
0x22: {  	[sflag:s28] =	ssyncadd.s32 $0xFFFFD800  }
.LBB2_1:
0x23: {  	s15 =	simm.s32 $0x0;
	s16 =	simm.s32 $0x200  }
.LBB2_2:
0x24: {  	p0 =	sne.s32 s16, $0x5E00;
	[tilespmem:s15+$0x1070] =	vst v0  }
0x25: {  	[tilespmem:s15+$0x1000] =	vst v0  }
0x26: {  	[tilespmem:s15+$0x1010] =	vst v0  }
.Ltmp2:
0x27: {  	[tilespmem:s15+$0x1020] =	vst v0;
	(pc) =	sbr.rel @p0 .LBB2_2-.Ltmp2, $4  }
0x28: {  	[tilespmem:s15+$0x1030] =	vst v0  }
0x29: {  	[tilespmem:s15+$0x1040] =	vst v0  }
0x2a: {  	[tilespmem:s15+$0x1050] =	vst v0  }
0x2b: {  	[tilespmem:s15+$0x1060] =	vst v0;
	s15 =	sshra.s32 s16, $0x2;
	s16 =	sadd.s32 $0x200, s16  }
0x2c: {  	[tilespmem:s15+$0x1070] =	vst v0  }
0x2d: {  	[tilespmem:s15+$0x1000] =	vst v0  }
0x2e: {  	[tilespmem:s15+$0x1010] =	vst v0  }
0x2f: {  	[tilespmem:s15+$0x1020] =	vst v0  }
0x30: {  	[tilespmem:s15+$0x1030] =	vst v0  }
0x31: {  	[tilespmem:s15+$0x1040] =	vst v0  }
0x32: {  	[tilespmem:s15+$0x1050] =	vst v0  }
0x33: {  	[tilespmem:s15+$0x1060] =	vst v0  }
0x34: {  	[spmem:s7] =	stream.linear.scatter [tilespmem:s26], [sflag:$0xA], $0x1800, $0x38;
	[tilespmem:$0x1B000] =	vst v63  }
0x35: {  	_ =	swait.ge [sflag:s28], $0x1800  }
0x36: {  	[sflag:s28] =	ssyncset.done $0x0  }
0x37: {  	s18 =	rddreg [dreg:$0x3];
	[sflag:s28] =	ssyncadd.s32 $0xFFFFE800  }
0x38: {  	[spmem:s18] =	stream.linear.scatter [tilespmem:s26], [sflag:$0xA], $0x1800, $0x38;
	[tilespmem:$0x1B000] =	vst v63  }
0x39: {  	_ =	swait.ge [sflag:s28], $0x1800  }
0x3a: {  	[sflag:s28] =	ssyncset.done $0x0  }
0x3b: {  	s19 =	rddreg [dreg:$0x4];
	[sflag:s28] =	ssyncadd.s32 $0xFFFFE800  }
0x3c: {  	[spmem:s19] =	stream.linear.scatter [tilespmem:s26], [sflag:$0xA], $0x1800, $0x38;
	[tilespmem:$0x1B000] =	vst v63  }
0x3d: {  	_ =	swait.ge [sflag:s28], $0x1800  }
0x3e: {  	[sflag:s28] =	ssyncset.done $0x0  }
0x3f: {  	s20 =	rddreg [dreg:$0x5];
	[sflag:s28] =	ssyncadd.s32 $0xFFFFE800  }
0x40: {  	[spmem:s20] =	stream.linear.scatter [tilespmem:s26], [sflag:$0xA], $0x1800, $0x38;
	[tilespmem:$0x1B000] =	vst v63  }
0x41: {  	_ =	swait.ge [sflag:s28], $0x1800  }
0x42: {  	[sflag:s28] =	ssyncset.done $0x0  }
0x43: {  	s21 =	rddreg [dreg:$0x6];
	[sflag:s28] =	ssyncadd.s32 $0xFFFFE800  }
0x44: {  	[spmem:s21] =	stream.linear.scatter [tilespmem:s26], [sflag:$0xA], $0x1800, $0x38;
	[tilespmem:$0x1B000] =	vst v63  }
0x45: {  	_ =	swait.ge [sflag:s28], $0x1800  }
0x46: {  	[sflag:s28] =	ssyncset.done $0x0  }
0x47: {  	s16 =	rddreg [dreg:$0x7];
	[sflag:s28] =	ssyncadd.s32 $0xFFFFE800  }
0x48: {  	[spmem:s16] =	stream.linear.scatter [tilespmem:s26], [sflag:$0xA], $0x1800, $0x38;
	[tilespmem:$0x1B000] =	vst v63  }
0x49: {  	_ =	swait.ge [sflag:s28], $0x1800  }
0x4a: {  	[sflag:s28] =	ssyncset.done $0x0  }
0x4b: {  	s17 =	rddreg [dreg:$0x8];
	[sflag:s28] =	ssyncadd.s32 $0xFFFFE800  }
0x4c: {  	[spmem:s17] =	stream.linear.scatter [tilespmem:s26], [sflag:$0xA], $0x1800, $0x38;
	[tilespmem:$0x1B000] =	vst v63  }
0x4d: {  	_ =	swait.ge [sflag:s28], $0x1800  }
0x4e: {  	[sflag:s28] =	ssyncset.done $0x0  }
0x4f: {  	s18 =	rddreg [dreg:$0x9];
	[sflag:s28] =	ssyncadd.s32 $0xFFFFE800  }
0x50: {  	[spmem:s18] =	stream.linear.scatter [tilespmem:s26], [sflag:$0xA], $0x1800, $0x38;
	[tilespmem:$0x1B000] =	vst v63  }
0x51: {  	_ =	swait.ge [sflag:s28], $0x1800  }
0x52: {  	[sflag:s28] =	ssyncset.done $0x0  }
0x53: {  	s19 =	rddreg [dreg:$0xa];
	[sflag:s28] =	ssyncadd.s32 $0xFFFFE800  }
0x54: {  	[spmem:s19] =	stream.linear.scatter [tilespmem:s26], [sflag:$0xA], $0x1800, $0x38;
	[tilespmem:$0x1B000] =	vst v63  }
0x55: {  	_ =	swait.ge [sflag:s28], $0x1800  }
0x56: {  	[sflag:s28] =	ssyncset.done $0x0  }
0x57: {  	s20 =	rddreg [dreg:$0xb];
	[sflag:s28] =	ssyncadd.s32 $0xFFFFE800  }
0x58: {  	[spmem:s20] =	stream.linear.scatter [tilespmem:s26], [sflag:$0xA], $0x1800, $0x38;
	[tilespmem:$0x1B000] =	vst v63  }
0x59: {  	_ =	swait.ge [sflag:s28], $0x1800  }
0x5a: {  	[sflag:s28] =	ssyncset.done $0x0  }
0x5b: {  	s21 =	rddreg [dreg:$0xc];
	[sflag:s28] =	ssyncadd.s32 $0xFFFFE800  }
0x5c: {  	[spmem:s21] =	stream.linear.scatter [tilespmem:s26], [sflag:$0xA], $0x1800, $0x38;
	[tilespmem:$0x1B000] =	vst v63  }
0x5d: {  	_ =	swait.ge [sflag:s28], $0x1800  }
0x5e: {  	[sflag:s28] =	ssyncset.done $0x0  }
0x5f: {  	s16 =	rddreg [dreg:$0xd];
	[sflag:s28] =	ssyncadd.s32 $0xFFFFE800  }
0x60: {  	[spmem:s16] =	stream.linear.scatter [tilespmem:s26], [sflag:$0xA], $0x1800, $0x38;
	[tilespmem:$0x1B000] =	vst v63  }
0x61: {  	_ =	swait.ge [sflag:s28], $0x1800  }
0x62: {  	[sflag:s28] =	ssyncset.done $0x0  }
0x63: {  	s17 =	rddreg [dreg:$0xe];
	[sflag:s28] =	ssyncadd.s32 $0xFFFFE800  }
0x64: {  	[spmem:s17] =	stream.linear.scatter [tilespmem:s26], [sflag:$0xA], $0x1800, $0x38;
	[tilespmem:$0x1B000] =	vst v63  }
0x65: {  	_ =	swait.ge [sflag:s28], $0x1800  }
0x66: {  	[sflag:s28] =	ssyncset.done $0x0  }
0x67: {  	s18 =	rddreg [dreg:$0xf];
	[sflag:s28] =	ssyncadd.s32 $0xFFFFE800  }
0x68: {  	[spmem:s18] =	stream.linear.scatter [tilespmem:s26], [sflag:$0xA], $0x800, $0x38;
	[tilespmem:$0x1B000] =	vst v63  }
0x69: {  	_ =	swait.ge [sflag:s28], $0x800  }
0x6a: {  	[sflag:s28] =	ssyncset.done $0x0  }
0x6b: {  	s15 =	simm.s32 $0x0;
	s16 =	rddreg [dreg:$0x10];
	[sflag:s28] =	ssyncadd.s32 $0xFFFFF800  }
0x6c: {  	[tilespmem:s15], [sflag:$0xA] =	stream.linear.gather [hbm4b:s16+s15], $0x400, $0x38;
	[tilespmem:$0x1B000] =	vst v63  }
0x6d: {  	_ =	swait.ge [sflag:s28], $0x400  }
0x6e: {  	[sflag:s28] =	ssyncset.done $0x0  }
0x6f: {  	s19 =	simm.s32 $0x800;
	[sflag:s28] =	ssyncadd.s32 $0xFFFFFC00  }
0x70: {  	[tilespmem:s19], [sflag:$0xA] =	stream.linear.gather [hbm4b:s22+s15], $0x400, $0x38;
	[tilespmem:$0x1B000] =	vst v63  }
0x71: {  	_ =	swait.ge [sflag:s28], $0x400  }
0x72: {  	[sflag:s28] =	ssyncset.done $0x0  }
0x73: {  	[sflag:s28] =	ssyncadd.s32 $0xFFFFFC00  }
0x74: {  	[bflag:$0x0] =	sbarrier.arrive $0xFFFF  }
0x75: {  	[tilespmem:s26], [sflag:$0x1] =	stream.indirect.gather [hbm4b:s4+s30], $0x80, s15, s30, $0xb8;
	[tilespmem:$0x1B000] =	vst v63  }
0x76: {  	s20 =	simm.s32 $0x80  }
0x77: {  	[tilespmem:s0], [sflag:$0x2] =	stream.indirect.gather [hbm4b:s4+s30], $0x80, s20, s30, $0xb8;
	[tilespmem:$0x1B000] =	vst v63  }
0x78: {  	s21 =	simm.s32 $0x100  }
0x79: {  	[tilespmem:s29], [sflag:$0x3] =	stream.indirect.gather [hbm4b:s4+s30], $0x80, s21, s30, $0xb8;
	[tilespmem:$0x1B000] =	vst v63  }
.LBB2_4:
0x7a: {  	p0 =	seq.s32 s15, $0x6800  }
0x7b: {  	s17 =	sadd.s32 @!p0 s15, s25  }
0x7c: {  	s16 =	sand.u32 @!p0 $0x400, s15;
	s17 =	sshrl.u32 @!p0 s17, $0x3  }
0x7d: {  	s20 =	simm.s32 @!p0 $0x0;
	s18 =	sxor.u32 @!p0 $0x400, s16;
	s19 =	sadd.s32 @!p0 s5, s17  }
0x7e: {  	[tilespmem:s18], [sflag:$0x9] =	stream.linear.gather @!p0 [hbm4b:s19+s20], $0x400, $0x38;
	[tilespmem:$0x1B000] =	vst v63  }
0x7f: {  	s17 =	sadd.s32 @!p0 s6, s17;
	s18 =	sxor.u32 @!p0 $0xC00, s16  }
0x80: {  	[tilespmem:s18], [sflag:$0x9] =	stream.linear.gather @!p0 [hbm4b:s17+s20], $0x400, $0x38;
	[tilespmem:$0x1B000] =	vst v63  }
0x81: {  	_ =	swait.ge [sflag:s31], $0x1800  }
0x82: {  	p1 =	seq.s32 s15, $0x0;
	s16 =	simm.s32 @p0 $0x0;
	[sflag:s31] =	ssyncset.done $0x0  }
0x83: {  	s20 =	sor.u32 $0x800, s16;
	s17 =	simm.s32 @!p1 $0x8;
	[sflag:s31] =	ssyncadd.s32 $0xFFFFE800  }
0x84: {  	[spmem:s1] =	stream.indirect.scatter.add.f32 [tilespmem:s26], [sflag:$0x5], $0x80, s20, s30, $0xb8;
	[tilespmem:$0x1B000] =	vst v63  }
0x85: {  	_ =	swait.ge @!p1 [sflag:s17], $0x1800  }
0x86: {  	[sflag:s17] =	ssyncset.done @!p1 $0x0  }
0x87: {  	s21 =	sor.u32 $0x180, s16;
	[sflag:s17] =	ssyncadd.s32 @!p1 $0xFFFFE800  }
0x88: {  	[tilespmem:s2], [sflag:$0x4] =	stream.indirect.gather [hbm4b:s4+s30], $0x80, s21, s30, $0xb8;
	[tilespmem:$0x1B000] =	vst v63  }
0x89: {  	_ =	swait.ge [sflag:s8], $0x1800  }
0x8a: {  	[sflag:s8] =	ssyncset.done $0x0  }
0x8b: {  	s18 =	sadd.s32 $0x880, s16;
	[sflag:s8] =	ssyncadd.s32 $0xFFFFE800  }
0x8c: {  	[spmem:s1] =	stream.indirect.scatter.add.f32 [tilespmem:s0], [sflag:$0x6], $0x80, s18, s30, $0xb8;
	[tilespmem:$0x1B000] =	vst v63  }
0x8d: {  	_ =	swait.ge [sflag:s9], $0x1800  }
0x8e: {  	[sflag:s9] =	ssyncset.done $0x0  }
0x8f: {  	s19 =	sor.u32 $0x200, s16;
	[sflag:s9] =	ssyncadd.s32 $0xFFFFE800  }
0x90: {  	[tilespmem:s26], [sflag:$0x1] =	stream.indirect.gather [hbm4b:s4+s30], $0x80, s19, s30, $0xb8;
	[tilespmem:$0x1B000] =	vst v63  }
0x91: {  	_ =	swait.ge [sflag:s10], $0x1800  }
0x92: {  	[sflag:s10] =	ssyncset.done $0x0  }
0x93: {  	s20 =	sadd.s32 $0x900, s16;
	[sflag:s10] =	ssyncadd.s32 $0xFFFFE800  }
0x94: {  	[spmem:s1] =	stream.indirect.scatter.add.f32 [tilespmem:s29], [sflag:$0x7], $0x80, s20, s30, $0xb8;
	[tilespmem:$0x1B000] =	vst v63  }
0x95: {  	_ =	swait.ge [sflag:s11], $0x1800  }
0x96: {  	[sflag:s11] =	ssyncset.done $0x0  }
0x97: {  	s21 =	sor.u32 $0x280, s16;
	[sflag:s11] =	ssyncadd.s32 $0xFFFFE800  }
0x98: {  	[tilespmem:s0], [sflag:$0x2] =	stream.indirect.gather [hbm4b:s4+s30], $0x80, s21, s30, $0xb8;
	[tilespmem:$0x1B000] =	vst v63  }
0x99: {  	_ =	swait.ge [sflag:s12], $0x1800  }
0x9a: {  	[sflag:s12] =	ssyncset.done $0x0  }
0x9b: {  	s18 =	sor.u32 $0x980, s16;
	[sflag:s12] =	ssyncadd.s32 $0xFFFFE800  }
0x9c: {  	[spmem:s1] =	stream.indirect.scatter.add.f32 [tilespmem:s2], [sflag:$0x8], $0x80, s18, s30, $0xb8;
	[tilespmem:$0x1B000] =	vst v63  }
0x9d: {  	_ =	swait.ge [sflag:s13], $0x1800  }
0x9e: {  	[sflag:s13] =	ssyncset.done $0x0  }
0x9f: {  	s17 =	sor.u32 $0x300, s16;
	[sflag:s13] =	ssyncadd.s32 $0xFFFFE800  }
0xa0: {  	[tilespmem:s29], [sflag:$0x3] =	stream.indirect.gather [hbm4b:s4+s30], $0x80, s17, s30, $0xb8;
	[tilespmem:$0x1B000] =	vst v63  }
0xa1: {  	_ =	swait.ge [sflag:s31], $0x1800  }
0xa2: {  	[sflag:s31] =	ssyncset.done $0x0  }
0xa3: {  	s19 =	sor.u32 $0xA00, s16;
	[sflag:s31] =	ssyncadd.s32 $0xFFFFE800  }
0xa4: {  	[spmem:s1] =	stream.indirect.scatter.add.f32 [tilespmem:s26], [sflag:$0x5], $0x80, s19, s30, $0xb8;
	[tilespmem:$0x1B000] =	vst v63  }
0xa5: {  	_ =	swait.ge [sflag:s14], $0x1800  }
0xa6: {  	[sflag:s14] =	ssyncset.done $0x0  }
0xa7: {  	s18 =	sor.u32 $0x380, s16;
	[sflag:s14] =	ssyncadd.s32 $0xFFFFE800  }
0xa8: {  	[tilespmem:s2], [sflag:$0x4] =	stream.indirect.gather [hbm4b:s4+s30], $0x80, s18, s30, $0xb8;
	[tilespmem:$0x1B000] =	vst v63  }
0xa9: {  	_ =	swait.ge [sflag:s8], $0x1800  }
0xaa: {  	[sflag:s8] =	ssyncset.done $0x0  }
0xab: {  	s20 =	sor.u32 $0xA80, s16;
	[sflag:s8] =	ssyncadd.s32 $0xFFFFE800  }
0xac: {  	[spmem:s1] =	stream.indirect.scatter.add.f32 [tilespmem:s0], [sflag:$0x6], $0x80, s20, s30, $0xb8;
	[tilespmem:$0x1B000] =	vst v63  }
0xad: {  	_ =	swait.ge [sflag:s9], $0x1800  }
0xae: {  	[sflag:s9] =	ssyncset.done $0x0  }
0xaf: {  	s19 =	simm.s32 @p0 $0x3;
	[sflag:s9] =	ssyncadd.s32 $0xFFFFE800  }
0xb0: {  	_ =	swait.ge @p0 [sflag:s19], $0x1800  }
0xb1: {  	s21 =	simm.s32 @p0 $0x4000;
	[sflag:s19] =	ssyncset.done @p0 $0x0  }
0xb2: {  	s20 =	simm.s32 @p0 $0x30;
	[sflag:s19] =	ssyncadd.s32 @p0 $0xFFFFE800;
	s19 =	sor.u32 @p0 $0x800, s17  }
0xb3: {  	[spmem:s1] =	stream.indirect.scatter.add.f32 @p0 [tilespmem:s21], [sflag:$0x7], $0x80, s19, s20, $0xb8;
	[tilespmem:$0x1B000] =	vst v63  }
0xb4: {  	s19 =	simm.s32 @p0 $0x6  }
0xb5: {  	_ =	swait.ge @p0 [sflag:s19], $0x1800  }
0xb6: {  	[sflag:s19] =	ssyncset.done @p0 $0x0  }
0xb7: {  	[sflag:s19] =	ssyncadd.s32 @p0 $0xFFFFE800;
	s19 =	simm.s32 @!p0 $0x9  }
0xb8: {  	_ =	swait.ge @!p0 [sflag:s19], $0x400  }
0xb9: {  	[sflag:s19] =	ssyncset.done @!p0 $0x0  }
0xba: {  	[sflag:s19] =	ssyncadd.s32 @!p0 $0xFFFFFC00  }
0xbb: {  	_ =	swait.ge @!p0 [sflag:s19], $0x400  }
0xbc: {  	s20 =	simm.s32 @!p0 $0x30;
	[sflag:s19] =	ssyncset.done @!p0 $0x0  }
0xbd: {  	s21 =	simm.s32 @!p0 $0x1000;
	[sflag:s19] =	ssyncadd.s32 @!p0 $0xFFFFFC00;
	s19 =	ssub.s32 @!p0 $0x400, s16  }
0xbe: {  	[tilespmem:s21], [sflag:$0x1] =	stream.indirect.gather @!p0 [hbm4b:s4+s20], $0x80, s19, s20, $0xb8;
	[tilespmem:$0x1B000] =	vst v63  }
0xbf: {  	s19 =	simm.s32 @!p0 $0x3  }
0xc0: {  	_ =	swait.ge @!p0 [sflag:s19], $0x1800  }
0xc1: {  	[sflag:s19] =	ssyncset.done @!p0 $0x0  }
0xc2: {  	s17 =	sor.u32 @!p0 $0x800, s17;
	[sflag:s19] =	ssyncadd.s32 @!p0 $0xFFFFE800;
	s19 =	simm.s32 @!p0 $0x4000  }
0xc3: {  	[spmem:s1] =	stream.indirect.scatter.add.f32 @!p0 [tilespmem:s19], [sflag:$0x7], $0x80, s17, s20, $0xb8;
	[tilespmem:$0x1B000] =	vst v63  }
0xc4: {  	s17 =	simm.s32 @!p0 $0x6  }
0xc5: {  	_ =	swait.ge @!p0 [sflag:s17], $0x1800  }
0xc6: {  	[sflag:s17] =	ssyncset.done @!p0 $0x0  }
0xc7: {  	s19 =	simm.s32 @!p0 $0x2800;
	[sflag:s17] =	ssyncadd.s32 @!p0 $0xFFFFE800;
	s17 =	ssub.s32 @!p0 $0x480, s16  }
0xc8: {  	[tilespmem:s19], [sflag:$0x2] =	stream.indirect.gather @!p0 [hbm4b:s4+s20], $0x80, s17, s20, $0xb8;
	[tilespmem:$0x1B000] =	vst v63  }
0xc9: {  	_ =	swait.ge [sflag:s12], $0x1800  }
0xca: {  	[sflag:s12] =	ssyncset.done $0x0  }
.Ltmp3:
0xcb: {  	s21 =	sor.u32 $0x800, s18;
	[sflag:s12] =	ssyncadd.s32 $0xFFFFE800;
	(pc) =	sbr.rel @p0 .LBB2_6-.Ltmp3, $4  }
0xcc: {  	[spmem:s1] =	stream.indirect.scatter.add.f32 [tilespmem:s2], [sflag:$0x8], $0x80, s21, s30, $0xb8;
	[tilespmem:$0x1B000] =	vst v63  }
0xcd: {  	_ =	swait.ge [sflag:s13], $0x1800  }
0xce: {  	[sflag:s13] =	ssyncset.done $0x0  }
0xcf: {  	[sflag:s13] =	ssyncadd.s32 $0xFFFFE800  }
.Ltmp4:
0xd0: {  	(pc) =	sbr.rel .LBB2_4-.Ltmp4, $3  }
0xd1: {  	_ =	sdelay $0x1  }
0xd2: {  	s16 =	ssub.s32 $0x500, s16;
	s15 =	sadd.s32 $0x400, s15  }
0xd3: {  	[tilespmem:s29], [sflag:$0x3] =	stream.indirect.gather [hbm4b:s4+s30], $0x80, s16, s30, $0xb8;
	[tilespmem:$0x1B000] =	vst v63  }
.LBB2_7:
0xd4: {  	_ =	sfence.sel $0x180000  }
0xd5: {  	[bflag:$0x0] =	sbarrier.arrive $0xFFFF  }
0xd6: {  	_ =	strace $0x9000004A  }
0xd7: {  	s0 =	stileid.u32;
	[bflag:$0x2] =	sbarrier.arrive $0xFFFF  }
0xd8: {  	p0 =	sne.s32 s0, $0x0;
	s0 =	rddreg [dreg:$0x2]  }
0xd9: {  	s0 =	sadd.s32 @!p0 $0x100000, s0  }
0xda: {  	[sflag:s0] =	ssyncadd.tile.s32 @!p0 $0x1;
	_ =	shalt  }
.Lfunc_end2:
_tile_overlayer_lowered:
.L_overlay_start_2:
0xdb: {  	(tag) =	ssettag $0x2  }
0xdc: {  	s0 =	rddreg [dreg:$0x0];
	s2 =	stileid.u32  }
0xdd: {  	s1 =	rddreg [dreg:$0x1];
	p0 =	sne.s32 s2, $0x0  }
0xde: {  	s3 =	rddreg [dreg:$0x2];
	[bflag:$0x3] =	sbarrier.arrive $0xFFFF;
	s2 =	simm.s32 @!p0 $0x1C0A  }
0xdf: {  	[timem:s3], [sflag:s2] =	dma.local @!p0 [hbm:s0], s1  }
0xe0: {  	s0 =	simm.s32 @!p0 $0xA  }
0xe1: {  	_ =	swait.ge @!p0 [sflag:s0], s1  }
0xe2: {  	s1 =	ssub.s32 @!p0 $0x0, s1;
	[sflag:s0] =	ssyncset.done @!p0 $0x0  }
0xe3: {  	[sflag:s0] =	ssyncadd.s32 @!p0 s1  }
0xe4: {  	[bflag:$0x3] =	sbarrier.arrive $0xFFFF  }
0xe5: {  	_ =	shalt  }

// kernel: kernel.14.cloned.1.call-start
scs
__scs_entry_jumppad:
0x0: {  	(pc) =	sbr.rel $0x88, $3  }
0x1: {  	(tag) =	ssettag $0x0;
	lr =	simm.s32 $0x1  }
0x2: {  	[smem:$0x3F9B] =	sst lr;
	_ =	strace $0xD0000000  }
0x3: {  	_ = 	snop  }
0x4: {  	_ = 	snop  }
0x5: {  	_ = 	snop  }
0x6: {  	_ = 	snop  }
0x7: {  	_ = 	snop  }
__scs_overlays_trampoline_lowered:
0x8: {  	[smem:$0x3FAA] =	sst s0  }
0x9: {  	[smem:$0x3FAB] =	sst s1  }
0xa: {  	[smem:$0x3FAC] =	sst s2  }
0xb: {  	[smem:$0x3FAD] =	sst s3  }
0xc: {  	[smem:$0x3FAE] =	sst s4  }
0xd: {  	[smem:$0x3FAF] =	sst s5  }
0xe: {  	[smem:$0x3FB0] =	sst s6  }
0xf: {  	[smem:$0x3FB1] =	sst s7  }
0x10: {  	[smem:$0x3FB2] =	sst s8  }
0x11: {  	[smem:$0x3FB3] =	sst s9;
	s0 =	simm.s32 @!p0 $0x0  }
0x12: {  	s1 =	sld [smem:$0x3F99];
	s0 =	simm.s32 @p0 $0x1  }
0x13: {  	[smem:$0x3FB4] =	sst s0;
	s0 =	simm.s32 @!p1 $0x0  }
0x14: {  	s2 =	sld [smem:$0x3F98];
	s0 =	simm.s32 @p1 $0x1  }
0x15: {  	[smem:$0x3FB5] =	sst s0;
	s0 =	simm.s32 @!p2 $0x0  }
0x16: {  	s3 =	sld [smem:$0x3FDB];
	s0 =	simm.s32 @p2 $0x1  }
0x17: {  	s4 =	simm.s32 $0x1BF5;
	[smem:$0x3FB7] =	sst s0  }
0x18: {  	s0 =	sld [smem:$0x3F9A];
	_ =	swait.ge [sflag:s4], $0x0  }
0x19: {  	s7 =	sld [smem:$0x3F9B]  }
0x1a: {  	s8 =	sadd.s32 $0xFFFFE003, lr  }
0x1b: {  	s9 =	sadd.s32 $0xFFFFFEF7, lr;
	s5 =	simm.s32 $0xFFFFFFFF;
	p2 =	slt.u32 s8, $0xFFFFF086  }
0x1c: {  	p1 =	slt.u32 s9, $0xF7A;
	s5 =	simm.s32 @!p2 $0x0  }
0x1d: {  	s5 =	simm.s32 @p1 $0x1;
	p0 =	seq.s32 s7, s2  }
0x1e: {  	s7 =	smul.u32 @!p0 $0xF7A, s2;
	p2 =	seq.s32 @!p0 s5, $0x0  }
0x1f: {  	s9 =	smul.u32 $0xF7A, s1;
	s8 =	simm.s32 @!p0 $0x1BF5;
	p2 =	por !p2, p0  }
0x20: {  	[sflag:s8] =	ssyncset.s32 @!p0 $0xFFFFF086;
	s6 =	sadd.s32 @!p0 s3, s7;
	s7 =	simm.s32 @!p0 $0x108  }
0x21: {  	s3 =	sadd.s32 s3, s9;
	s6 =	sadd.s32 @!p0 $0x88, s6;
	s7 =	simm.s32 @p2 $0x1082  }
0x22: {  	[simem:s7], [sflag:s8] =	dma.local @!p0 [hbm:s6], $0xF7A  }
0x23: {  	s9 =	sor.u32 $0xD0000000, s2;
	s6 =	simm.s32 $0x108;
	_ =	swait.ge @!p0 [sflag:s8], $0x0  }
0x24: {  	s3 =	sadd.s32 $0x88, s3;
	s6 =	simm.s32 @!p1 $0x1082;
	[sflag:s4] =	ssyncset.s32 $0xFFFFF086  }
0x25: {  	[simem:s6], [sflag:s4] =	dma.local [hbm:s3], $0xF7A  }
0x26: {  	[smem:$0x3F9B] =	sst s1;
	(tag) =	ssettag s2;
	_ =	strace s9  }
0x27: {  	s1 =	sld [smem:$0x3FAB]  }
0x28: {  	s2 =	sld [smem:$0x3FAC]  }
0x29: {  	s4 =	sld [smem:$0x3FAE]  }
0x2a: {  	p0 =	seq.s32 s5, $0x0;
	s5 =	sld [smem:$0x3FAF]  }
0x2b: {  	s6 =	sld [smem:$0x3FB0]  }
0x2c: {  	s7 =	sld [smem:$0x3FB1]  }
0x2d: {  	s3 =	simm.s32 $0x108;
	s8 =	sld [smem:$0x3FB2]  }
0x2e: {  	s3 =	simm.s32 @!p0 $0x1082;
	s9 =	sld [smem:$0x3FB3]  }
0x2f: {  	lr =	sadd.s32 s0, s3;
	s0 =	sld [smem:$0x3FAA]  }
0x30: {  	s3 =	sld [smem:$0x3FAD]  }
0x31: {  	[smem:$0x3FB6] =	sst s10  }
0x32: {  	s10 =	sld [smem:$0x3FB4];
	_ =	sdelay $0x3  }
0x33: {  	p0 =	seq.s32 s10, $0x1;
	s10 =	sld [smem:$0x3FB6];
	_ =	sdelay $0x3  }
0x34: {  	[smem:$0x3FB6] =	sst s10  }
0x35: {  	s10 =	sld [smem:$0x3FB5];
	_ =	sdelay $0x3  }
0x36: {  	p1 =	seq.s32 s10, $0x1;
	s10 =	sld [smem:$0x3FB6];
	_ =	sdelay $0x3  }
0x37: {  	[smem:$0x3FB6] =	sst s10  }
0x38: {  	s10 =	sld [smem:$0x3FB7]  }
0x39: {  	_ = 	snop;
	(pc) =	sbr.ind lr, $3  }
0x3a: {  	_ = 	snop  }
0x3b: {  	_ = 	snop  }
0x3c: {  	p2 =	seq.s32 s10, $0x1;
	s10 =	sld [smem:$0x3FB6]  }
0x3d: {  	_ =	shalt  }
0x3e: {  	_ =	shalt  }
0x3f: {  	_ =	shalt  }
0x40: {  	_ =	shalt  }
0x41: {  	_ =	shalt  }
0x42: {  	_ =	shalt  }
0x43: {  	_ =	shalt  }
0x44: {  	_ =	shalt  }
0x45: {  	_ =	shalt  }
0x46: {  	_ =	shalt  }
0x47: {  	_ =	shalt  }
0x48: {  	_ =	shalt  }
0x49: {  	_ =	shalt  }
0x4a: {  	_ =	shalt  }
0x4b: {  	_ =	shalt  }
0x4c: {  	_ =	shalt  }
0x4d: {  	_ =	shalt  }
0x4e: {  	_ =	shalt  }
0x4f: {  	_ =	shalt  }
0x50: {  	_ =	shalt  }
0x51: {  	_ =	shalt  }
0x52: {  	_ =	shalt  }
0x53: {  	_ =	shalt  }
0x54: {  	_ =	shalt  }
0x55: {  	_ =	shalt  }
0x56: {  	_ =	shalt  }
0x57: {  	_ =	shalt  }
0x58: {  	_ =	shalt  }
0x59: {  	_ =	shalt  }
0x5a: {  	_ =	shalt  }
0x5b: {  	_ =	shalt  }
0x5c: {  	_ =	shalt  }
0x5d: {  	_ =	shalt  }
0x5e: {  	_ =	shalt  }
0x5f: {  	_ =	shalt  }
0x60: {  	_ =	shalt  }
0x61: {  	_ =	shalt  }
0x62: {  	_ =	shalt  }
0x63: {  	_ =	shalt  }
0x64: {  	_ =	shalt  }
0x65: {  	_ =	shalt  }
0x66: {  	_ =	shalt  }
0x67: {  	_ =	shalt  }
0x68: {  	_ =	shalt  }
0x69: {  	_ =	shalt  }
0x6a: {  	_ =	shalt  }
0x6b: {  	_ =	shalt  }
0x6c: {  	_ =	shalt  }
0x6d: {  	_ =	shalt  }
0x6e: {  	_ =	shalt  }
0x6f: {  	_ =	shalt  }
0x70: {  	_ =	shalt  }
0x71: {  	_ =	shalt  }
0x72: {  	_ =	shalt  }
0x73: {  	_ =	shalt  }
0x74: {  	_ =	shalt  }
0x75: {  	_ =	shalt  }
0x76: {  	_ =	shalt  }
0x77: {  	_ =	shalt  }
0x78: {  	_ =	shalt  }
0x79: {  	_ =	shalt  }
0x7a: {  	_ =	shalt  }
0x7b: {  	_ =	shalt  }
0x7c: {  	_ =	shalt  }
0x7d: {  	_ =	shalt  }
0x7e: {  	_ =	shalt  }
0x7f: {  	_ =	shalt  }
0x80: {  	_ =	shalt  }
0x81: {  	_ =	shalt  }
0x82: {  	_ =	shalt  }
0x83: {  	_ =	shalt  }
0x84: {  	_ =	shalt  }
0x85: {  	_ =	shalt  }
0x86: {  	_ =	shalt  }
0x87: {  	_ =	shalt  }
.Lfunc_end0:
.L_simem_size_0:
called_computation.2_lowered:
.L_overlay_start_0:
0x88: {  	s2 =	sld [smem:$0x3FD9]  }
0x89: {  	s3 =	sld [smem:$0x3FFE];
	_ =	sdelay $0x1  }
0x8a: {  	s1 =	srdreg.scid  }
0x8b: {  	s0 =	sand.u32 $0x1, s1  }
0x8c: {  	s17 =	sshll.u32 s0, $0xA;
	s2 =	sadd.s32 s3, s2  }
0x8d: {  	s2 =	sadd.s32 s2, s17  }
0x8e: {  	[smem:$0x3FC2] =	sst s2  }
0x8f: {  	_ = 	snop  }
0x90: {  	s2 =	sld [smem:$0x3FD0];
	(tm) =	ssettm $0x1  }
0x91: {  	s18 =	sld [smem:$0x3FFB];
	_ =	sdelay $0x3  }
0x92: {  	_ =	strace s18  }
0x93: {  	s3 =	sld [smem:$0x3FFC];
	_ =	sdelay $0x3  }
0x94: {  	_ =	strace s3  }
0x95: {  	s3 =	sld [smem:$0x3FFD];
	_ =	sdelay $0x3  }
0x96: {  	_ =	strace s3  }
0x97: {  	_ =	strace $0x8FFFFFFF  }
0x98: {  	s19 =	sld [smem:$0x3FDB];
	_ =	sdelay $0x1  }
0x99: {  	s4 =	simm.s32 $_scs_section_size  }
0x9a: {  	s5 =	simm.s32 $_size__tile_overlayer_lowered;
	s6 =	simm.s32 $_tile_overlayer_lowered  }
0x9b: {  	s22 =	simm.s32 $0x1BFF;
	s21 =	sshll.u32 s6, $0x1;
	s3 =	sadd.s32 s4, s19  }
0x9c: {  	s7 =	simm.s32 $0x0;
	s20 =	sshll.u32 s5, $0x1;
	s5 =	sadd.s32 s21, s3  }
0x9d: {  	[timem:s7], [sflag:s22] =	dma.local [hbm:s5], s20  }
0x9e: {  	_ =	swait.ge [sflag:s22], s20  }
0x9f: {  	s4 =	ssub.s32 $0x0, s20;
	[sflag:s22] =	ssyncset.done $0x0  }
0xa0: {  	[sflag:s22] =	ssyncadd.s32 s4;
	_ =	sdelay $0x1  }
0xa1: {  	s23 =	simm.s32 $0x1B8B  }
0xa2: {  	_ =	swait.ge [sflag:s23], $0x1  }
0xa3: {  	[sflag:s23] =	ssyncset.done $0x0  }
0xa4: {  	s25 =	simm.s32 $0x1B8E;
	s24 =	sld [smem:$0x3FFE];
	[sflag:s23] =	ssyncadd.s32 $0xFFFFFFFF  }
0xa5: {  	s26 =	simm.s32 $execute0_lowered;
	[smem:$0x3FD2] =	sst s25  }
0xa6: {  	s5 =	sshll.u32 s26, $0x1;
	_ =	strace $0x8000004C;
	[dreg:$0x1] =	wrdreg $0xFFFFFFFF  }
0xa7: {  	s28 =	simm.s32 $_size_execute0_lowered;
	s3 =	sadd.s32 s3, s5;
	[dreg:$0x0] =	wrdreg $0x0  }
0xa8: {  	s5 =	sshll.u32 s28, $0x1;
	[dreg:$0x2] =	wrdreg s3  }
0xa9: {  	[dreg:$0x3] =	wrdreg s5  }
0xaa: {  	[dreg:$0x4] =	wrdreg $0xC0  }
0xab: {  	_ =	task [dreg:s7], $0x5FFFF  }
0xac: {  	[dreg:$0x1] =	wrdreg $0xFFFFFFFF  }
0xad: {  	[dreg:$0x0] =	wrdreg $0x60  }
0xae: {  	[dreg:$0x2] =	wrdreg s2  }
0xaf: {  	[dreg:$0x3] =	wrdreg s24  }
0xb0: {  	[dreg:$0x4] =	wrdreg $0xD6000  }
0xb1: {  	[dreg:$0x5] =	wrdreg $0x36000  }
0xb2: {  	[dreg:$0x6] =	wrdreg $0x9  }
0xb3: {  	_ =	task.clear_ibuf [dreg:s7], $0x7FFFF;
	_ =	strace $0x9000004C  }
0xb4: {  	s29 =	simm.s32 $0x9;
	_ =	strace $0x8000004E  }
0xb5: {  	_ =	swait.ge [sflag:s29], $0x1  }
0xb6: {  	[sflag:s29] =	ssyncadd.s32 $0xFFFFFFFF  }
0xb7: {  	_ =	strace $0x9000004E  }
0xb8: {  	_ =	sfence  }
0xb9: {  	s30 =	sld [smem:$0x0];
	_ =	sdelay $0x2  }
0xba: {  	s31 =	sshll.u32 s1, $0xD;
	s1 =	sshrl.u32 s1, $0x2  }
0xbb: {  	s3 =	sand.u32 $0x4000, s31;
	s1 =	sadd.s32 s1, s30  }
0xbc: {  	s0 =	sor.u32 s3, s0;
	s1 =	sshll.u32 s1, $0x11  }
0xbd: {  	s0 =	sor.u32 s1, s0  }
0xbe: {  	s0 =	sadd.s32 $0x8F2B, s0  }
0xbf: {  	[sflag:s0] =	ssyncadd.remote.s32 $0x1  }
0xc0: {  	_ =	sfence.sel $0xFFFF  }
0xc1: {  	[dreg:$0x0] =	wrdreg $0xFFFFFFFF;
	(pc) =	sbr.abs _section_cstart, $3  }
0xc2: {  	[dreg:$0x1] =	wrdreg $0xFFFFFFFF  }
0xc3: {  	_ =	task.clear_ibuf [dreg:s7], $0x2FFFF;
	_ =	strace $0x9FFFFFFF  }
0xc4: {  	(tm) =	ssettm $0x7FFFFFFF  }
0xc5: {  	_ =	shalt  }
tec
execute0_lowered:
.L_overlay_start_1:
0x0: {  	(tag) =	ssettag $0x1  }
0x1: {  	s0 =	rddreg [dreg:$0x0]  }
0x2: {  	s1 =	rddreg [dreg:$0x1]  }
0x3: {  	s2 =	rddreg [dreg:$0x2]  }
0x4: {  	s3 =	rddreg [dreg:$0x3]  }
0x5: {  	s5 =	srdreg.scid;
	s15 =	stileid.u32  }
0x6: {  	s4 =	simm.s32 $0x0;
	s30 =	simm.s32 $0xA;
	s9 =	smul.u32 $0xA000, s15  }
0x7: {  	s31 =	simm.s32 $0x600;
	s7 =	sand.u32 $0x1, s5;
	s11 =	smul.u32 $0x9C40, s15  }
0x8: {  	[smem:$0x7FF] =	sst s4;
	s5 =	sadd.s32 $0xCC00, s1;
	s14 =	smul.u32 $0x28000, s15  }
0x9: {  	s13 =	sshll.u32 s15, $0x1;
	s26 =	sshll.u32 s15, $0x6;
	s15 =	smul.u32 $0x5100, s15  }
0xa: {  	s6 =	sadd.s32 $0x2A00, s1;
	s8 =	smul.u32 $0xA0000, s7;
	_ =	strace $0x8000004D  }
0xb: {  	s23 =	sor.u32 s7, s13;
	s24 =	sshrl.u32 s11, $0x3;
	s25 =	sshrl.u32 s14, $0x2  }
0xc: {  	s13 =	sadd.s32 s11, s2;
	s0 =	sadd.s32 s0, s24;
	s11 =	sadd.s32 s25, s3  }
0xd: {  	s10 =	ssub.s32 $0x2, s7;
	[dreg:$0x5] =	wrdreg s0;
	s28 =	sadd.s32 $0xC00, s11  }
0xe: {  	s7 =	smul.u32 $0x2880, s7;
	s29 =	sadd.s32 $0x1800, s11;
	[dreg:$0x6] =	wrdreg s28  }
0xf: {  	s12 =	sshrl.u32 s10, $0x1;
	s14 =	sadd.s32 $0x2400, s11;
	[dreg:$0x7] =	wrdreg s29  }
0x10: {  	s8 =	sadd.s32 s9, s8;
	s16 =	sadd.s32 $0x3000, s11;
	[dreg:$0x8] =	wrdreg s14  }
0x11: {  	s10 =	ssub.s32 s10, s12;
	s17 =	sadd.s32 $0x3C00, s11;
	[dreg:$0x9] =	wrdreg s16  }
0x12: {  	s9 =	sadd.s32 s9, s3;
	s18 =	sadd.s32 $0x4800, s11;
	[dreg:$0xa] =	wrdreg s17  }
0x13: {  	s12 =	smul.u32 $0x2880, s23;
	s19 =	sadd.s32 $0x5400, s11;
	[dreg:$0xb] =	wrdreg s18  }
0x14: {  	s8 =	sshrl.u32 s8, $0x3;
	s20 =	sadd.s32 $0x6000, s11;
	[dreg:$0xc] =	wrdreg s19  }
0x15: {  	s21 =	sadd.s32 $0x6C00, s11;
	s0 =	sadd.s32 s7, s15;
	[dreg:$0xd] =	wrdreg s20  }
0x16: {  	s22 =	sadd.s32 $0x7800, s11;
	s24 =	sadd.s32 $0x8400, s11;
	[dreg:$0xe] =	wrdreg s21  }
0x17: {  	s25 =	sadd.s32 $0x9000, s11;
	s11 =	sadd.s32 $0x9C00, s11;
	[dreg:$0xf] =	wrdreg s22  }
0x18: {  	s15 =	simm.s32 $0x6;
	s1 =	sadd.s32 s8, s1;
	[dreg:$0x10] =	wrdreg s24  }
0x19: {  	s8 =	sor.u32 $0x1C0A, s26;
	s23 =	sshrl.u32 s12, $0x3;
	[dreg:$0x11] =	wrdreg s25  }
0x1a: {  	[dreg:$0x12] =	wrdreg s11;
	s28 =	smax.u32 s10, $0x1;
	s20 =	sadd.s32 $0x180, s0  }
0x1b: {  	s29 =	sshrl.u32 s13, $0x3;
	s0 =	simm.s32 $0x1200;
	s10 =	simm.s32 $0x1  }
0x1c: {  	s11 =	simm.s32 $0x2A00;
	s12 =	simm.s32 $0x2;
	s13 =	simm.s32 $0x5  }
.Ltmp0:
0x1d: {  	s14 =	simm.s32 $0x3;
	[dreg:$0x16] =	wrdreg s28;
	(pc) =	sbr.rel .LBB2_1-.Ltmp0, $4  }
0x1e: {  	s16 =	simm.s32 $0x4;
	s26 =	sadd.s32 s5, s23;
	[dreg:$0x17] =	wrdreg s29  }
0x1f: {  	s17 =	simm.s32 $0x7;
	s7 =	sadd.s32 s6, s23;
	[dreg:$0x13] =	wrdreg s26  }
0x20: {  	s18 =	simm.s32 $0x8;
	s1 =	sadd.s32 $0x16E00, s1;
	[dreg:$0x14] =	wrdreg s7  }
0x21: {  	v0 =	vimm.f32 $0.0e+00;
	[dreg:$0x15] =	wrdreg s1;
	s1 =	simm.s32 $0x30;
	s7 =	simm.s32 $0x1E00  }
.LBB2_6:
0x22: {  	_ =	swait.ge [sflag:s18], $0xC00  }
0x23: {  	[sflag:s18] =	ssyncset.done $0x0  }
0x24: {  	[sflag:s18] =	ssyncadd.s32 $0xFFFFF400  }
0x25: {  	[bflag:$0x0] =	sbarrier.arrive $0xFFFF  }
0x26: {  	s19 =	sshrl.u32 s9, $0x3;
	s21 =	rddreg [dreg:$0x15]  }
0x27: {  	[hbm:s21], [sflag:s8] =	dma.local [spmem:s19], $0x1400  }
0x28: {  	_ =	swait.ge [sflag:s30], $0x1400  }
0x29: {  	s4 =	sadd.s32 $0x1, s4;
	s29 =	rddreg [dreg:$0x16]  }
0x2a: {  	p0 =	sne.s32 s4, s29  }
.Ltmp1:
0x2b: {  	_ = 	snop;
	(pc) =	sbr.rel @!p0 .LBB2_7-.Ltmp1, $3  }
0x2c: {  	_ =	sdelay $0x1  }
0x2d: {  	[sflag:s30] =	ssyncset.done $0x0  }
0x2e: {  	[sflag:s30] =	ssyncadd.s32 $0xFFFFEC00  }
.LBB2_1:
0x2f: {  	s19 =	rddreg [dreg:$0x5]  }
0x30: {  	s21 =	rddreg [dreg:$0x17]  }
0x31: {  	[spmem:s21], [sflag:s8] =	dma.local [hbm:s19], $0x1388  }
0x32: {  	_ =	swait.ge [sflag:s30], $0x1388  }
0x33: {  	[sflag:s30] =	ssyncset.done $0x0  }
0x34: {  	s21 =	simm.s32 $0x100;
	s19 =	simm.s32 $0x0;
	[sflag:s30] =	ssyncadd.s32 $0xFFFFEC78  }
.LBB2_2:
0x35: {  	p0 =	sne.s32 s21, $0x2F00;
	[tilespmem:s19+$0x630] =	vst v0;
	s22 =	smov.u32 s21;
	s21 =	sadd.s32 $0x100, s21  }
.Ltmp2:
0x36: {  	[tilespmem:s19+$0x620] =	vst v0;
	(pc) =	sbr.rel @p0 .LBB2_2-.Ltmp2, $3  }
0x37: {  	[tilespmem:s19+$0x600] =	vst v0  }
0x38: {  	[tilespmem:s19+$0x610] =	vst v0;
	_ =	sdelay $0x1  }
0x39: {  	s19 =	sshra.s32 s22, $0x2  }
0x3a: {  	[tilespmem:s19+$0x630] =	vst v0  }
0x3b: {  	[tilespmem:s19+$0x620] =	vst v0  }
0x3c: {  	[tilespmem:s19+$0x600] =	vst v0  }
0x3d: {  	[tilespmem:s19+$0x610] =	vst v0  }
0x3e: {  	[spmem:s9] =	stream.linear.scatter [tilespmem:s31], [sflag:$0xA], $0xC00, $0x38;
	[tilespmem:$0x17240] =	vst v63  }
0x3f: {  	_ =	swait.ge [sflag:s30], $0xC00  }
0x40: {  	[sflag:s30] =	ssyncset.done $0x0  }
0x41: {  	s29 =	rddreg [dreg:$0x6];
	[sflag:s30] =	ssyncadd.s32 $0xFFFFF400  }
0x42: {  	[spmem:s29] =	stream.linear.scatter [tilespmem:s31], [sflag:$0xA], $0xC00, $0x38;
	[tilespmem:$0x17240] =	vst v63  }
0x43: {  	_ =	swait.ge [sflag:s30], $0xC00  }
0x44: {  	[sflag:s30] =	ssyncset.done $0x0  }
0x45: {  	s21 =	rddreg [dreg:$0x7];
	[sflag:s30] =	ssyncadd.s32 $0xFFFFF400  }
0x46: {  	[spmem:s21] =	stream.linear.scatter [tilespmem:s31], [sflag:$0xA], $0xC00, $0x38;
	[tilespmem:$0x17240] =	vst v63  }
0x47: {  	_ =	swait.ge [sflag:s30], $0xC00  }
0x48: {  	[sflag:s30] =	ssyncset.done $0x0  }
0x49: {  	s22 =	rddreg [dreg:$0x8];
	[sflag:s30] =	ssyncadd.s32 $0xFFFFF400  }
0x4a: {  	[spmem:s22] =	stream.linear.scatter [tilespmem:s31], [sflag:$0xA], $0xC00, $0x38;
	[tilespmem:$0x17240] =	vst v63  }
0x4b: {  	_ =	swait.ge [sflag:s30], $0xC00  }
0x4c: {  	[sflag:s30] =	ssyncset.done $0x0  }
0x4d: {  	s23 =	rddreg [dreg:$0x9];
	[sflag:s30] =	ssyncadd.s32 $0xFFFFF400  }
0x4e: {  	[spmem:s23] =	stream.linear.scatter [tilespmem:s31], [sflag:$0xA], $0xC00, $0x38;
	[tilespmem:$0x17240] =	vst v63  }
0x4f: {  	_ =	swait.ge [sflag:s30], $0xC00  }
0x50: {  	[sflag:s30] =	ssyncset.done $0x0  }
0x51: {  	s24 =	rddreg [dreg:$0xa];
	[sflag:s30] =	ssyncadd.s32 $0xFFFFF400  }
0x52: {  	[spmem:s24] =	stream.linear.scatter [tilespmem:s31], [sflag:$0xA], $0xC00, $0x38;
	[tilespmem:$0x17240] =	vst v63  }
0x53: {  	_ =	swait.ge [sflag:s30], $0xC00  }
0x54: {  	[sflag:s30] =	ssyncset.done $0x0  }
0x55: {  	s25 =	rddreg [dreg:$0xb];
	[sflag:s30] =	ssyncadd.s32 $0xFFFFF400  }
0x56: {  	[spmem:s25] =	stream.linear.scatter [tilespmem:s31], [sflag:$0xA], $0xC00, $0x38;
	[tilespmem:$0x17240] =	vst v63  }
0x57: {  	_ =	swait.ge [sflag:s30], $0xC00  }
0x58: {  	[sflag:s30] =	ssyncset.done $0x0  }
0x59: {  	s26 =	rddreg [dreg:$0xc];
	[sflag:s30] =	ssyncadd.s32 $0xFFFFF400  }
0x5a: {  	[spmem:s26] =	stream.linear.scatter [tilespmem:s31], [sflag:$0xA], $0xC00, $0x38;
	[tilespmem:$0x17240] =	vst v63  }
0x5b: {  	_ =	swait.ge [sflag:s30], $0xC00  }
0x5c: {  	[sflag:s30] =	ssyncset.done $0x0  }
0x5d: {  	s29 =	rddreg [dreg:$0xd];
	[sflag:s30] =	ssyncadd.s32 $0xFFFFF400  }
0x5e: {  	[spmem:s29] =	stream.linear.scatter [tilespmem:s31], [sflag:$0xA], $0xC00, $0x38;
	[tilespmem:$0x17240] =	vst v63  }
0x5f: {  	_ =	swait.ge [sflag:s30], $0xC00  }
0x60: {  	[sflag:s30] =	ssyncset.done $0x0  }
0x61: {  	s21 =	rddreg [dreg:$0xe];
	[sflag:s30] =	ssyncadd.s32 $0xFFFFF400  }
0x62: {  	[spmem:s21] =	stream.linear.scatter [tilespmem:s31], [sflag:$0xA], $0xC00, $0x38;
	[tilespmem:$0x17240] =	vst v63  }
0x63: {  	_ =	swait.ge [sflag:s30], $0xC00  }
0x64: {  	[sflag:s30] =	ssyncset.done $0x0  }
0x65: {  	s22 =	rddreg [dreg:$0xf];
	[sflag:s30] =	ssyncadd.s32 $0xFFFFF400  }
0x66: {  	[spmem:s22] =	stream.linear.scatter [tilespmem:s31], [sflag:$0xA], $0xC00, $0x38;
	[tilespmem:$0x17240] =	vst v63  }
0x67: {  	_ =	swait.ge [sflag:s30], $0xC00  }
0x68: {  	[sflag:s30] =	ssyncset.done $0x0  }
0x69: {  	s23 =	rddreg [dreg:$0x10];
	[sflag:s30] =	ssyncadd.s32 $0xFFFFF400  }
0x6a: {  	[spmem:s23] =	stream.linear.scatter [tilespmem:s31], [sflag:$0xA], $0xC00, $0x38;
	[tilespmem:$0x17240] =	vst v63  }
0x6b: {  	_ =	swait.ge [sflag:s30], $0xC00  }
0x6c: {  	[sflag:s30] =	ssyncset.done $0x0  }
0x6d: {  	s24 =	rddreg [dreg:$0x11];
	[sflag:s30] =	ssyncadd.s32 $0xFFFFF400  }
0x6e: {  	[spmem:s24] =	stream.linear.scatter [tilespmem:s31], [sflag:$0xA], $0xC00, $0x38;
	[tilespmem:$0x17240] =	vst v63  }
0x6f: {  	_ =	swait.ge [sflag:s30], $0xC00  }
0x70: {  	[sflag:s30] =	ssyncset.done $0x0  }
0x71: {  	s25 =	rddreg [dreg:$0x12];
	[sflag:s30] =	ssyncadd.s32 $0xFFFFF400  }
0x72: {  	[spmem:s25] =	stream.linear.scatter [tilespmem:s31], [sflag:$0xA], $0x400, $0x38;
	[tilespmem:$0x17240] =	vst v63  }
0x73: {  	_ =	swait.ge [sflag:s30], $0x400  }
0x74: {  	[sflag:s30] =	ssyncset.done $0x0  }
0x75: {  	s19 =	simm.s32 $0x0;
	s21 =	rddreg [dreg:$0x13];
	[sflag:s30] =	ssyncadd.s32 $0xFFFFFC00  }
0x76: {  	[tilespmem:s19], [sflag:$0xA] =	stream.linear.gather [hbm4b:s21+s19], $0x180, $0x38;
	[tilespmem:$0x17240] =	vst v63  }
0x77: {  	_ =	swait.ge [sflag:s30], $0x180  }
0x78: {  	[sflag:s30] =	ssyncset.done $0x0  }
0x79: {  	s22 =	simm.s32 $0x300;
	s26 =	rddreg [dreg:$0x14];
	[sflag:s30] =	ssyncadd.s32 $0xFFFFFE80  }
0x7a: {  	[tilespmem:s22], [sflag:$0xA] =	stream.linear.gather [hbm4b:s26+s19], $0x180, $0x38;
	[tilespmem:$0x17240] =	vst v63  }
0x7b: {  	_ =	swait.ge [sflag:s30], $0x180  }
0x7c: {  	[sflag:s30] =	ssyncset.done $0x0  }
0x7d: {  	[sflag:s30] =	ssyncadd.s32 $0xFFFFFE80  }
0x7e: {  	[bflag:$0x0] =	sbarrier.arrive $0xFFFF  }
0x7f: {  	[tilespmem:s31], [sflag:$0x1] =	stream.indirect.gather [spmem:s2], $0x40, s19, s1, $0xb8;
	[tilespmem:$0x17240] =	vst v63  }
0x80: {  	_ = 	snop  }
0x81: {  	[tilespmem:s0], [sflag:$0x2] =	stream.indirect.gather [spmem:s2], $0x40, s1, s1, $0xb8;
	[tilespmem:$0x17240] =	vst v63  }
0x82: {  	s28 =	smov.u32 s20;
	s29 =	simm.s32 $0x60  }
0x83: {  	[tilespmem:s7], [sflag:$0x3] =	stream.indirect.gather [spmem:s2], $0x40, s29, s1, $0xb8;
	[tilespmem:$0x17240] =	vst v63  }
.LBB2_4:
0x84: {  	s21 =	sand.u32 $0x1, s19;
	p0 =	seq.s32 s19, $0x1A  }
0x85: {  	s22 =	sxor.u32 @!p0 $0x1, s21  }
0x86: {  	s24 =	sshrl.u32 @!p0 s28, $0x3;
	s23 =	smul.u32 @!p0 $0x180, s22  }
0x87: {  	s26 =	simm.s32 @!p0 $0x0;
	s25 =	sadd.s32 @!p0 s5, s24  }
0x88: {  	[tilespmem:s23], [sflag:$0x9] =	stream.linear.gather @!p0 [hbm4b:s25+s26], $0x180, $0x38;
	[tilespmem:$0x17240] =	vst v63  }
0x89: {  	s24 =	sadd.s32 @!p0 s6, s24;
	s23 =	sadd.s32 @!p0 $0x300, s23  }
0x8a: {  	[tilespmem:s23], [sflag:$0x9] =	stream.linear.gather @!p0 [hbm4b:s24+s26], $0x180, $0x38;
	[tilespmem:$0x17240] =	vst v63  }
0x8b: {  	s23 =	smul.u32 $0x180, s21;
	_ =	swait.ge [sflag:s10], $0xC00  }
0x8c: {  	p1 =	seq.s32 s19, $0x0;
	[sflag:s10] =	ssyncset.done $0x0  }
0x8d: {  	s24 =	simm.s32 @!p1 $0x8;
	s25 =	sadd.s32 $0x300, s23;
	[sflag:s10] =	ssyncadd.s32 $0xFFFFF400  }
0x8e: {  	[spmem:s3] =	stream.indirect.scatter.add.f32 [tilespmem:s31], [sflag:$0x5], $0x40, s25, s1, $0xb8;
	[tilespmem:$0x17240] =	vst v63  }
0x8f: {  	_ =	swait.ge @!p1 [sflag:s24], $0xC00  }
0x90: {  	[sflag:s24] =	ssyncset.done @!p1 $0x0  }
0x91: {  	s26 =	sadd.s32 $0x90, s23;
	[sflag:s24] =	ssyncadd.s32 @!p1 $0xFFFFF400  }
0x92: {  	[tilespmem:s11], [sflag:$0x4] =	stream.indirect.gather [spmem:s2], $0x40, s26, s1, $0xb8;
	[tilespmem:$0x17240] =	vst v63  }
0x93: {  	_ =	swait.ge [sflag:s12], $0xC00  }
0x94: {  	[sflag:s12] =	ssyncset.done $0x0  }
0x95: {  	s29 =	sadd.s32 $0x330, s23;
	[sflag:s12] =	ssyncadd.s32 $0xFFFFF400  }
0x96: {  	[spmem:s3] =	stream.indirect.scatter.add.f32 [tilespmem:s0], [sflag:$0x6], $0x40, s29, s1, $0xb8;
	[tilespmem:$0x17240] =	vst v63  }
0x97: {  	_ =	swait.ge [sflag:s13], $0xC00  }
0x98: {  	[sflag:s13] =	ssyncset.done $0x0  }
0x99: {  	s25 =	sadd.s32 $0xC0, s23;
	[sflag:s13] =	ssyncadd.s32 $0xFFFFF400  }
0x9a: {  	[tilespmem:s31], [sflag:$0x1] =	stream.indirect.gather [spmem:s2], $0x40, s25, s1, $0xb8;
	[tilespmem:$0x17240] =	vst v63  }
0x9b: {  	_ =	swait.ge [sflag:s14], $0xC00  }
0x9c: {  	[sflag:s14] =	ssyncset.done $0x0  }
0x9d: {  	s26 =	sadd.s32 $0x360, s23;
	[sflag:s14] =	ssyncadd.s32 $0xFFFFF400  }
0x9e: {  	[spmem:s3] =	stream.indirect.scatter.add.f32 [tilespmem:s7], [sflag:$0x7], $0x40, s26, s1, $0xb8;
	[tilespmem:$0x17240] =	vst v63  }
0x9f: {  	_ =	swait.ge [sflag:s15], $0xC00  }
0xa0: {  	[sflag:s15] =	ssyncset.done $0x0  }
0xa1: {  	s29 =	sadd.s32 $0xF0, s23;
	[sflag:s15] =	ssyncadd.s32 $0xFFFFF400  }
0xa2: {  	[tilespmem:s0], [sflag:$0x2] =	stream.indirect.gather [spmem:s2], $0x40, s29, s1, $0xb8;
	[tilespmem:$0x17240] =	vst v63  }
0xa3: {  	_ =	swait.ge [sflag:s16], $0xC00  }
0xa4: {  	[sflag:s16] =	ssyncset.done $0x0  }
0xa5: {  	s25 =	sadd.s32 $0x390, s23;
	[sflag:s16] =	ssyncadd.s32 $0xFFFFF400  }
0xa6: {  	[spmem:s3] =	stream.indirect.scatter.add.f32 [tilespmem:s11], [sflag:$0x8], $0x40, s25, s1, $0xb8;
	[tilespmem:$0x17240] =	vst v63  }
0xa7: {  	_ =	swait.ge [sflag:s17], $0xC00  }
0xa8: {  	[sflag:s17] =	ssyncset.done $0x0  }
0xa9: {  	s24 =	sadd.s32 $0x120, s23;
	[sflag:s17] =	ssyncadd.s32 $0xFFFFF400  }
0xaa: {  	[tilespmem:s7], [sflag:$0x3] =	stream.indirect.gather [spmem:s2], $0x40, s24, s1, $0xb8;
	[tilespmem:$0x17240] =	vst v63  }
0xab: {  	_ =	swait.ge [sflag:s10], $0xC00  }
0xac: {  	[sflag:s10] =	ssyncset.done $0x0  }
0xad: {  	s26 =	sadd.s32 $0x3C0, s23;
	[sflag:s10] =	ssyncadd.s32 $0xFFFFF400  }
0xae: {  	[spmem:s3] =	stream.indirect.scatter.add.f32 [tilespmem:s31], [sflag:$0x5], $0x40, s26, s1, $0xb8;
	[tilespmem:$0x17240] =	vst v63  }
0xaf: {  	_ =	swait.ge [sflag:s18], $0xC00  }
0xb0: {  	[sflag:s18] =	ssyncset.done $0x0  }
0xb1: {  	s25 =	sadd.s32 $0x150, s23;
	[sflag:s18] =	ssyncadd.s32 $0xFFFFF400  }
0xb2: {  	[tilespmem:s11], [sflag:$0x4] =	stream.indirect.gather [spmem:s2], $0x40, s25, s1, $0xb8;
	[tilespmem:$0x17240] =	vst v63  }
0xb3: {  	_ =	swait.ge [sflag:s12], $0xC00  }
0xb4: {  	[sflag:s12] =	ssyncset.done $0x0  }
0xb5: {  	s23 =	sadd.s32 $0x3F0, s23;
	[sflag:s12] =	ssyncadd.s32 $0xFFFFF400  }
0xb6: {  	[spmem:s3] =	stream.indirect.scatter.add.f32 [tilespmem:s0], [sflag:$0x6], $0x40, s23, s1, $0xb8;
	[tilespmem:$0x17240] =	vst v63  }
0xb7: {  	_ =	swait.ge [sflag:s13], $0xC00  }
0xb8: {  	[sflag:s13] =	ssyncset.done $0x0  }
0xb9: {  	s23 =	simm.s32 @p0 $0x3;
	[sflag:s13] =	ssyncadd.s32 $0xFFFFF400  }
0xba: {  	_ =	swait.ge @p0 [sflag:s23], $0xC00  }
0xbb: {  	s29 =	simm.s32 @p0 $0x1E00;
	[sflag:s23] =	ssyncset.done @p0 $0x0  }
0xbc: {  	s26 =	simm.s32 @p0 $0x30;
	[sflag:s23] =	ssyncadd.s32 @p0 $0xFFFFF400;
	s23 =	sadd.s32 @p0 $0x300, s24  }
0xbd: {  	[spmem:s3] =	stream.indirect.scatter.add.f32 @p0 [tilespmem:s29], [sflag:$0x7], $0x40, s23, s26, $0xb8;
	[tilespmem:$0x17240] =	vst v63  }
0xbe: {  	s23 =	simm.s32 @p0 $0x6  }
0xbf: {  	_ =	swait.ge @p0 [sflag:s23], $0xC00  }
0xc0: {  	[sflag:s23] =	ssyncset.done @p0 $0x0  }
0xc1: {  	[sflag:s23] =	ssyncadd.s32 @p0 $0xFFFFF400;
	s23 =	simm.s32 @!p0 $0x9  }
0xc2: {  	_ =	swait.ge @!p0 [sflag:s23], $0x180  }
0xc3: {  	[sflag:s23] =	ssyncset.done @!p0 $0x0  }
0xc4: {  	s22 =	smul.u32 @!p0 $0x600, s22;
	[sflag:s23] =	ssyncadd.s32 @!p0 $0xFFFFFE80  }
0xc5: {  	_ =	swait.ge @!p0 [sflag:s23], $0x180  }
0xc6: {  	s22 =	sshrl.u32 @!p0 s22, $0x2;
	[sflag:s23] =	ssyncset.done @!p0 $0x0  }
0xc7: {  	s26 =	simm.s32 @!p0 $0x600;
	[sflag:s23] =	ssyncadd.s32 @!p0 $0xFFFFFE80;
	s23 =	simm.s32 @!p0 $0x30  }
0xc8: {  	[tilespmem:s26], [sflag:$0x1] =	stream.indirect.gather @!p0 [spmem:s2], $0x40, s22, s23, $0xb8;
	[tilespmem:$0x17240] =	vst v63  }
0xc9: {  	s26 =	simm.s32 @!p0 $0x3  }
0xca: {  	_ =	swait.ge @!p0 [sflag:s26], $0xC00  }
0xcb: {  	[sflag:s26] =	ssyncset.done @!p0 $0x0  }
0xcc: {  	s24 =	sadd.s32 @!p0 $0x300, s24;
	[sflag:s26] =	ssyncadd.s32 @!p0 $0xFFFFF400;
	s26 =	simm.s32 @!p0 $0x1E00  }
0xcd: {  	[spmem:s3] =	stream.indirect.scatter.add.f32 @!p0 [tilespmem:s26], [sflag:$0x7], $0x40, s24, s23, $0xb8;
	[tilespmem:$0x17240] =	vst v63  }
0xce: {  	s24 =	simm.s32 @!p0 $0x6  }
0xcf: {  	_ =	swait.ge @!p0 [sflag:s24], $0xC00  }
0xd0: {  	[sflag:s24] =	ssyncset.done @!p0 $0x0  }
0xd1: {  	s22 =	sor.u32 @!p0 $0x30, s22;
	[sflag:s24] =	ssyncadd.s32 @!p0 $0xFFFFF400;
	s24 =	simm.s32 @!p0 $0x1200  }
0xd2: {  	[tilespmem:s24], [sflag:$0x2] =	stream.indirect.gather @!p0 [spmem:s2], $0x40, s22, s23, $0xb8;
	[tilespmem:$0x17240] =	vst v63  }
0xd3: {  	_ =	swait.ge [sflag:s16], $0xC00  }
0xd4: {  	[sflag:s16] =	ssyncset.done $0x0  }
.Ltmp3:
0xd5: {  	s29 =	sadd.s32 $0x300, s25;
	[sflag:s16] =	ssyncadd.s32 $0xFFFFF400;
	(pc) =	sbr.rel @p0 .LBB2_6-.Ltmp3, $4  }
0xd6: {  	[spmem:s3] =	stream.indirect.scatter.add.f32 [tilespmem:s11], [sflag:$0x8], $0x40, s29, s1, $0xb8;
	[tilespmem:$0x17240] =	vst v63  }
0xd7: {  	_ =	swait.ge [sflag:s17], $0xC00  }
0xd8: {  	[sflag:s17] =	ssyncset.done $0x0  }
0xd9: {  	[sflag:s17] =	ssyncadd.s32 $0xFFFFF400  }
0xda: {  	s21 =	sxor.u32 $0x1, s21  }
0xdb: {  	s21 =	smul.u32 $0x600, s21  }
.Ltmp4:
0xdc: {  	_ = 	snop;
	(pc) =	sbr.rel .LBB2_4-.Ltmp4, $4  }
0xdd: {  	_ = 	snop  }
0xde: {  	s21 =	sshrl.u32 s21, $0x2  }
0xdf: {  	s19 =	sadd.s32 $0x1, s19;
	s28 =	sadd.s32 $0x180, s28;
	s21 =	sor.u32 $0x60, s21  }
0xe0: {  	[tilespmem:s7], [sflag:$0x3] =	stream.indirect.gather [spmem:s2], $0x40, s21, s1, $0xb8;
	[tilespmem:$0x17240] =	vst v63  }
.LBB2_7:
0xe1: {  	_ =	sfence.sel $0x180000  }
0xe2: {  	[bflag:$0x0] =	sbarrier.arrive $0xFFFF  }
0xe3: {  	_ =	strace $0x9000004D  }
0xe4: {  	s0 =	stileid.u32;
	[bflag:$0x2] =	sbarrier.arrive $0xFFFF  }
0xe5: {  	p0 =	sne.s32 s0, $0x0;
	s0 =	rddreg [dreg:$0x4]  }
0xe6: {  	s0 =	sadd.s32 @!p0 $0x100000, s0  }
0xe7: {  	[sflag:s0] =	ssyncadd.tile.s32 @!p0 $0x1;
	_ =	shalt  }
.Lfunc_end2:
_tile_overlayer_lowered:
.L_overlay_start_2:
0xe8: {  	(tag) =	ssettag $0x2  }
0xe9: {  	s0 =	rddreg [dreg:$0x0];
	s2 =	stileid.u32  }
0xea: {  	s1 =	rddreg [dreg:$0x1];
	p0 =	sne.s32 s2, $0x0  }
0xeb: {  	s3 =	rddreg [dreg:$0x2];
	[bflag:$0x3] =	sbarrier.arrive $0xFFFF;
	s2 =	simm.s32 @!p0 $0x1C0A  }
0xec: {  	[timem:s3], [sflag:s2] =	dma.local @!p0 [hbm:s0], s1  }
0xed: {  	s0 =	simm.s32 @!p0 $0xA  }
0xee: {  	_ =	swait.ge @!p0 [sflag:s0], s1  }
0xef: {  	s1 =	ssub.s32 @!p0 $0x0, s1;
	[sflag:s0] =	ssyncset.done @!p0 $0x0  }
0xf0: {  	[sflag:s0] =	ssyncadd.s32 @!p0 s1  }
0xf1: {  	[bflag:$0x3] =	sbarrier.arrive $0xFFFF  }
0xf2: {  	_ =	shalt  }

// kernel: kernel.8.cloned.1.call-start
scs
__scs_entry_jumppad:
0x0: {  	(pc) =	sbr.rel $0x88, $3  }
0x1: {  	(tag) =	ssettag $0x0;
	lr =	simm.s32 $0x1  }
0x2: {  	[smem:$0x3F9B] =	sst lr;
	_ =	strace $0xD0000000  }
0x3: {  	_ = 	snop  }
0x4: {  	_ = 	snop  }
0x5: {  	_ = 	snop  }
0x6: {  	_ = 	snop  }
0x7: {  	_ = 	snop  }
__scs_overlays_trampoline_lowered:
0x8: {  	[smem:$0x3FAA] =	sst s0  }
0x9: {  	[smem:$0x3FAB] =	sst s1  }
0xa: {  	[smem:$0x3FAC] =	sst s2  }
0xb: {  	[smem:$0x3FAD] =	sst s3  }
0xc: {  	[smem:$0x3FAE] =	sst s4  }
0xd: {  	[smem:$0x3FAF] =	sst s5  }
0xe: {  	[smem:$0x3FB0] =	sst s6  }
0xf: {  	[smem:$0x3FB1] =	sst s7  }
0x10: {  	[smem:$0x3FB2] =	sst s8  }
0x11: {  	[smem:$0x3FB3] =	sst s9;
	s0 =	simm.s32 @!p0 $0x0  }
0x12: {  	s1 =	sld [smem:$0x3F99];
	s0 =	simm.s32 @p0 $0x1  }
0x13: {  	[smem:$0x3FB4] =	sst s0;
	s0 =	simm.s32 @!p1 $0x0  }
0x14: {  	s2 =	sld [smem:$0x3F98];
	s0 =	simm.s32 @p1 $0x1  }
0x15: {  	[smem:$0x3FB5] =	sst s0;
	s0 =	simm.s32 @!p2 $0x0  }
0x16: {  	s3 =	sld [smem:$0x3FDB];
	s0 =	simm.s32 @p2 $0x1  }
0x17: {  	s4 =	simm.s32 $0x1BF5;
	[smem:$0x3FB7] =	sst s0  }
0x18: {  	s0 =	sld [smem:$0x3F9A];
	_ =	swait.ge [sflag:s4], $0x0  }
0x19: {  	s7 =	sld [smem:$0x3F9B]  }
0x1a: {  	s8 =	sadd.s32 $0xFFFFE003, lr  }
0x1b: {  	s9 =	sadd.s32 $0xFFFFFEF7, lr;
	s5 =	simm.s32 $0xFFFFFFFF;
	p2 =	slt.u32 s8, $0xFFFFF086  }
0x1c: {  	p1 =	slt.u32 s9, $0xF7A;
	s5 =	simm.s32 @!p2 $0x0  }
0x1d: {  	s5 =	simm.s32 @p1 $0x1;
	p0 =	seq.s32 s7, s2  }
0x1e: {  	s7 =	smul.u32 @!p0 $0xF7A, s2;
	p2 =	seq.s32 @!p0 s5, $0x0  }
0x1f: {  	s9 =	smul.u32 $0xF7A, s1;
	s8 =	simm.s32 @!p0 $0x1BF5;
	p2 =	por !p2, p0  }
0x20: {  	[sflag:s8] =	ssyncset.s32 @!p0 $0xFFFFF086;
	s6 =	sadd.s32 @!p0 s3, s7;
	s7 =	simm.s32 @!p0 $0x108  }
0x21: {  	s3 =	sadd.s32 s3, s9;
	s6 =	sadd.s32 @!p0 $0x88, s6;
	s7 =	simm.s32 @p2 $0x1082  }
0x22: {  	[simem:s7], [sflag:s8] =	dma.local @!p0 [hbm:s6], $0xF7A  }
0x23: {  	s9 =	sor.u32 $0xD0000000, s2;
	s6 =	simm.s32 $0x108;
	_ =	swait.ge @!p0 [sflag:s8], $0x0  }
0x24: {  	s3 =	sadd.s32 $0x88, s3;
	s6 =	simm.s32 @!p1 $0x1082;
	[sflag:s4] =	ssyncset.s32 $0xFFFFF086  }
0x25: {  	[simem:s6], [sflag:s4] =	dma.local [hbm:s3], $0xF7A  }
0x26: {  	[smem:$0x3F9B] =	sst s1;
	(tag) =	ssettag s2;
	_ =	strace s9  }
0x27: {  	s1 =	sld [smem:$0x3FAB]  }
0x28: {  	s2 =	sld [smem:$0x3FAC]  }
0x29: {  	s4 =	sld [smem:$0x3FAE]  }
0x2a: {  	p0 =	seq.s32 s5, $0x0;
	s5 =	sld [smem:$0x3FAF]  }
0x2b: {  	s6 =	sld [smem:$0x3FB0]  }
0x2c: {  	s7 =	sld [smem:$0x3FB1]  }
0x2d: {  	s3 =	simm.s32 $0x108;
	s8 =	sld [smem:$0x3FB2]  }
0x2e: {  	s3 =	simm.s32 @!p0 $0x1082;
	s9 =	sld [smem:$0x3FB3]  }
0x2f: {  	lr =	sadd.s32 s0, s3;
	s0 =	sld [smem:$0x3FAA]  }
0x30: {  	s3 =	sld [smem:$0x3FAD]  }
0x31: {  	[smem:$0x3FB6] =	sst s10  }
0x32: {  	s10 =	sld [smem:$0x3FB4];
	_ =	sdelay $0x3  }
0x33: {  	p0 =	seq.s32 s10, $0x1;
	s10 =	sld [smem:$0x3FB6];
	_ =	sdelay $0x3  }
0x34: {  	[smem:$0x3FB6] =	sst s10  }
0x35: {  	s10 =	sld [smem:$0x3FB5];
	_ =	sdelay $0x3  }
0x36: {  	p1 =	seq.s32 s10, $0x1;
	s10 =	sld [smem:$0x3FB6];
	_ =	sdelay $0x3  }
0x37: {  	[smem:$0x3FB6] =	sst s10  }
0x38: {  	s10 =	sld [smem:$0x3FB7]  }
0x39: {  	_ = 	snop;
	(pc) =	sbr.ind lr, $3  }
0x3a: {  	_ = 	snop  }
0x3b: {  	_ = 	snop  }
0x3c: {  	p2 =	seq.s32 s10, $0x1;
	s10 =	sld [smem:$0x3FB6]  }
0x3d: {  	_ =	shalt  }
0x3e: {  	_ =	shalt  }
0x3f: {  	_ =	shalt  }
0x40: {  	_ =	shalt  }
0x41: {  	_ =	shalt  }
0x42: {  	_ =	shalt  }
0x43: {  	_ =	shalt  }
0x44: {  	_ =	shalt  }
0x45: {  	_ =	shalt  }
0x46: {  	_ =	shalt  }
0x47: {  	_ =	shalt  }
0x48: {  	_ =	shalt  }
0x49: {  	_ =	shalt  }
0x4a: {  	_ =	shalt  }
0x4b: {  	_ =	shalt  }
0x4c: {  	_ =	shalt  }
0x4d: {  	_ =	shalt  }
0x4e: {  	_ =	shalt  }
0x4f: {  	_ =	shalt  }
0x50: {  	_ =	shalt  }
0x51: {  	_ =	shalt  }
0x52: {  	_ =	shalt  }
0x53: {  	_ =	shalt  }
0x54: {  	_ =	shalt  }
0x55: {  	_ =	shalt  }
0x56: {  	_ =	shalt  }
0x57: {  	_ =	shalt  }
0x58: {  	_ =	shalt  }
0x59: {  	_ =	shalt  }
0x5a: {  	_ =	shalt  }
0x5b: {  	_ =	shalt  }
0x5c: {  	_ =	shalt  }
0x5d: {  	_ =	shalt  }
0x5e: {  	_ =	shalt  }
0x5f: {  	_ =	shalt  }
0x60: {  	_ =	shalt  }
0x61: {  	_ =	shalt  }
0x62: {  	_ =	shalt  }
0x63: {  	_ =	shalt  }
0x64: {  	_ =	shalt  }
0x65: {  	_ =	shalt  }
0x66: {  	_ =	shalt  }
0x67: {  	_ =	shalt  }
0x68: {  	_ =	shalt  }
0x69: {  	_ =	shalt  }
0x6a: {  	_ =	shalt  }
0x6b: {  	_ =	shalt  }
0x6c: {  	_ =	shalt  }
0x6d: {  	_ =	shalt  }
0x6e: {  	_ =	shalt  }
0x6f: {  	_ =	shalt  }
0x70: {  	_ =	shalt  }
0x71: {  	_ =	shalt  }
0x72: {  	_ =	shalt  }
0x73: {  	_ =	shalt  }
0x74: {  	_ =	shalt  }
0x75: {  	_ =	shalt  }
0x76: {  	_ =	shalt  }
0x77: {  	_ =	shalt  }
0x78: {  	_ =	shalt  }
0x79: {  	_ =	shalt  }
0x7a: {  	_ =	shalt  }
0x7b: {  	_ =	shalt  }
0x7c: {  	_ =	shalt  }
0x7d: {  	_ =	shalt  }
0x7e: {  	_ =	shalt  }
0x7f: {  	_ =	shalt  }
0x80: {  	_ =	shalt  }
0x81: {  	_ =	shalt  }
0x82: {  	_ =	shalt  }
0x83: {  	_ =	shalt  }
0x84: {  	_ =	shalt  }
0x85: {  	_ =	shalt  }
0x86: {  	_ =	shalt  }
0x87: {  	_ =	shalt  }
.Lfunc_end0:
.L_simem_size_0:
called_computation_lowered:
.L_overlay_start_0:
0x88: {  	s2 =	sld [smem:$0x3FD9]  }
0x89: {  	s3 =	sld [smem:$0x3FFE];
	_ =	sdelay $0x1  }
0x8a: {  	s1 =	srdreg.scid  }
0x8b: {  	s0 =	sand.u32 $0x1, s1  }
0x8c: {  	s17 =	sshll.u32 s0, $0xA;
	s2 =	sadd.s32 s3, s2  }
0x8d: {  	s2 =	sadd.s32 s2, s17  }
0x8e: {  	[smem:$0x3FC2] =	sst s2  }
0x8f: {  	_ = 	snop  }
0x90: {  	s2 =	sld [smem:$0x3FD0];
	(tm) =	ssettm $0x1  }
0x91: {  	s18 =	sld [smem:$0x3FFB];
	_ =	sdelay $0x3  }
0x92: {  	_ =	strace s18  }
0x93: {  	s3 =	sld [smem:$0x3FFC];
	_ =	sdelay $0x3  }
0x94: {  	_ =	strace s3  }
0x95: {  	s3 =	sld [smem:$0x3FFD];
	_ =	sdelay $0x3  }
0x96: {  	_ =	strace s3  }
0x97: {  	_ =	strace $0x8FFFFFFF  }
0x98: {  	s19 =	sld [smem:$0x3FDB];
	_ =	sdelay $0x1  }
0x99: {  	s4 =	simm.s32 $_scs_section_size  }
0x9a: {  	s5 =	simm.s32 $_size__tile_overlayer_lowered;
	s6 =	simm.s32 $_tile_overlayer_lowered  }
0x9b: {  	s22 =	simm.s32 $0x1BFF;
	s21 =	sshll.u32 s6, $0x1;
	s3 =	sadd.s32 s4, s19  }
0x9c: {  	s7 =	simm.s32 $0x0;
	s20 =	sshll.u32 s5, $0x1;
	s5 =	sadd.s32 s21, s3  }
0x9d: {  	[timem:s7], [sflag:s22] =	dma.local [hbm:s5], s20  }
0x9e: {  	_ =	swait.ge [sflag:s22], s20  }
0x9f: {  	s4 =	ssub.s32 $0x0, s20;
	[sflag:s22] =	ssyncset.done $0x0  }
0xa0: {  	[sflag:s22] =	ssyncadd.s32 s4;
	_ =	sdelay $0x1  }
0xa1: {  	s23 =	simm.s32 $0x1B8B  }
0xa2: {  	_ =	swait.ge [sflag:s23], $0x1  }
0xa3: {  	[sflag:s23] =	ssyncset.done $0x0  }
0xa4: {  	s25 =	simm.s32 $0x1B8E;
	s24 =	sld [smem:$0x3FFE];
	[sflag:s23] =	ssyncadd.s32 $0xFFFFFFFF  }
0xa5: {  	s26 =	simm.s32 $execute0_lowered;
	[smem:$0x3FD2] =	sst s25  }
0xa6: {  	s5 =	sshll.u32 s26, $0x1;
	_ =	strace $0x80000046;
	[dreg:$0x1] =	wrdreg $0xFFFFFFFF  }
0xa7: {  	s28 =	simm.s32 $_size_execute0_lowered;
	s3 =	sadd.s32 s3, s5;
	[dreg:$0x0] =	wrdreg $0x0  }
0xa8: {  	s5 =	sshll.u32 s28, $0x1;
	[dreg:$0x2] =	wrdreg s3  }
0xa9: {  	[dreg:$0x3] =	wrdreg s5  }
0xaa: {  	[dreg:$0x4] =	wrdreg $0xC0  }
0xab: {  	_ =	task [dreg:s7], $0x5FFFF  }
0xac: {  	[dreg:$0x1] =	wrdreg $0xFFFFFFFF  }
0xad: {  	[dreg:$0x0] =	wrdreg $0x60  }
0xae: {  	[dreg:$0x2] =	wrdreg s2  }
0xaf: {  	[dreg:$0x3] =	wrdreg s24  }
0xb0: {  	[dreg:$0x4] =	wrdreg $0x2F000  }
0xb1: {  	[dreg:$0x5] =	wrdreg $0x9  }
0xb2: {  	_ =	task.clear_ibuf [dreg:s7], $0x6FFFF;
	_ =	strace $0x90000046  }
0xb3: {  	s29 =	simm.s32 $0x9;
	_ =	strace $0x80000048  }
0xb4: {  	_ =	swait.ge [sflag:s29], $0x1  }
0xb5: {  	[sflag:s29] =	ssyncadd.s32 $0xFFFFFFFF  }
0xb6: {  	_ =	strace $0x90000048  }
0xb7: {  	_ =	sfence  }
0xb8: {  	s30 =	sld [smem:$0x0];
	_ =	sdelay $0x2  }
0xb9: {  	s31 =	sshll.u32 s1, $0xD;
	s1 =	sshrl.u32 s1, $0x2  }
0xba: {  	s3 =	sand.u32 $0x4000, s31;
	s1 =	sadd.s32 s1, s30  }
0xbb: {  	s0 =	sor.u32 s3, s0;
	s1 =	sshll.u32 s1, $0x11  }
0xbc: {  	s0 =	sor.u32 s1, s0  }
0xbd: {  	s0 =	sadd.s32 $0x8F2B, s0  }
0xbe: {  	[sflag:s0] =	ssyncadd.remote.s32 $0x1  }
0xbf: {  	_ =	sfence.sel $0xFFFF  }
0xc0: {  	[dreg:$0x0] =	wrdreg $0xFFFFFFFF;
	(pc) =	sbr.abs _section_cstart, $3  }
0xc1: {  	[dreg:$0x1] =	wrdreg $0xFFFFFFFF  }
0xc2: {  	_ =	task.clear_ibuf [dreg:s7], $0x2FFFF;
	_ =	strace $0x9FFFFFFF  }
0xc3: {  	(tm) =	ssettm $0x7FFFFFFF  }
tec
execute0_lowered:
.L_overlay_start_1:
0x0: {  	(tag) =	ssettag $0x1  }
0x1: {  	s5 =	rddreg [dreg:$0x0]  }
0x2: {  	s4 =	rddreg [dreg:$0x1]  }
0x3: {  	s2 =	rddreg [dreg:$0x2]  }
0x4: {  	s0 =	rddreg [dreg:$0x3];
	s3 =	simm.s32 $0x0;
	s6 =	srdreg.scid  }
0x5: {  	s1 =	stileid.u32;
	s11 =	simm.s32 $0x2C00;
	s12 =	simm.s32 $0x1  }
0x6: {  	s13 =	simm.s32 $0x2;
	s16 =	simm.s32 $0x20;
	s17 =	simm.s32 $0x10  }
0x7: {  	s18 =	simm.s32 $0x0;
	[smem:$0x7FF] =	sst s3;
	s7 =	smul.u32 $0x500, s1  }
0x8: {  	s6 =	sand.u32 $0x1, s6;
	s30 =	sshll.u32 s1, $0x1;
	s9 =	smul.u32 $0xA00, s1  }
0x9: {  	s14 =	sshll.u32 s1, $0x6;
	_ =	strace $0x80000047;
	s8 =	sshll.u32 s6, $0x7  }
0xa: {  	s10 =	ssub.s32 $0x2, s6;
	s6 =	sor.u32 s6, s30;
	s14 =	sor.u32 $0x1C03, s14  }
0xb: {  	s7 =	sor.u32 s8, s7;
	s31 =	sshrl.u32 s10, $0x1;
	s9 =	sshrl.u32 s9, $0x2  }
0xc: {  	s6 =	smul.u32 $0x580, s6;
	s7 =	sshrl.u32 s7, $0x3;
	s8 =	ssub.s32 s10, s31  }
0xd: {  	s10 =	simm.s32 $0x80;
	s7 =	sadd.s32 s7, s4;
	s4 =	sadd.s32 s9, s2  }
0xe: {  	s5 =	sadd.s32 s5, s6;
	s9 =	simm.s32 $0x3;
	s6 =	sadd.s32 $0x16E00, s7  }
0xf: {  	v0 =	vimm.f32 $0.0e+00;
	v1 =	vimm.f32 $1.000000000e+00;
	s7 =	smax.u32 s8, $0x1;
	s8 =	simm.s32 $0x2C80;
	s15 =	sshrl.u32 s4, $0x3  }
.LBB2_1:
0x10: {  	[tilespmem:$0x2C80] =	vst v0  }
0x11: {  	[tilespmem:$0x2C90] =	vst v0  }
0x12: {  	[tilespmem:$0x2CA0] =	vst v0  }
0x13: {  	[tilespmem:$0x2CB0] =	vst v0  }
0x14: {  	[tilespmem:$0x2CC0] =	vst v0  }
0x15: {  	[tilespmem:$0x2CD0] =	vst v0  }
0x16: {  	[tilespmem:$0x2CE0] =	vst v0  }
0x17: {  	[tilespmem:$0x2CF0] =	vst v0  }
0x18: {  	[tilespmem:$0x2D00] =	vst v0  }
0x19: {  	[tilespmem:$0x2D10] =	vst v0  }
0x1a: {  	[tilespmem:$0x2D20] =	vst v0  }
0x1b: {  	[tilespmem:$0x2D30] =	vst v0  }
0x1c: {  	[tilespmem:$0x2D40] =	vst v0  }
0x1d: {  	[tilespmem:$0x2D50] =	vst v0  }
0x1e: {  	[tilespmem:$0x2D60] =	vst v0  }
0x1f: {  	[tilespmem:$0x2D70] =	vst v0  }
0x20: {  	[tilespmem:$0x2D80] =	vst v0  }
0x21: {  	[tilespmem:$0x2D90] =	vst v0  }
0x22: {  	[tilespmem:$0x2DA0] =	vst v0  }
0x23: {  	[tilespmem:$0x2DB0] =	vst v0  }
0x24: {  	[tilespmem:$0x2DC0] =	vst v0  }
0x25: {  	[tilespmem:$0x2DD0] =	vst v0  }
0x26: {  	[tilespmem:$0x2DE0] =	vst v0  }
0x27: {  	[tilespmem:$0x2DF0] =	vst v0  }
0x28: {  	[tilespmem:$0x2E00] =	vst v0  }
0x29: {  	[tilespmem:$0x2E10] =	vst v0  }
0x2a: {  	[tilespmem:$0x2E20] =	vst v0  }
0x2b: {  	[tilespmem:$0x2E30] =	vst v0  }
0x2c: {  	[tilespmem:$0x2E40] =	vst v0  }
0x2d: {  	[tilespmem:$0x2E50] =	vst v0  }
0x2e: {  	[tilespmem:$0x2E60] =	vst v0  }
0x2f: {  	[tilespmem:$0x2E70] =	vst v0  }
0x30: {  	[tilespmem:$0x2E80] =	vst v0  }
0x31: {  	[tilespmem:$0x2E90] =	vst v0  }
0x32: {  	[tilespmem:$0x2EA0] =	vst v0  }
0x33: {  	[tilespmem:$0x2EB0] =	vst v0  }
0x34: {  	[tilespmem:$0x2EC0] =	vst v0  }
0x35: {  	[tilespmem:$0x2ED0] =	vst v0  }
0x36: {  	[tilespmem:$0x2EE0] =	vst v0  }
0x37: {  	[tilespmem:$0x2EF0] =	vst v0  }
0x38: {  	[tilespmem:$0x2C00] =	vst v1  }
0x39: {  	[tilespmem:$0x2C10] =	vst v1  }
0x3a: {  	[tilespmem:$0x2C20] =	vst v1  }
0x3b: {  	[tilespmem:$0x2C30] =	vst v1  }
0x3c: {  	[tilespmem:$0x2C40] =	vst v1  }
0x3d: {  	[tilespmem:$0x2C50] =	vst v1  }
0x3e: {  	[tilespmem:$0x2C60] =	vst v1  }
0x3f: {  	[tilespmem:$0x2C70] =	vst v1  }
0x40: {  	[spmem:s4] =	stream.linear.scatter [tilespmem:s8], [sflag:$0x3], $0x280, $0x38;
	[tilespmem:$0x3180] =	vst v63  }
0x41: {  	_ =	swait.ge [sflag:s9], $0x280  }
0x42: {  	[sflag:s9] =	ssyncset.done $0x0  }
0x43: {  	[sflag:s9] =	ssyncadd.s32 $0xFFFFFD80  }
0x44: {  	[tilespmem:s3], [sflag:$0x3] =	stream.linear.gather [hbm4b:s5+s3], $0x2880, $0x38;
	[tilespmem:$0x3180] =	vst v63  }
0x45: {  	_ =	swait.ge [sflag:s9], $0x2880  }
0x46: {  	[sflag:s9] =	ssyncset.done $0x0  }
0x47: {  	[sflag:s9] =	ssyncadd.s32 $0xFFFFD780  }
0x48: {  	[bflag:$0x0] =	sbarrier.arrive $0xFFFF  }
0x49: {  	[spmem:s2] =	stream.indirect.scatter.add.f32 [tilespmem:s11], [sflag:$0x1], $0x1, s3, s10, $0xb8;
	[tilespmem:$0x3180] =	vst v63  }
0x4a: {  	s19 =	simm.s32 $0x80  }
0x4b: {  	[spmem:s2] =	stream.indirect.scatter.add.f32 [tilespmem:s11], [sflag:$0x2], $0x1, s19, s10, $0xb8;
	[tilespmem:$0x3180] =	vst v63  }
0x4c: {  	_ =	swait.ge [sflag:s12], $0x80  }
0x4d: {  	[sflag:s12] =	ssyncset.done $0x0  }
0x4e: {  	s31 =	simm.s32 $0x100;
	[sflag:s12] =	ssyncadd.s32 $0xFFFFFF80  }
0x4f: {  	[spmem:s2] =	stream.indirect.scatter.add.f32 [tilespmem:s11], [sflag:$0x1], $0x1, s31, s10, $0xb8;
	[tilespmem:$0x3180] =	vst v63  }
0x50: {  	_ =	swait.ge [sflag:s13], $0x80  }
0x51: {  	s20 =	simm.s32 $0xFFFF6800;
	s19 =	simm.s32 $0xFFFFD900;
	[sflag:s13] =	ssyncset.done $0x0  }
.LBB2_2:
0x52: {  	s21 =	sadd.s32 $0x2880, s19  }
0x53: {  	[sflag:s13] =	ssyncadd.s32 $0xFFFFFF80;
	s22 =	smov.u32 s20;
	s23 =	sadd.s32 $0x400, s20  }
0x54: {  	[spmem:s2] =	stream.indirect.scatter.add.f32 [tilespmem:s11], [sflag:$0x2], $0x1, s21, s10, $0xb8;
	[tilespmem:$0x3180] =	vst v63  }
0x55: {  	p0 =	sne.s32 s20, $0xFFFFFC00;
	_ =	swait.ge [sflag:s12], $0x80  }
.Ltmp0:
0x56: {  	[sflag:s12] =	ssyncset.done $0x0;
	(pc) =	sbr.rel @p0 .LBB2_2-.Ltmp0, $4  }
0x57: {  	s19 =	sadd.s32 $0x2900, s19;
	[sflag:s12] =	ssyncadd.s32 $0xFFFFFF80  }
0x58: {  	[spmem:s2] =	stream.indirect.scatter.add.f32 [tilespmem:s11], [sflag:$0x1], $0x1, s19, s10, $0xb8;
	[tilespmem:$0x3180] =	vst v63  }
0x59: {  	_ =	swait.ge [sflag:s13], $0x80  }
0x5a: {  	s20 =	smov.u32 s23;
	s19 =	sshra.s32 s22, $0x2;
	[sflag:s13] =	ssyncset.done $0x0  }
0x5b: {  	s20 =	sadd.s32 $0x2880, s19;
	[sflag:s13] =	ssyncadd.s32 $0xFFFFFF80  }
0x5c: {  	[spmem:s2] =	stream.indirect.scatter.add.f32 [tilespmem:s11], [sflag:$0x2], $0x1, s20, s10, $0xb8;
	[tilespmem:$0x3180] =	vst v63  }
0x5d: {  	_ =	swait.ge [sflag:s12], $0x80  }
0x5e: {  	[sflag:s12] =	ssyncset.done $0x0  }
0x5f: {  	s31 =	sadd.s32 $0x2900, s19;
	[sflag:s12] =	ssyncadd.s32 $0xFFFFFF80  }
0x60: {  	[spmem:s2] =	stream.indirect.scatter.add.f32 [tilespmem:s11], [sflag:$0x1], $0x1, s31, s10, $0xb8;
	[tilespmem:$0x3180] =	vst v63  }
0x61: {  	_ =	swait.ge [sflag:s13], $0x80  }
0x62: {  	[sflag:s13] =	ssyncset.done $0x0  }
0x63: {  	[sflag:s13] =	ssyncadd.s32 $0xFFFFFF80  }
0x64: {  	_ =	swait.ge [sflag:s12], $0x80  }
0x65: {  	s18 =	sadd.s32 $0x1, s18;
	[sflag:s12] =	ssyncset.done $0x0  }
0x66: {  	p0 =	sne.s32 s18, s7;
	[sflag:s12] =	ssyncadd.s32 $0xFFFFFF80  }
.Ltmp1:
0x67: {  	[bflag:$0x0] =	sbarrier.arrive $0xFFFF;
	(pc) =	sbr.rel @p0 .LBB2_1-.Ltmp1, $4  }
0x68: {  	[hbm:s6@s16], [sflag:s14] =	dma.strided [spmem:s15@s17], $0x50, s12, $0x10   }
0x69: {  	_ =	swait.ge [sflag:s9], $0x50  }
0x6a: {  	[sflag:s9] =	ssyncset.done $0x0  }
0x6b: {  	[sflag:s9] =	ssyncadd.s32 $0xFFFFFFB0  }
0x6c: {  	_ =	sfence.sel $0x180000  }
0x6d: {  	[bflag:$0x0] =	sbarrier.arrive $0xFFFF  }
0x6e: {  	p0 =	sne.s32 s1, $0x0;
	_ =	strace $0x90000047  }
0x6f: {  	s0 =	sadd.s32 @!p0 $0x100000, s0;
	[bflag:$0x2] =	sbarrier.arrive $0xFFFF  }
0x70: {  	[sflag:s0] =	ssyncadd.tile.s32 @!p0 $0x1;
	_ =	shalt  }
.Lfunc_end2:
_tile_overlayer_lowered:
.L_overlay_start_2:
0x71: {  	(tag) =	ssettag $0x2  }
0x72: {  	s0 =	rddreg [dreg:$0x0];
	s2 =	stileid.u32  }
0x73: {  	s1 =	rddreg [dreg:$0x1];
	p0 =	sne.s32 s2, $0x0  }
0x74: {  	s3 =	rddreg [dreg:$0x2];
	[bflag:$0x3] =	sbarrier.arrive $0xFFFF;
	s2 =	simm.s32 @!p0 $0x1C03  }
0x75: {  	[timem:s3], [sflag:s2] =	dma.local @!p0 [hbm:s0], s1  }
0x76: {  	s0 =	simm.s32 @!p0 $0x3  }
0x77: {  	_ =	swait.ge @!p0 [sflag:s0], s1  }
0x78: {  	s1 =	ssub.s32 @!p0 $0x0, s1;
	[sflag:s0] =	ssyncset.done @!p0 $0x0  }
0x79: {  	[sflag:s0] =	ssyncadd.s32 @!p0 s1  }
0x7a: {  	[bflag:$0x3] =	sbarrier.arrive $0xFFFF  }
0x7b: {  	_ =	shalt  }

</sc_bundles>
